<compile_context>
chip_gen: v7x
topology: tpu7x:2x2x1
jax: 0.10.2.dev20260603
libtpu: 0.0.44.dev20260713+nightly
codegen_flags: <defaults>
</compile_context>

<pallas_src>
import functools

import jax
import jax.numpy as jnp
from jax import lax
from jax.experimental import pallas as pl
from jax.experimental.pallas import tpu as pltpu
from jax.experimental.pallas import tpu_sc as plsc

N = 10000
D = 128
E = 320000
N_GRAPHS = 64
N_LAYERS = 3

NP = 10240
BLK = 256
NB = NP // BLK

NC = 2
NS = 16
NW = NC * NS
CHUNK = 128
NBUF = 2
NCHUNK = 80
IB = 16
NIB = NCHUNK // IB
EPT = NCHUNK * CHUNK
E_PAD = NW * EPT
ROWS_PT = NP // NS

_MESH = plsc.VectorSubcoreMesh(
    core_axis_name="c", subcore_axis_name="s", num_cores=NC, num_subcores=NS
)



@functools.partial(
    pl.kernel,
    out_type=jax.ShapeDtypeStruct((NC, NP, 16), jnp.float32),
    mesh=_MESH,
    scratch_types=[
        pltpu.VMEM((NCHUNK, CHUNK), jnp.int32),
        pltpu.VMEM((CHUNK, 16), jnp.float32),
        pltpu.VMEM_SHARED((NP, 16), jnp.float32),
    ],
)
def _sc_degree(dst_hbm, out_hbm, idx_d, buf, acc):
    c = lax.axis_index("c")
    s = lax.axis_index("s")
    wid = c * NS + s

    def zero_row(i, _):
        buf[i, :] = jnp.zeros((16,), jnp.float32)
        return 0

    lax.fori_loop(0, CHUNK, zero_row, 0)
    for k in range(ROWS_PT // CHUNK):
        pltpu.sync_copy(buf, acc.at[pl.ds(s * ROWS_PT + k * CHUNK, CHUNK)])

    def one_row(i, _):
        buf[i, :] = jnp.ones((16,), jnp.float32)
        return 0

    lax.fori_loop(0, CHUNK, one_row, 0)
    pltpu.sync_copy(dst_hbm.at[wid], idx_d)
    plsc.subcore_barrier()

    def body(j, _):
        pltpu.sync_copy(buf, acc.at[idx_d.at[j]], add=True)
        return 0

    lax.fori_loop(0, NCHUNK, body, 0)
    plsc.subcore_barrier()
    pltpu.sync_copy(acc.at[pl.ds(s * ROWS_PT, ROWS_PT)],
                    out_hbm.at[c, pl.ds(s * ROWS_PT, ROWS_PT)])


@functools.partial(
    pl.kernel,
    out_type=jax.ShapeDtypeStruct((NC, NP, D), jnp.float32),
    mesh=_MESH,
    scratch_types=[
        pltpu.VMEM((NCHUNK, CHUNK), jnp.int32),
        pltpu.VMEM((NCHUNK, CHUNK), jnp.int32),
        pltpu.VMEM((CHUNK, D), jnp.float32),
        pltpu.VMEM_SHARED((NP, D), jnp.float32),
        pltpu.SemaphoreType.DMA,
    ],
)
def _sc_segsum(src_hbm, dst_hbm, g_hbm, out_hbm, idx_s, idx_d, rows,
               acc, sem):
    c = lax.axis_index("c")
    s = lax.axis_index("s")
    wid = c * NS + s

    def zero_row(i, _):
        for j in range(D // 16):
            rows[i, pl.ds(j * 16, 16)] = jnp.zeros((16,), jnp.float32)
        return 0

    lax.fori_loop(0, CHUNK, zero_row, 0)
    for k in range(ROWS_PT // CHUNK):
        pltpu.sync_copy(rows, acc.at[pl.ds(s * ROWS_PT + k * CHUNK, CHUNK)])
    pltpu.sync_copy(src_hbm.at[wid], idx_s)
    pltpu.sync_copy(dst_hbm.at[wid], idx_d)
    plsc.subcore_barrier()

    def body(k, _):
        pltpu.async_copy(g_hbm.at[idx_s.at[k]], rows, sem).wait()
        pltpu.sync_copy(rows, acc.at[idx_d.at[k]], add=True)
        return 0

    lax.fori_loop(0, NCHUNK, body, 0)
    plsc.subcore_barrier()
    pltpu.sync_copy(acc.at[pl.ds(s * ROWS_PT, ROWS_PT)],
                    out_hbm.at[c, pl.ds(s * ROWS_PT, ROWS_PT)])



def _dinv(d0, d1):
    return lax.rsqrt(d0 + d1 + 1.0)


def _prologue(x_p, W_in, b_in, W0, d0, d1):
    def body(x_ref, w_ref, b_ref, w0_ref, d0_ref, d1_ref, h_ref, g_ref):
        dinv = _dinv(d0_ref[...], d1_ref[...])
        h = jnp.dot(x_ref[...], w_ref[...],
                    preferred_element_type=jnp.float32) + b_ref[...]
        h_ref[...] = h
        g_ref[...] = jnp.dot(h, w0_ref[...],
                             preferred_element_type=jnp.float32) * dinv

    return pl.pallas_call(
        body,
        grid=(NB,),
        in_specs=[
            pl.BlockSpec((BLK, D), lambda i: (i, 0)),
            pl.BlockSpec((D, D), lambda i: (0, 0)),
            pl.BlockSpec((1, D), lambda i: (0, 0)),
            pl.BlockSpec((D, D), lambda i: (0, 0)),
            pl.BlockSpec((BLK, 1), lambda i: (i, 0)),
            pl.BlockSpec((BLK, 1), lambda i: (i, 0)),
        ],
        out_specs=[pl.BlockSpec((BLK, D), lambda i: (i, 0))] * 2,
        out_shape=[jax.ShapeDtypeStruct((NP, D), jnp.float32)] * 2,
    )(x_p, W_in, b_in, W0, d0, d1)


def _layer_body(h, g, s2, d0, d1, cb, lns, lnb):
    dinv = _dinv(d0, d1)
    t = (s2[0] + s2[1] + g) * dinv + cb + h
    t = jnp.maximum(t, 0.0)
    mu = jnp.mean(t, axis=-1, keepdims=True)
    var = jnp.mean((t - mu) ** 2, axis=-1, keepdims=True)
    return (t - mu) * lax.rsqrt(var + 1e-5) * lns + lnb, dinv


def _mid_layer(h, g, S, d0, d1, cb, lns, lnb, W_next):
    def body(h_ref, g_ref, s_ref, d0_ref, d1_ref, cb_ref, lns_ref,
             lnb_ref, w_ref, h_out, g_out):
        t, dinv = _layer_body(h_ref[...], g_ref[...], s_ref[...],
                              d0_ref[...], d1_ref[...], cb_ref[...],
                              lns_ref[...], lnb_ref[...])
        h_out[...] = t
        g_out[...] = jnp.dot(t, w_ref[...],
                             preferred_element_type=jnp.float32) * dinv

    return pl.pallas_call(
        body,
        grid=(NB,),
        in_specs=[
            pl.BlockSpec((BLK, D), lambda i: (i, 0)),
            pl.BlockSpec((BLK, D), lambda i: (i, 0)),
            pl.BlockSpec((NC, BLK, D), lambda i: (0, i, 0)),
            pl.BlockSpec((BLK, 1), lambda i: (i, 0)),
            pl.BlockSpec((BLK, 1), lambda i: (i, 0)),
            pl.BlockSpec((1, D), lambda i: (0, 0)),
            pl.BlockSpec((1, D), lambda i: (0, 0)),
            pl.BlockSpec((1, D), lambda i: (0, 0)),
            pl.BlockSpec((D, D), lambda i: (0, 0)),
        ],
        out_specs=[pl.BlockSpec((BLK, D), lambda i: (i, 0))] * 2,
        out_shape=[jax.ShapeDtypeStruct((NP, D), jnp.float32)] * 2,
    )(h, g, S, d0, d1, cb, lns, lnb, W_next)


def _epilogue(h, g, S, d0, d1, cb, lns, lnb, batch_p, W1, b1, W2p, b2p):
    def body(h_ref, g_ref, s_ref, d0_ref, d1_ref, cb_ref, lns_ref,
             lnb_ref, bt_ref, w1_ref, b1_ref, w2_ref, b2_ref, out_ref,
             acc_ref):
        i = pl.program_id(0)
        t, _ = _layer_body(h_ref[...], g_ref[...], s_ref[...],
                           d0_ref[...], d1_ref[...], cb_ref[...],
                           lns_ref[...], lnb_ref[...])

        @pl.when(i == 0)
        def _():
            acc_ref[...] = jnp.full((N_GRAPHS, D), -jnp.inf, jnp.float32)

        b = bt_ref[...]
        bmin = jnp.min(b)
        bmax = jnp.minimum(jnp.max(b), N_GRAPHS - 1)

        def gbody(gi, _):
            m = jnp.max(jnp.where(b == gi, t, -jnp.inf), axis=0)
            row = acc_ref[pl.ds(gi, 1), :]
            acc_ref[pl.ds(gi, 1), :] = jnp.maximum(row, m[None, :])
            return 0

        lax.fori_loop(bmin, bmax + 1, gbody, 0)

        @pl.when(i == NB - 1)
        def _():
            hp = acc_ref[...]
            hp = jnp.where(hp == -jnp.inf, 0.0, hp)
            z = jnp.maximum(
                jnp.dot(hp, w1_ref[...], preferred_element_type=jnp.float32)
                + b1_ref[...], 0.0)
            out_ref[...] = jnp.dot(
                z, w2_ref[...], preferred_element_type=jnp.float32) + b2_ref[...]

    return pl.pallas_call(
        body,
        grid=(NB,),
        in_specs=[
            pl.BlockSpec((BLK, D), lambda i: (i, 0)),
            pl.BlockSpec((BLK, D), lambda i: (i, 0)),
            pl.BlockSpec((NC, BLK, D), lambda i: (0, i, 0)),
            pl.BlockSpec((BLK, 1), lambda i: (i, 0)),
            pl.BlockSpec((BLK, 1), lambda i: (i, 0)),
            pl.BlockSpec((1, D), lambda i: (0, 0)),
            pl.BlockSpec((1, D), lambda i: (0, 0)),
            pl.BlockSpec((1, D), lambda i: (0, 0)),
            pl.BlockSpec((BLK, 1), lambda i: (i, 0)),
            pl.BlockSpec((D, D), lambda i: (0, 0)),
            pl.BlockSpec((1, D), lambda i: (0, 0)),
            pl.BlockSpec((D, D), lambda i: (0, 0)),
            pl.BlockSpec((1, D), lambda i: (0, 0)),
        ],
        out_specs=pl.BlockSpec((N_GRAPHS, D), lambda i: (0, 0)),
        out_shape=jax.ShapeDtypeStruct((N_GRAPHS, D), jnp.float32),
        scratch_shapes=[pltpu.VMEM((N_GRAPHS, D), jnp.float32)],
    )(h, g, S, d0, d1, cb, lns, lnb, batch_p, W1, b1, W2p, b2p)



def kernel(x, edge_index, batch, W_in, b_in, conv_W, conv_b, ln_scale,
           ln_bias, cls_W1, cls_b1, cls_W2, cls_b2):
    x_p = jnp.pad(x, ((0, NP - N), (0, 0)))
    src = edge_index[0].astype(jnp.int32)
    dst = edge_index[1].astype(jnp.int32)
    pad_e = E_PAD - E
    pad_i = N + jnp.arange(pad_e, dtype=jnp.int32) % (NP - N)
    src_p = jnp.concatenate([src, pad_i])
    dst_p = jnp.concatenate([dst, pad_i])
    src3 = src_p.reshape(NW, NCHUNK, CHUNK)
    dst3 = dst_p.reshape(NW, NCHUNK, CHUNK)

    batch_p = jnp.concatenate(
        [batch.astype(jnp.int32), jnp.full((NP - N,), 2 ** 20, jnp.int32)]
    ).reshape(NP, 1)

    b_in2 = b_in.reshape(1, D)
    cb = conv_b.reshape(N_LAYERS, 1, D)
    lns = ln_scale.reshape(N_LAYERS, 1, D)
    lnb = ln_bias.reshape(N_LAYERS, 1, D)
    b1 = cls_b1.reshape(1, D)
    W2p = jnp.pad(cls_W2, ((0, 0), (0, D - cls_W2.shape[1])))
    b2p = jnp.pad(cls_b2, (0, D - cls_b2.shape[0])).reshape(1, D)

    degp = _sc_degree(dst3)
    d0 = degp[0, :, 0:1]
    d1 = degp[1, :, 0:1]

    h, g = _prologue(x_p, W_in, b_in2, conv_W[0], d0, d1)
    for i in range(N_LAYERS):
        S = _sc_segsum(src3, dst3, g)
        if i < N_LAYERS - 1:
            h, g = _mid_layer(h, g, S, d0, d1, cb[i], lns[i], lnb[i],
                              conv_W[i + 1])
        else:
            out = _epilogue(h, g, S, d0, d1, cb[i], lns[i], lnb[i],
                            batch_p, cls_W1, b1, W2p, b2p)
    return out[:, :cls_W2.shape[1]]

# --- scband reference (transcript-rebuilt; emitter-appended) ---
"""Pipeline reference for scband-gnn-classifier-41515153883477 (READ-ONLY COPY).

The authoritative reference and input builder live on the scoring server;
editing this copy changes nothing except your own understanding.
"""

import jax, jax.numpy as jnp
import numpy as np

N = 10000
E = 320000
D_IN = 128
D_H = 128
N_CLASSES = 4
N_LAYERS = 3
N_GRAPHS = 64


def setup_inputs(seed: int = 0) -> dict:
    key = jax.random.key(seed)
    ks = jax.random.split(key, 16)
    x = jax.random.normal(ks[0], (N, D_IN), dtype=jnp.float32)
    edge_index = jax.random.randint(ks[1], (2, E), 0, N)
    batch = jnp.sort(jax.random.randint(ks[2], (N,), 0, N_GRAPHS))
    W_in = jax.random.normal(ks[3], (D_IN, D_H), dtype=jnp.float32) * 0.05
    b_in = jnp.zeros((D_H,), dtype=jnp.float32)
    conv_W = jax.random.normal(ks[4], (N_LAYERS, D_H, D_H), dtype=jnp.float32) * 0.05
    conv_b = jnp.zeros((N_LAYERS, D_H), dtype=jnp.float32)
    ln_scale = jnp.ones((N_LAYERS, D_H), dtype=jnp.float32)
    ln_bias = jnp.zeros((N_LAYERS, D_H), dtype=jnp.float32)
    cls_W1 = jax.random.normal(ks[5], (D_H, D_H), dtype=jnp.float32) * 0.05
    cls_b1 = jnp.zeros((D_H,), dtype=jnp.float32)
    cls_W2 = jax.random.normal(ks[6], (D_H, N_CLASSES), dtype=jnp.float32) * 0.05
    cls_b2 = jnp.zeros((N_CLASSES,), dtype=jnp.float32)
    return {"x": x, "edge_index": edge_index, "batch": batch, "W_in": W_in, "b_in": b_in,
            "conv_W": conv_W, "conv_b": conv_b, "ln_scale": ln_scale, "ln_bias": ln_bias,
            "cls_W1": cls_W1, "cls_b1": cls_b1, "cls_W2": cls_W2, "cls_b2": cls_b2}


def _layer_norm(h, scale, bias, eps=1e-5):
    mu = jnp.mean(h, axis=-1, keepdims=True)
    var = jnp.mean((h - mu) ** 2, axis=-1, keepdims=True)
    return (h - mu) / jnp.sqrt(var + eps) * scale + bias


def reference(x, edge_index, batch, W_in, b_in, conv_W, conv_b, ln_scale, ln_bias, cls_W1, cls_b1, cls_W2, cls_b2):
    # GCN normalization with self-loops (PyG GCNConv semantics)
    loop = jnp.arange(N, dtype=edge_index.dtype)
    src = jnp.concatenate([edge_index[0], loop])
    dst = jnp.concatenate([edge_index[1], loop])
    deg = jnp.zeros((N,), dtype=jnp.float32).at[dst].add(1.0)
    dinv = jnp.where(deg > 0, jax.lax.rsqrt(deg), 0.0)
    norm = dinv[src] * dinv[dst]

    h = x @ W_in + b_in
    for i in range(N_LAYERS):
        hW = h @ conv_W[i]
        msgs = hW[src] * norm[:, None]
        h_new = jax.ops.segment_sum(msgs, dst, num_segments=N) + conv_b[i]
        h = h_new + h  # residual (shapes match)
        h = jax.nn.relu(h)
        h = _layer_norm(h, ln_scale[i], ln_bias[i])
        # dropout skipped (eval mode)

    hp = jax.ops.segment_max(h, batch, num_segments=N_GRAPHS)
    hp = jnp.where(jnp.isneginf(hp), 0.0, hp)  # guard empty segments
    out = jax.nn.relu(hp @ cls_W1 + cls_b1) @ cls_W2 + cls_b2
    return out

if __name__ == "__main__":
    import jax
    _d = setup_inputs()
    print(jax.jit(kernel)(*tuple(_d.values())))

</pallas_src>

<mosaic_0001>
#map = affine_map<(d0, d1) -> (0, 0, 0)>
#map1 = affine_map<(d0, d1) -> (0, 0)>
module attributes {stable_mosaic.version = 14 : i64} {
  func.func @_sc_segsum(%arg0: i32, %arg1: i32, %arg2: memref<32x80x128xi32, #tpu.memory_space<hbm>>, %arg3: memref<32x80x128xi32, #tpu.memory_space<hbm>>, %arg4: memref<10240x128xf32, #tpu.memory_space<hbm>>, %arg5: memref<2x10240x128xf32, #tpu.memory_space<hbm>>, %arg6: memref<80x128xi32, #tpu.memory_space<vmem>>, %arg7: memref<80x128xi32, #tpu.memory_space<vmem>>, %arg8: memref<128x128xf32, #tpu.memory_space<vmem>>, %arg9: memref<10240x128xf32, #tpu.memory_space<vmem_shared>>, %arg10: memref<!tpu.dma_semaphore, #tpu.memory_space<semaphore_mem>>) attributes {dimension_semantics = [#tpu.dimension_semantics<core_parallel>, #tpu.dimension_semantics<subcore_parallel>], iteration_bounds = array<i64: 2, 16>, scalar_prefetch = 0 : i64, scratch_operands = 5 : i64, tpu.core_type = #tpu.core_type<sc_vector_subcore>, window_params = [{transform_indices = #map}, {transform_indices = #map}, {transform_indices = #map1}, {transform_indices = #map}]} {
    %mul3A = arith.constant 16 : i32
    %mul3A_0 = arith.muli %arg0, %mul3A : i32
    %add3A = arith.addi %mul3A_0, %arg1 : i32
    %scan3A = arith.constant 0 : i32
    %scan3A_1 = arith.constant 0 : i32
    %scan3A_2 = arith.constant 128 : i32
    %scan3A_3 = arith.addi %scan3A_1, %scan3A_2 : i32
    %scan3A_4 = arith.constant 1 : i32
    %scan3A_5 = scf.for %scan3A_39 = %scan3A_1 to %scan3A_3 step %scan3A_4 iter_args(%scan3A_40 = %scan3A) -> (i32)  : i32 {
      %broadcast_in_dim3A = arith.constant 0.000000e+00 : f32
      %broadcast_in_dim3A_41 = vector.broadcast %broadcast_in_dim3A : f32 to vector<16xf32>
      %swap3A = arith.index_cast %scan3A_39 : i32 to index
      %swap3A_42 = arith.constant 0 : index
      %swap3A_43 = tpu.vector_load %arg8[%swap3A, %swap3A_42] {strides = array<i32>} : memref<128x128xf32, #tpu.memory_space<vmem>>, vector<1x16xf32>,
      %swap3A_44 = vector.shape_cast %swap3A_43 : vector<1x16xf32> to vector<16xf32>
      %swap3A_45 = vector.shape_cast %broadcast_in_dim3A_41 : vector<16xf32> to vector<1x16xf32>
      tpu.vector_store %arg8[%swap3A, %swap3A_42], %swap3A_45 {strides = array<i32>} : memref<128x128xf32, #tpu.memory_space<vmem>>, vector<1x16xf32>,
      %broadcast_in_dim3A_46 = arith.constant 0.000000e+00 : f32
      %broadcast_in_dim3A_47 = vector.broadcast %broadcast_in_dim3A_46 : f32 to vector<16xf32>
      %swap3A_48 = arith.index_cast %scan3A_39 : i32 to index
      %swap3A_49 = arith.constant 16 : index
      %swap3A_50 = tpu.vector_load %arg8[%swap3A_48, %swap3A_49] {strides = array<i32>} : memref<128x128xf32, #tpu.memory_space<vmem>>, vector<1x16xf32>,
      %swap3A_51 = vector.shape_cast %swap3A_50 : vector<1x16xf32> to vector<16xf32>
      %swap3A_52 = vector.shape_cast %broadcast_in_dim3A_47 : vector<16xf32> to vector<1x16xf32>
      tpu.vector_store %arg8[%swap3A_48, %swap3A_49], %swap3A_52 {strides = array<i32>} : memref<128x128xf32, #tpu.memory_space<vmem>>, vector<1x16xf32>,
      %broadcast_in_dim3A_53 = arith.constant 0.000000e+00 : f32
      %broadcast_in_dim3A_54 = vector.broadcast %broadcast_in_dim3A_53 : f32 to vector<16xf32>
      %swap3A_55 = arith.index_cast %scan3A_39 : i32 to index
      %swap3A_56 = arith.constant 32 : index
      %swap3A_57 = tpu.vector_load %arg8[%swap3A_55, %swap3A_56] {strides = array<i32>} : memref<128x128xf32, #tpu.memory_space<vmem>>, vector<1x16xf32>,
      %swap3A_58 = vector.shape_cast %swap3A_57 : vector<1x16xf32> to vector<16xf32>
      %swap3A_59 = vector.shape_cast %broadcast_in_dim3A_54 : vector<16xf32> to vector<1x16xf32>
      tpu.vector_store %arg8[%swap3A_55, %swap3A_56], %swap3A_59 {strides = array<i32>} : memref<128x128xf32, #tpu.memory_space<vmem>>, vector<1x16xf32>,
      %broadcast_in_dim3A_60 = arith.constant 0.000000e+00 : f32
      %broadcast_in_dim3A_61 = vector.broadcast %broadcast_in_dim3A_60 : f32 to vector<16xf32>
      %swap3A_62 = arith.index_cast %scan3A_39 : i32 to index
      %swap3A_63 = arith.constant 48 : index
      %swap3A_64 = tpu.vector_load %arg8[%swap3A_62, %swap3A_63] {strides = array<i32>} : memref<128x128xf32, #tpu.memory_space<vmem>>, vector<1x16xf32>,
      %swap3A_65 = vector.shape_cast %swap3A_64 : vector<1x16xf32> to vector<16xf32>
      %swap3A_66 = vector.shape_cast %broadcast_in_dim3A_61 : vector<16xf32> to vector<1x16xf32>
      tpu.vector_store %arg8[%swap3A_62, %swap3A_63], %swap3A_66 {strides = array<i32>} : memref<128x128xf32, #tpu.memory_space<vmem>>, vector<1x16xf32>,
      %broadcast_in_dim3A_67 = arith.constant 0.000000e+00 : f32
      %broadcast_in_dim3A_68 = vector.broadcast %broadcast_in_dim3A_67 : f32 to vector<16xf32>
      %swap3A_69 = arith.index_cast %scan3A_39 : i32 to index
      %swap3A_70 = arith.constant 64 : index
      %swap3A_71 = tpu.vector_load %arg8[%swap3A_69, %swap3A_70] {strides = array<i32>} : memref<128x128xf32, #tpu.memory_space<vmem>>, vector<1x16xf32>,
      %swap3A_72 = vector.shape_cast %swap3A_71 : vector<1x16xf32> to vector<16xf32>
      %swap3A_73 = vector.shape_cast %broadcast_in_dim3A_68 : vector<16xf32> to vector<1x16xf32>
      tpu.vector_store %arg8[%swap3A_69, %swap3A_70], %swap3A_73 {strides = array<i32>} : memref<128x128xf32, #tpu.memory_space<vmem>>, vector<1x16xf32>,
      %broadcast_in_dim3A_74 = arith.constant 0.000000e+00 : f32
      %broadcast_in_dim3A_75 = vector.broadcast %broadcast_in_dim3A_74 : f32 to vector<16xf32>
      %swap3A_76 = arith.index_cast %scan3A_39 : i32 to index
      %swap3A_77 = arith.constant 80 : index
      %swap3A_78 = tpu.vector_load %arg8[%swap3A_76, %swap3A_77] {strides = array<i32>} : memref<128x128xf32, #tpu.memory_space<vmem>>, vector<1x16xf32>,
      %swap3A_79 = vector.shape_cast %swap3A_78 : vector<1x16xf32> to vector<16xf32>
      %swap3A_80 = vector.shape_cast %broadcast_in_dim3A_75 : vector<16xf32> to vector<1x16xf32>
      tpu.vector_store %arg8[%swap3A_76, %swap3A_77], %swap3A_80 {strides = array<i32>} : memref<128x128xf32, #tpu.memory_space<vmem>>, vector<1x16xf32>,
      %broadcast_in_dim3A_81 = arith.constant 0.000000e+00 : f32
      %broadcast_in_dim3A_82 = vector.broadcast %broadcast_in_dim3A_81 : f32 to vector<16xf32>
      %swap3A_83 = arith.index_cast %scan3A_39 : i32 to index
      %swap3A_84 = arith.constant 96 : index
      %swap3A_85 = tpu.vector_load %arg8[%swap3A_83, %swap3A_84] {strides = array<i32>} : memref<128x128xf32, #tpu.memory_space<vmem>>, vector<1x16xf32>,
      %swap3A_86 = vector.shape_cast %swap3A_85 : vector<1x16xf32> to vector<16xf32>
      %swap3A_87 = vector.shape_cast %broadcast_in_dim3A_82 : vector<16xf32> to vector<1x16xf32>
      tpu.vector_store %arg8[%swap3A_83, %swap3A_84], %swap3A_87 {strides = array<i32>} : memref<128x128xf32, #tpu.memory_space<vmem>>, vector<1x16xf32>,
      %broadcast_in_dim3A_88 = arith.constant 0.000000e+00 : f32
      %broadcast_in_dim3A_89 = vector.broadcast %broadcast_in_dim3A_88 : f32 to vector<16xf32>
      %swap3A_90 = arith.index_cast %scan3A_39 : i32 to index
      %swap3A_91 = arith.constant 112 : index
      %swap3A_92 = tpu.vector_load %arg8[%swap3A_90, %swap3A_91] {strides = array<i32>} : memref<128x128xf32, #tpu.memory_space<vmem>>, vector<1x16xf32>,
      %swap3A_93 = vector.shape_cast %swap3A_92 : vector<1x16xf32> to vector<16xf32>
      %swap3A_94 = vector.shape_cast %broadcast_in_dim3A_89 : vector<16xf32> to vector<1x16xf32>
      tpu.vector_store %arg8[%swap3A_90, %swap3A_91], %swap3A_94 {strides = array<i32>} : memref<128x128xf32, #tpu.memory_space<vmem>>, vector<1x16xf32>,
      %scan3A_95 = arith.constant 0 : i32
      scf.yield %scan3A_95 : i32
    }
    %scan3A_6 = arith.constant 128 : i32
    %mul3A_7 = arith.constant 640 : i32
    %mul3A_8 = arith.muli %arg1, %mul3A_7 : i32
    %add3A_9 = arith.constant 0 : i32
    %add3A_10 = arith.addi %mul3A_8, %add3A_9 : i32
    "tpu.region"() ({
      %run_scoped3A = tpu.sem_alloc : memref<!tpu.dma_semaphore, #tpu.memory_space<semaphore_mem>>
      %dma_start3A = arith.constant 0 : i32
      %dma_start3A_39 = tpu.memref_slice %arg9[%add3A_10, %dma_start3A] : memref<10240x128xf32, #tpu.memory_space<vmem_shared>> -> memref<128x128xf32, #tpu.memory_space<vmem_shared>>
      %dma_start3A_40 = arith.constant 0 : i32
      %dma_start3A_41 = tpu.memref_slice %arg9[%add3A_10, %dma_start3A_40] : memref<10240x128xf32, #tpu.memory_space<vmem_shared>> -> memref<128x128xf32, #tpu.memory_space<vmem_shared>>
      tpu.enqueue_dma source(%arg8 : memref<128x128xf32, #tpu.memory_space<vmem>>) target(%dma_start3A_41 : memref<128x128xf32, #tpu.memory_space<vmem_shared>>) target_semaphore(%run_scoped3A : memref<!tpu.dma_semaphore, #tpu.memory_space<semaphore_mem>>)
      %dma_wait3A = arith.constant 0 : i32
      %dma_wait3A_42 = tpu.memref_slice %arg9[%add3A_10, %dma_wait3A] : memref<10240x128xf32, #tpu.memory_space<vmem_shared>> -> memref<128x128xf32, #tpu.memory_space<vmem_shared>>
      %dma_wait3A_43 = arith.constant 0 : i32
      %dma_wait3A_44 = tpu.memref_slice %arg9[%add3A_10, %dma_wait3A_43] : memref<10240x128xf32, #tpu.memory_space<vmem_shared>> -> memref<128x128xf32, #tpu.memory_space<vmem_shared>>
      tpu.wait_dma2 semaphore(%run_scoped3A : memref<!tpu.dma_semaphore, #tpu.memory_space<semaphore_mem>>) src(%arg8 : memref<128x128xf32, #tpu.memory_space<vmem>>) dst(%dma_wait3A_44 : memref<128x128xf32, #tpu.memory_space<vmem_shared>>)
      tpu.yield
    }) : () -> ()
    %mul3A_11 = arith.constant 640 : i32
    %mul3A_12 = arith.muli %arg1, %mul3A_11 : i32
    %add3A_13 = arith.constant 128 : i32
    %add3A_14 = arith.addi %mul3A_12, %add3A_13 : i32
    "tpu.region"() ({
      %run_scoped3A = tpu.sem_alloc : memref<!tpu.dma_semaphore, #tpu.memory_space<semaphore_mem>>
      %dma_start3A = arith.constant 0 : i32
      %dma_start3A_39 = tpu.memref_slice %arg9[%add3A_14, %dma_start3A] : memref<10240x128xf32, #tpu.memory_space<vmem_shared>> -> memref<128x128xf32, #tpu.memory_space<vmem_shared>>
      %dma_start3A_40 = arith.constant 0 : i32
      %dma_start3A_41 = tpu.memref_slice %arg9[%add3A_14, %dma_start3A_40] : memref<10240x128xf32, #tpu.memory_space<vmem_shared>> -> memref<128x128xf32, #tpu.memory_space<vmem_shared>>
      tpu.enqueue_dma source(%arg8 : memref<128x128xf32, #tpu.memory_space<vmem>>) target(%dma_start3A_41 : memref<128x128xf32, #tpu.memory_space<vmem_shared>>) target_semaphore(%run_scoped3A : memref<!tpu.dma_semaphore, #tpu.memory_space<semaphore_mem>>)
      %dma_wait3A = arith.constant 0 : i32
      %dma_wait3A_42 = tpu.memref_slice %arg9[%add3A_14, %dma_wait3A] : memref<10240x128xf32, #tpu.memory_space<vmem_shared>> -> memref<128x128xf32, #tpu.memory_space<vmem_shared>>
      %dma_wait3A_43 = arith.constant 0 : i32
      %dma_wait3A_44 = tpu.memref_slice %arg9[%add3A_14, %dma_wait3A_43] : memref<10240x128xf32, #tpu.memory_space<vmem_shared>> -> memref<128x128xf32, #tpu.memory_space<vmem_shared>>
      tpu.wait_dma2 semaphore(%run_scoped3A : memref<!tpu.dma_semaphore, #tpu.memory_space<semaphore_mem>>) src(%arg8 : memref<128x128xf32, #tpu.memory_space<vmem>>) dst(%dma_wait3A_44 : memref<128x128xf32, #tpu.memory_space<vmem_shared>>)
      tpu.yield
    }) : () -> ()
    %mul3A_15 = arith.constant 640 : i32
    %mul3A_16 = arith.muli %arg1, %mul3A_15 : i32
    %add3A_17 = arith.constant 256 : i32
    %add3A_18 = arith.addi %mul3A_16, %add3A_17 : i32
    "tpu.region"() ({
      %run_scoped3A = tpu.sem_alloc : memref<!tpu.dma_semaphore, #tpu.memory_space<semaphore_mem>>
      %dma_start3A = arith.constant 0 : i32
      %dma_start3A_39 = tpu.memref_slice %arg9[%add3A_18, %dma_start3A] : memref<10240x128xf32, #tpu.memory_space<vmem_shared>> -> memref<128x128xf32, #tpu.memory_space<vmem_shared>>
      %dma_start3A_40 = arith.constant 0 : i32
      %dma_start3A_41 = tpu.memref_slice %arg9[%add3A_18, %dma_start3A_40] : memref<10240x128xf32, #tpu.memory_space<vmem_shared>> -> memref<128x128xf32, #tpu.memory_space<vmem_shared>>
      tpu.enqueue_dma source(%arg8 : memref<128x128xf32, #tpu.memory_space<vmem>>) target(%dma_start3A_41 : memref<128x128xf32, #tpu.memory_space<vmem_shared>>) target_semaphore(%run_scoped3A : memref<!tpu.dma_semaphore, #tpu.memory_space<semaphore_mem>>)
      %dma_wait3A = arith.constant 0 : i32
      %dma_wait3A_42 = tpu.memref_slice %arg9[%add3A_18, %dma_wait3A] : memref<10240x128xf32, #tpu.memory_space<vmem_shared>> -> memref<128x128xf32, #tpu.memory_space<vmem_shared>>
      %dma_wait3A_43 = arith.constant 0 : i32
      %dma_wait3A_44 = tpu.memref_slice %arg9[%add3A_18, %dma_wait3A_43] : memref<10240x128xf32, #tpu.memory_space<vmem_shared>> -> memref<128x128xf32, #tpu.memory_space<vmem_shared>>
      tpu.wait_dma2 semaphore(%run_scoped3A : memref<!tpu.dma_semaphore, #tpu.memory_space<semaphore_mem>>) src(%arg8 : memref<128x128xf32, #tpu.memory_space<vmem>>) dst(%dma_wait3A_44 : memref<128x128xf32, #tpu.memory_space<vmem_shared>>)
      tpu.yield
    }) : () -> ()
    %mul3A_19 = arith.constant 640 : i32
    %mul3A_20 = arith.muli %arg1, %mul3A_19 : i32
    %add3A_21 = arith.constant 384 : i32
    %add3A_22 = arith.addi %mul3A_20, %add3A_21 : i32
    "tpu.region"() ({
      %run_scoped3A = tpu.sem_alloc : memref<!tpu.dma_semaphore, #tpu.memory_space<semaphore_mem>>
      %dma_start3A = arith.constant 0 : i32
      %dma_start3A_39 = tpu.memref_slice %arg9[%add3A_22, %dma_start3A] : memref<10240x128xf32, #tpu.memory_space<vmem_shared>> -> memref<128x128xf32, #tpu.memory_space<vmem_shared>>
      %dma_start3A_40 = arith.constant 0 : i32
      %dma_start3A_41 = tpu.memref_slice %arg9[%add3A_22, %dma_start3A_40] : memref<10240x128xf32, #tpu.memory_space<vmem_shared>> -> memref<128x128xf32, #tpu.memory_space<vmem_shared>>
      tpu.enqueue_dma source(%arg8 : memref<128x128xf32, #tpu.memory_space<vmem>>) target(%dma_start3A_41 : memref<128x128xf32, #tpu.memory_space<vmem_shared>>) target_semaphore(%run_scoped3A : memref<!tpu.dma_semaphore, #tpu.memory_space<semaphore_mem>>)
      %dma_wait3A = arith.constant 0 : i32
      %dma_wait3A_42 = tpu.memref_slice %arg9[%add3A_22, %dma_wait3A] : memref<10240x128xf32, #tpu.memory_space<vmem_shared>> -> memref<128x128xf32, #tpu.memory_space<vmem_shared>>
      %dma_wait3A_43 = arith.constant 0 : i32
      %dma_wait3A_44 = tpu.memref_slice %arg9[%add3A_22, %dma_wait3A_43] : memref<10240x128xf32, #tpu.memory_space<vmem_shared>> -> memref<128x128xf32, #tpu.memory_space<vmem_shared>>
      tpu.wait_dma2 semaphore(%run_scoped3A : memref<!tpu.dma_semaphore, #tpu.memory_space<semaphore_mem>>) src(%arg8 : memref<128x128xf32, #tpu.memory_space<vmem>>) dst(%dma_wait3A_44 : memref<128x128xf32, #tpu.memory_space<vmem_shared>>)
      tpu.yield
    }) : () -> ()
    %mul3A_23 = arith.constant 640 : i32
    %mul3A_24 = arith.muli %arg1, %mul3A_23 : i32
    %add3A_25 = arith.constant 512 : i32
    %add3A_26 = arith.addi %mul3A_24, %add3A_25 : i32
    "tpu.region"() ({
      %run_scoped3A = tpu.sem_alloc : memref<!tpu.dma_semaphore, #tpu.memory_space<semaphore_mem>>
      %dma_start3A = arith.constant 0 : i32
      %dma_start3A_39 = tpu.memref_slice %arg9[%add3A_26, %dma_start3A] : memref<10240x128xf32, #tpu.memory_space<vmem_shared>> -> memref<128x128xf32, #tpu.memory_space<vmem_shared>>
      %dma_start3A_40 = arith.constant 0 : i32
      %dma_start3A_41 = tpu.memref_slice %arg9[%add3A_26, %dma_start3A_40] : memref<10240x128xf32, #tpu.memory_space<vmem_shared>> -> memref<128x128xf32, #tpu.memory_space<vmem_shared>>
      tpu.enqueue_dma source(%arg8 : memref<128x128xf32, #tpu.memory_space<vmem>>) target(%dma_start3A_41 : memref<128x128xf32, #tpu.memory_space<vmem_shared>>) target_semaphore(%run_scoped3A : memref<!tpu.dma_semaphore, #tpu.memory_space<semaphore_mem>>)
      %dma_wait3A = arith.constant 0 : i32
      %dma_wait3A_42 = tpu.memref_slice %arg9[%add3A_26, %dma_wait3A] : memref<10240x128xf32, #tpu.memory_space<vmem_shared>> -> memref<128x128xf32, #tpu.memory_space<vmem_shared>>
      %dma_wait3A_43 = arith.constant 0 : i32
      %dma_wait3A_44 = tpu.memref_slice %arg9[%add3A_26, %dma_wait3A_43] : memref<10240x128xf32, #tpu.memory_space<vmem_shared>> -> memref<128x128xf32, #tpu.memory_space<vmem_shared>>
      tpu.wait_dma2 semaphore(%run_scoped3A : memref<!tpu.dma_semaphore, #tpu.memory_space<semaphore_mem>>) src(%arg8 : memref<128x128xf32, #tpu.memory_space<vmem>>) dst(%dma_wait3A_44 : memref<128x128xf32, #tpu.memory_space<vmem_shared>>)
      tpu.yield
    }) : () -> ()
    "tpu.region"() ({
      %run_scoped3A = tpu.sem_alloc : memref<!tpu.dma_semaphore, #tpu.memory_space<semaphore_mem>>
      %dma_start3A = arith.constant 0 : i32
      %dma_start3A_39 = arith.constant 0 : i32
      %dma_start3A_40 = tpu.memref_slice %arg2[%add3A, %dma_start3A, %dma_start3A_39] : memref<32x80x128xi32, #tpu.memory_space<hbm>> -> memref<1x80x128xi32, #tpu.memory_space<hbm>>
      %dma_start3A_41 = tpu.memref_squeeze %dma_start3A_40 : memref<1x80x128xi32, #tpu.memory_space<hbm>> -> memref<80x128xi32, #tpu.memory_space<hbm>>
      %dma_start3A_42 = arith.constant 0 : i32
      %dma_start3A_43 = arith.constant 0 : i32
      %dma_start3A_44 = tpu.memref_slice %arg2[%add3A, %dma_start3A_42, %dma_start3A_43] : memref<32x80x128xi32, #tpu.memory_space<hbm>> -> memref<1x80x128xi32, #tpu.memory_space<hbm>>
      %dma_start3A_45 = tpu.memref_squeeze %dma_start3A_44 : memref<1x80x128xi32, #tpu.memory_space<hbm>> -> memref<80x128xi32, #tpu.memory_space<hbm>>
      tpu.enqueue_dma source(%dma_start3A_45 : memref<80x128xi32, #tpu.memory_space<hbm>>) target(%arg6 : memref<80x128xi32, #tpu.memory_space<vmem>>) target_semaphore(%run_scoped3A : memref<!tpu.dma_semaphore, #tpu.memory_space<semaphore_mem>>)
      %dma_wait3A = arith.constant 0 : i32
      %dma_wait3A_46 = arith.constant 0 : i32
      %dma_wait3A_47 = tpu.memref_slice %arg2[%add3A, %dma_wait3A, %dma_wait3A_46] : memref<32x80x128xi32, #tpu.memory_space<hbm>> -> memref<1x80x128xi32, #tpu.memory_space<hbm>>
      %dma_wait3A_48 = tpu.memref_squeeze %dma_wait3A_47 : memref<1x80x128xi32, #tpu.memory_space<hbm>> -> memref<80x128xi32, #tpu.memory_space<hbm>>
      %dma_wait3A_49 = arith.constant 0 : i32
      %dma_wait3A_50 = arith.constant 0 : i32
      %dma_wait3A_51 = tpu.memref_slice %arg2[%add3A, %dma_wait3A_49, %dma_wait3A_50] : memref<32x80x128xi32, #tpu.memory_space<hbm>> -> memref<1x80x128xi32, #tpu.memory_space<hbm>>
      %dma_wait3A_52 = tpu.memref_squeeze %dma_wait3A_51 : memref<1x80x128xi32, #tpu.memory_space<hbm>> -> memref<80x128xi32, #tpu.memory_space<hbm>>
      tpu.wait_dma2 semaphore(%run_scoped3A : memref<!tpu.dma_semaphore, #tpu.memory_space<semaphore_mem>>) src(%dma_wait3A_52 : memref<80x128xi32, #tpu.memory_space<hbm>>) dst(%arg6 : memref<80x128xi32, #tpu.memory_space<vmem>>)
      tpu.yield
    }) : () -> ()
    "tpu.region"() ({
      %run_scoped3A = tpu.sem_alloc : memref<!tpu.dma_semaphore, #tpu.memory_space<semaphore_mem>>
      %dma_start3A = arith.constant 0 : i32
      %dma_start3A_39 = arith.constant 0 : i32
      %dma_start3A_40 = tpu.memref_slice %arg3[%add3A, %dma_start3A, %dma_start3A_39] : memref<32x80x128xi32, #tpu.memory_space<hbm>> -> memref<1x80x128xi32, #tpu.memory_space<hbm>>
      %dma_start3A_41 = tpu.memref_squeeze %dma_start3A_40 : memref<1x80x128xi32, #tpu.memory_space<hbm>> -> memref<80x128xi32, #tpu.memory_space<hbm>>
      %dma_start3A_42 = arith.constant 0 : i32
      %dma_start3A_43 = arith.constant 0 : i32
      %dma_start3A_44 = tpu.memref_slice %arg3[%add3A, %dma_start3A_42, %dma_start3A_43] : memref<32x80x128xi32, #tpu.memory_space<hbm>> -> memref<1x80x128xi32, #tpu.memory_space<hbm>>
      %dma_start3A_45 = tpu.memref_squeeze %dma_start3A_44 : memref<1x80x128xi32, #tpu.memory_space<hbm>> -> memref<80x128xi32, #tpu.memory_space<hbm>>
      tpu.enqueue_dma source(%dma_start3A_45 : memref<80x128xi32, #tpu.memory_space<hbm>>) target(%arg7 : memref<80x128xi32, #tpu.memory_space<vmem>>) target_semaphore(%run_scoped3A : memref<!tpu.dma_semaphore, #tpu.memory_space<semaphore_mem>>)
      %dma_wait3A = arith.constant 0 : i32
      %dma_wait3A_46 = arith.constant 0 : i32
      %dma_wait3A_47 = tpu.memref_slice %arg3[%add3A, %dma_wait3A, %dma_wait3A_46] : memref<32x80x128xi32, #tpu.memory_space<hbm>> -> memref<1x80x128xi32, #tpu.memory_space<hbm>>
      %dma_wait3A_48 = tpu.memref_squeeze %dma_wait3A_47 : memref<1x80x128xi32, #tpu.memory_space<hbm>> -> memref<80x128xi32, #tpu.memory_space<hbm>>
      %dma_wait3A_49 = arith.constant 0 : i32
      %dma_wait3A_50 = arith.constant 0 : i32
      %dma_wait3A_51 = tpu.memref_slice %arg3[%add3A, %dma_wait3A_49, %dma_wait3A_50] : memref<32x80x128xi32, #tpu.memory_space<hbm>> -> memref<1x80x128xi32, #tpu.memory_space<hbm>>
      %dma_wait3A_52 = tpu.memref_squeeze %dma_wait3A_51 : memref<1x80x128xi32, #tpu.memory_space<hbm>> -> memref<80x128xi32, #tpu.memory_space<hbm>>
      tpu.wait_dma2 semaphore(%run_scoped3A : memref<!tpu.dma_semaphore, #tpu.memory_space<semaphore_mem>>) src(%dma_wait3A_52 : memref<80x128xi32, #tpu.memory_space<hbm>>) dst(%arg7 : memref<80x128xi32, #tpu.memory_space<vmem>>)
      tpu.yield
    }) : () -> ()
    %barrier3A = arith.constant 0 : index
    tpu.barrier barrier_id(%barrier3A)
    %scan3A_27 = arith.constant 0 : i32
    %scan3A_28 = arith.constant 0 : i32
    %scan3A_29 = arith.constant 80 : i32
    %scan3A_30 = arith.addi %scan3A_28, %scan3A_29 : i32
    %scan3A_31 = arith.constant 1 : i32
    %scan3A_32 = scf.for %scan3A_39 = %scan3A_28 to %scan3A_30 step %scan3A_31 iter_args(%scan3A_40 = %scan3A_27) -> (i32)  : i32 {
      %dma_start3A = arith.constant 0 : i32
      %dma_start3A_41 = tpu.memref_slice %arg6[%scan3A_39, %dma_start3A] : memref<80x128xi32, #tpu.memory_space<vmem>> -> memref<1x128xi32, #tpu.memory_space<vmem>>
      %dma_start3A_42 = tpu.memref_squeeze %dma_start3A_41 : memref<1x128xi32, #tpu.memory_space<vmem>> -> memref<128xi32, #tpu.memory_space<vmem>>
      %dma_start3A_43 = arith.constant 0 : i32
      %dma_start3A_44 = arith.constant 0 : i32
      %dma_start3A_45 = tpu.memref_slice %arg4[%dma_start3A_43, %dma_start3A_44] : memref<10240x128xf32, #tpu.memory_space<hbm>> -> memref<10240x128xf32, #tpu.memory_space<hbm>>
      tpu.enqueue_indirect_dma source(%dma_start3A_45 : memref<10240x128xf32, #tpu.memory_space<hbm>>) target(%arg8 : memref<128x128xf32, #tpu.memory_space<vmem>>) offsets(%dma_start3A_42 : memref<128xi32, #tpu.memory_space<vmem>>) semaphore(%arg10 : memref<!tpu.dma_semaphore, #tpu.memory_space<semaphore_mem>>)
      %dma_wait3A = arith.constant 0 : i32
      %dma_wait3A_46 = tpu.memref_slice %arg6[%scan3A_39, %dma_wait3A] : memref<80x128xi32, #tpu.memory_space<vmem>> -> memref<1x128xi32, #tpu.memory_space<vmem>>
      %dma_wait3A_47 = tpu.memref_squeeze %dma_wait3A_46 : memref<1x128xi32, #tpu.memory_space<vmem>> -> memref<128xi32, #tpu.memory_space<vmem>>
      %dma_wait3A_48 = arith.constant 0 : i32
      %dma_wait3A_49 = arith.constant 0 : i32
      %dma_wait3A_50 = tpu.memref_slice %arg4[%dma_wait3A_48, %dma_wait3A_49] : memref<10240x128xf32, #tpu.memory_space<hbm>> -> memref<10240x128xf32, #tpu.memory_space<hbm>>
      tpu.wait_indirect_dma semaphore(%arg10 : memref<!tpu.dma_semaphore, #tpu.memory_space<semaphore_mem>>) src(%dma_wait3A_50 : memref<10240x128xf32, #tpu.memory_space<hbm>>) dst(%arg8 : memref<128x128xf32, #tpu.memory_space<vmem>>)
      "tpu.region"() ({
        %run_scoped3A = tpu.sem_alloc : memref<!tpu.dma_semaphore, #tpu.memory_space<semaphore_mem>>
        %dma_start3A_52 = arith.constant 0 : i32
        %dma_start3A_53 = tpu.memref_slice %arg7[%scan3A_39, %dma_start3A_52] : memref<80x128xi32, #tpu.memory_space<vmem>> -> memref<1x128xi32, #tpu.memory_space<vmem>>
        %dma_start3A_54 = tpu.memref_squeeze %dma_start3A_53 : memref<1x128xi32, #tpu.memory_space<vmem>> -> memref<128xi32, #tpu.memory_space<vmem>>
        %dma_start3A_55 = arith.constant 0 : i32
        %dma_start3A_56 = arith.constant 0 : i32
        %dma_start3A_57 = tpu.memref_slice %arg9[%dma_start3A_55, %dma_start3A_56] : memref<10240x128xf32, #tpu.memory_space<vmem_shared>> -> memref<10240x128xf32, #tpu.memory_space<vmem_shared>>
        tpu.enqueue_indirect_dma source(%arg8 : memref<128x128xf32, #tpu.memory_space<vmem>>) target(%dma_start3A_57 : memref<10240x128xf32, #tpu.memory_space<vmem_shared>>) offsets(%dma_start3A_54 : memref<128xi32, #tpu.memory_space<vmem>>) semaphore(%run_scoped3A : memref<!tpu.dma_semaphore, #tpu.memory_space<semaphore_mem>>) {add = true}
        %dma_wait3A_58 = arith.constant 0 : i32
        %dma_wait3A_59 = tpu.memref_slice %arg7[%scan3A_39, %dma_wait3A_58] : memref<80x128xi32, #tpu.memory_space<vmem>> -> memref<1x128xi32, #tpu.memory_space<vmem>>
        %dma_wait3A_60 = tpu.memref_squeeze %dma_wait3A_59 : memref<1x128xi32, #tpu.memory_space<vmem>> -> memref<128xi32, #tpu.memory_space<vmem>>
        %dma_wait3A_61 = arith.constant 0 : i32
        %dma_wait3A_62 = arith.constant 0 : i32
        %dma_wait3A_63 = tpu.memref_slice %arg9[%dma_wait3A_61, %dma_wait3A_62] : memref<10240x128xf32, #tpu.memory_space<vmem_shared>> -> memref<10240x128xf32, #tpu.memory_space<vmem_shared>>
        tpu.wait_indirect_dma semaphore(%run_scoped3A : memref<!tpu.dma_semaphore, #tpu.memory_space<semaphore_mem>>) src(%arg8 : memref<128x128xf32, #tpu.memory_space<vmem>>) dst(%dma_wait3A_63 : memref<10240x128xf32, #tpu.memory_space<vmem_shared>>)
        tpu.yield
      }) : () -> ()
      %scan3A_51 = arith.constant 0 : i32
      scf.yield %scan3A_51 : i32
    }
    %scan3A_33 = arith.constant 80 : i32
    %barrier3A_34 = arith.constant 0 : index
    tpu.barrier barrier_id(%barrier3A_34)
    %mul3A_35 = arith.constant 640 : i32
    %mul3A_36 = arith.muli %arg1, %mul3A_35 : i32
    %mul3A_37 = arith.constant 640 : i32
    %mul3A_38 = arith.muli %arg1, %mul3A_37 : i32
    "tpu.region"() ({
      %run_scoped3A = tpu.sem_alloc : memref<!tpu.dma_semaphore, #tpu.memory_space<semaphore_mem>>
      %dma_start3A = arith.constant 0 : i32
      %dma_start3A_39 = tpu.memref_slice %arg5[%arg0, %mul3A_38, %dma_start3A] : memref<2x10240x128xf32, #tpu.memory_space<hbm>> -> memref<1x640x128xf32, #tpu.memory_space<hbm>>
      %dma_start3A_40 = tpu.memref_squeeze %dma_start3A_39 : memref<1x640x128xf32, #tpu.memory_space<hbm>> -> memref<640x128xf32, #tpu.memory_space<hbm>>
      %dma_start3A_41 = arith.constant 0 : i32
      %dma_start3A_42 = tpu.memref_slice %arg9[%mul3A_36, %dma_start3A_41] : memref<10240x128xf32, #tpu.memory_space<vmem_shared>> -> memref<640x128xf32, #tpu.memory_space<vmem_shared>>
      tpu.enqueue_dma source(%dma_start3A_42 : memref<640x128xf32, #tpu.memory_space<vmem_shared>>) target(%dma_start3A_40 : memref<640x128xf32, #tpu.memory_space<hbm>>) target_semaphore(%run_scoped3A : memref<!tpu.dma_semaphore, #tpu.memory_space<semaphore_mem>>)
      %dma_wait3A = arith.constant 0 : i32
      %dma_wait3A_43 = tpu.memref_slice %arg5[%arg0, %mul3A_38, %dma_wait3A] : memref<2x10240x128xf32, #tpu.memory_space<hbm>> -> memref<1x640x128xf32, #tpu.memory_space<hbm>>
      %dma_wait3A_44 = tpu.memref_squeeze %dma_wait3A_43 : memref<1x640x128xf32, #tpu.memory_space<hbm>> -> memref<640x128xf32, #tpu.memory_space<hbm>>
      %dma_wait3A_45 = arith.constant 0 : i32
      %dma_wait3A_46 = tpu.memref_slice %arg9[%mul3A_36, %dma_wait3A_45] : memref<10240x128xf32, #tpu.memory_space<vmem_shared>> -> memref<640x128xf32, #tpu.memory_space<vmem_shared>>
      tpu.wait_dma2 semaphore(%run_scoped3A : memref<!tpu.dma_semaphore, #tpu.memory_space<semaphore_mem>>) src(%dma_wait3A_46 : memref<640x128xf32, #tpu.memory_space<vmem_shared>>) dst(%dma_wait3A_44 : memref<640x128xf32, #tpu.memory_space<hbm>>)
      tpu.yield
    }) : () -> ()
    return
  }
}

#map = affine_map<(d0, d1) -> (0, 0, 0)>
#map1 = affine_map<(d0, d1) -> (0, 0)>
module attributes {stable_mosaic.version = 14 : i64} {
  func.func @_sc_segsum(%arg0: i32, %arg1: i32, %arg2: memref<32x80x128xi32, #tpu.memory_space<hbm>>, %arg3: memref<32x80x128xi32, #tpu.memory_space<hbm>>, %arg4: memref<10240x128xf32, #tpu.memory_space<hbm>>, %arg5: memref<2x10240x128xf32, #tpu.memory_space<hbm>>, %arg6: memref<80x128xi32, #tpu.memory_space<vmem>>, %arg7: memref<80x128xi32, #tpu.memory_space<vmem>>, %arg8: memref<128x128xf32, #tpu.memory_space<vmem>>, %arg9: memref<10240x128xf32, #tpu.memory_space<vmem_shared>>, %arg10: memref<!tpu.dma_semaphore, #tpu.memory_space<semaphore_mem>>) attributes {dimension_semantics = [#tpu.dimension_semantics<core_parallel>, #tpu.dimension_semantics<subcore_parallel>], iteration_bounds = array<i64: 2, 16>, scalar_prefetch = 0 : i64, scratch_operands = 5 : i64, tpu.core_type = #tpu.core_type<sc_vector_subcore>, window_params = [{transform_indices = #map}, {transform_indices = #map}, {transform_indices = #map1}, {transform_indices = #map}]} {
    %mul3A = arith.constant 16 : i32
    %mul3A_0 = arith.muli %arg0, %mul3A : i32
    %add3A = arith.addi %mul3A_0, %arg1 : i32
    %scan3A = arith.constant 0 : i32
    %scan3A_1 = arith.constant 0 : i32
    %scan3A_2 = arith.constant 128 : i32
    %scan3A_3 = arith.addi %scan3A_1, %scan3A_2 : i32
    %scan3A_4 = arith.constant 1 : i32
    %scan3A_5 = scf.for %scan3A_39 = %scan3A_1 to %scan3A_3 step %scan3A_4 iter_args(%scan3A_40 = %scan3A) -> (i32)  : i32 {
      %broadcast_in_dim3A = arith.constant 0.000000e+00 : f32
      %broadcast_in_dim3A_41 = vector.broadcast %broadcast_in_dim3A : f32 to vector<16xf32>
      %swap3A = arith.index_cast %scan3A_39 : i32 to index
      %swap3A_42 = arith.constant 0 : index
      %swap3A_43 = tpu.vector_load %arg8[%swap3A, %swap3A_42] {strides = array<i32>} : memref<128x128xf32, #tpu.memory_space<vmem>>, vector<1x16xf32>,
      %swap3A_44 = vector.shape_cast %swap3A_43 : vector<1x16xf32> to vector<16xf32>
      %swap3A_45 = vector.shape_cast %broadcast_in_dim3A_41 : vector<16xf32> to vector<1x16xf32>
      tpu.vector_store %arg8[%swap3A, %swap3A_42], %swap3A_45 {strides = array<i32>} : memref<128x128xf32, #tpu.memory_space<vmem>>, vector<1x16xf32>,
      %broadcast_in_dim3A_46 = arith.constant 0.000000e+00 : f32
      %broadcast_in_dim3A_47 = vector.broadcast %broadcast_in_dim3A_46 : f32 to vector<16xf32>
      %swap3A_48 = arith.index_cast %scan3A_39 : i32 to index
      %swap3A_49 = arith.constant 16 : index
      %swap3A_50 = tpu.vector_load %arg8[%swap3A_48, %swap3A_49] {strides = array<i32>} : memref<128x128xf32, #tpu.memory_space<vmem>>, vector<1x16xf32>,
      %swap3A_51 = vector.shape_cast %swap3A_50 : vector<1x16xf32> to vector<16xf32>
      %swap3A_52 = vector.shape_cast %broadcast_in_dim3A_47 : vector<16xf32> to vector<1x16xf32>
      tpu.vector_store %arg8[%swap3A_48, %swap3A_49], %swap3A_52 {strides = array<i32>} : memref<128x128xf32, #tpu.memory_space<vmem>>, vector<1x16xf32>,
      %broadcast_in_dim3A_53 = arith.constant 0.000000e+00 : f32
      %broadcast_in_dim3A_54 = vector.broadcast %broadcast_in_dim3A_53 : f32 to vector<16xf32>
      %swap3A_55 = arith.index_cast %scan3A_39 : i32 to index
      %swap3A_56 = arith.constant 32 : index
      %swap3A_57 = tpu.vector_load %arg8[%swap3A_55, %swap3A_56] {strides = array<i32>} : memref<128x128xf32, #tpu.memory_space<vmem>>, vector<1x16xf32>,
      %swap3A_58 = vector.shape_cast %swap3A_57 : vector<1x16xf32> to vector<16xf32>
      %swap3A_59 = vector.shape_cast %broadcast_in_dim3A_54 : vector<16xf32> to vector<1x16xf32>
      tpu.vector_store %arg8[%swap3A_55, %swap3A_56], %swap3A_59 {strides = array<i32>} : memref<128x128xf32, #tpu.memory_space<vmem>>, vector<1x16xf32>,
      %broadcast_in_dim3A_60 = arith.constant 0.000000e+00 : f32
      %broadcast_in_dim3A_61 = vector.broadcast %broadcast_in_dim3A_60 : f32 to vector<16xf32>
      %swap3A_62 = arith.index_cast %scan3A_39 : i32 to index
      %swap3A_63 = arith.constant 48 : index
      %swap3A_64 = tpu.vector_load %arg8[%swap3A_62, %swap3A_63] {strides = array<i32>} : memref<128x128xf32, #tpu.memory_space<vmem>>, vector<1x16xf32>,
      %swap3A_65 = vector.shape_cast %swap3A_64 : vector<1x16xf32> to vector<16xf32>
      %swap3A_66 = vector.shape_cast %broadcast_in_dim3A_61 : vector<16xf32> to vector<1x16xf32>
      tpu.vector_store %arg8[%swap3A_62, %swap3A_63], %swap3A_66 {strides = array<i32>} : memref<128x128xf32, #tpu.memory_space<vmem>>, vector<1x16xf32>,
      %broadcast_in_dim3A_67 = arith.constant 0.000000e+00 : f32
      %broadcast_in_dim3A_68 = vector.broadcast %broadcast_in_dim3A_67 : f32 to vector<16xf32>
      %swap3A_69 = arith.index_cast %scan3A_39 : i32 to index
      %swap3A_70 = arith.constant 64 : index
      %swap3A_71 = tpu.vector_load %arg8[%swap3A_69, %swap3A_70] {strides = array<i32>} : memref<128x128xf32, #tpu.memory_space<vmem>>, vector<1x16xf32>,
      %swap3A_72 = vector.shape_cast %swap3A_71 : vector<1x16xf32> to vector<16xf32>
      %swap3A_73 = vector.shape_cast %broadcast_in_dim3A_68 : vector<16xf32> to vector<1x16xf32>
      tpu.vector_store %arg8[%swap3A_69, %swap3A_70], %swap3A_73 {strides = array<i32>} : memref<128x128xf32, #tpu.memory_space<vmem>>, vector<1x16xf32>,
      %broadcast_in_dim3A_74 = arith.constant 0.000000e+00 : f32
      %broadcast_in_dim3A_75 = vector.broadcast %broadcast_in_dim3A_74 : f32 to vector<16xf32>
      %swap3A_76 = arith.index_cast %scan3A_39 : i32 to index
      %swap3A_77 = arith.constant 80 : index
      %swap3A_78 = tpu.vector_load %arg8[%swap3A_76, %swap3A_77] {strides = array<i32>} : memref<128x128xf32, #tpu.memory_space<vmem>>, vector<1x16xf32>,
      %swap3A_79 = vector.shape_cast %swap3A_78 : vector<1x16xf32> to vector<16xf32>
      %swap3A_80 = vector.shape_cast %broadcast_in_dim3A_75 : vector<16xf32> to vector<1x16xf32>
      tpu.vector_store %arg8[%swap3A_76, %swap3A_77], %swap3A_80 {strides = array<i32>} : memref<128x128xf32, #tpu.memory_space<vmem>>, vector<1x16xf32>,
      %broadcast_in_dim3A_81 = arith.constant 0.000000e+00 : f32
      %broadcast_in_dim3A_82 = vector.broadcast %broadcast_in_dim3A_81 : f32 to vector<16xf32>
      %swap3A_83 = arith.index_cast %scan3A_39 : i32 to index
      %swap3A_84 = arith.constant 96 : index
      %swap3A_85 = tpu.vector_load %arg8[%swap3A_83, %swap3A_84] {strides = array<i32>} : memref<128x128xf32, #tpu.memory_space<vmem>>, vector<1x16xf32>,
      %swap3A_86 = vector.shape_cast %swap3A_85 : vector<1x16xf32> to vector<16xf32>
      %swap3A_87 = vector.shape_cast %broadcast_in_dim3A_82 : vector<16xf32> to vector<1x16xf32>
      tpu.vector_store %arg8[%swap3A_83, %swap3A_84], %swap3A_87 {strides = array<i32>} : memref<128x128xf32, #tpu.memory_space<vmem>>, vector<1x16xf32>,
      %broadcast_in_dim3A_88 = arith.constant 0.000000e+00 : f32
      %broadcast_in_dim3A_89 = vector.broadcast %broadcast_in_dim3A_88 : f32 to vector<16xf32>
      %swap3A_90 = arith.index_cast %scan3A_39 : i32 to index
      %swap3A_91 = arith.constant 112 : index
      %swap3A_92 = tpu.vector_load %arg8[%swap3A_90, %swap3A_91] {strides = array<i32>} : memref<128x128xf32, #tpu.memory_space<vmem>>, vector<1x16xf32>,
      %swap3A_93 = vector.shape_cast %swap3A_92 : vector<1x16xf32> to vector<16xf32>
      %swap3A_94 = vector.shape_cast %broadcast_in_dim3A_89 : vector<16xf32> to vector<1x16xf32>
      tpu.vector_store %arg8[%swap3A_90, %swap3A_91], %swap3A_94 {strides = array<i32>} : memref<128x128xf32, #tpu.memory_space<vmem>>, vector<1x16xf32>,
      %scan3A_95 = arith.constant 0 : i32
      scf.yield %scan3A_95 : i32
    }
    %scan3A_6 = arith.constant 128 : i32
    %mul3A_7 = arith.constant 640 : i32
    %mul3A_8 = arith.muli %arg1, %mul3A_7 : i32
    %add3A_9 = arith.constant 0 : i32
    %add3A_10 = arith.addi %mul3A_8, %add3A_9 : i32
    "tpu.region"() ({
      %run_scoped3A = tpu.sem_alloc : memref<!tpu.dma_semaphore, #tpu.memory_space<semaphore_mem>>
      %dma_start3A = arith.constant 0 : i32
      %dma_start3A_39 = tpu.memref_slice %arg9[%add3A_10, %dma_start3A] : memref<10240x128xf32, #tpu.memory_space<vmem_shared>> -> memref<128x128xf32, #tpu.memory_space<vmem_shared>>
      %dma_start3A_40 = arith.constant 0 : i32
      %dma_start3A_41 = tpu.memref_slice %arg9[%add3A_10, %dma_start3A_40] : memref<10240x128xf32, #tpu.memory_space<vmem_shared>> -> memref<128x128xf32, #tpu.memory_space<vmem_shared>>
      tpu.enqueue_dma source(%arg8 : memref<128x128xf32, #tpu.memory_space<vmem>>) target(%dma_start3A_41 : memref<128x128xf32, #tpu.memory_space<vmem_shared>>) target_semaphore(%run_scoped3A : memref<!tpu.dma_semaphore, #tpu.memory_space<semaphore_mem>>)
      %dma_wait3A = arith.constant 0 : i32
      %dma_wait3A_42 = tpu.memref_slice %arg9[%add3A_10, %dma_wait3A] : memref<10240x128xf32, #tpu.memory_space<vmem_shared>> -> memref<128x128xf32, #tpu.memory_space<vmem_shared>>
      %dma_wait3A_43 = arith.constant 0 : i32
      %dma_wait3A_44 = tpu.memref_slice %arg9[%add3A_10, %dma_wait3A_43] : memref<10240x128xf32, #tpu.memory_space<vmem_shared>> -> memref<128x128xf32, #tpu.memory_space<vmem_shared>>
      tpu.wait_dma2 semaphore(%run_scoped3A : memref<!tpu.dma_semaphore, #tpu.memory_space<semaphore_mem>>) src(%arg8 : memref<128x128xf32, #tpu.memory_space<vmem>>) dst(%dma_wait3A_44 : memref<128x128xf32, #tpu.memory_space<vmem_shared>>)
      tpu.yield
    }) : () -> ()
    %mul3A_11 = arith.constant 640 : i32
    %mul3A_12 = arith.muli %arg1, %mul3A_11 : i32
    %add3A_13 = arith.constant 128 : i32
    %add3A_14 = arith.addi %mul3A_12, %add3A_13 : i32
    "tpu.region"() ({
      %run_scoped3A = tpu.sem_alloc : memref<!tpu.dma_semaphore, #tpu.memory_space<semaphore_mem>>
      %dma_start3A = arith.constant 0 : i32
      %dma_start3A_39 = tpu.memref_slice %arg9[%add3A_14, %dma_start3A] : memref<10240x128xf32, #tpu.memory_space<vmem_shared>> -> memref<128x128xf32, #tpu.memory_space<vmem_shared>>
      %dma_start3A_40 = arith.constant 0 : i32
      %dma_start3A_41 = tpu.memref_slice %arg9[%add3A_14, %dma_start3A_40] : memref<10240x128xf32, #tpu.memory_space<vmem_shared>> -> memref<128x128xf32, #tpu.memory_space<vmem_shared>>
      tpu.enqueue_dma source(%arg8 : memref<128x128xf32, #tpu.memory_space<vmem>>) target(%dma_start3A_41 : memref<128x128xf32, #tpu.memory_space<vmem_shared>>) target_semaphore(%run_scoped3A : memref<!tpu.dma_semaphore, #tpu.memory_space<semaphore_mem>>)
      %dma_wait3A = arith.constant 0 : i32
      %dma_wait3A_42 = tpu.memref_slice %arg9[%add3A_14, %dma_wait3A] : memref<10240x128xf32, #tpu.memory_space<vmem_shared>> -> memref<128x128xf32, #tpu.memory_space<vmem_shared>>
      %dma_wait3A_43 = arith.constant 0 : i32
      %dma_wait3A_44 = tpu.memref_slice %arg9[%add3A_14, %dma_wait3A_43] : memref<10240x128xf32, #tpu.memory_space<vmem_shared>> -> memref<128x128xf32, #tpu.memory_space<vmem_shared>>
      tpu.wait_dma2 semaphore(%run_scoped3A : memref<!tpu.dma_semaphore, #tpu.memory_space<semaphore_mem>>) src(%arg8 : memref<128x128xf32, #tpu.memory_space<vmem>>) dst(%dma_wait3A_44 : memref<128x128xf32, #tpu.memory_space<vmem_shared>>)
      tpu.yield
    }) : () -> ()
    %mul3A_15 = arith.constant 640 : i32
    %mul3A_16 = arith.muli %arg1, %mul3A_15 : i32
    %add3A_17 = arith.constant 256 : i32
    %add3A_18 = arith.addi %mul3A_16, %add3A_17 : i32
    "tpu.region"() ({
      %run_scoped3A = tpu.sem_alloc : memref<!tpu.dma_semaphore, #tpu.memory_space<semaphore_mem>>
      %dma_start3A = arith.constant 0 : i32
      %dma_start3A_39 = tpu.memref_slice %arg9[%add3A_18, %dma_start3A] : memref<10240x128xf32, #tpu.memory_space<vmem_shared>> -> memref<128x128xf32, #tpu.memory_space<vmem_shared>>
      %dma_start3A_40 = arith.constant 0 : i32
      %dma_start3A_41 = tpu.memref_slice %arg9[%add3A_18, %dma_start3A_40] : memref<10240x128xf32, #tpu.memory_space<vmem_shared>> -> memref<128x128xf32, #tpu.memory_space<vmem_shared>>
      tpu.enqueue_dma source(%arg8 : memref<128x128xf32, #tpu.memory_space<vmem>>) target(%dma_start3A_41 : memref<128x128xf32, #tpu.memory_space<vmem_shared>>) target_semaphore(%run_scoped3A : memref<!tpu.dma_semaphore, #tpu.memory_space<semaphore_mem>>)
      %dma_wait3A = arith.constant 0 : i32
      %dma_wait3A_42 = tpu.memref_slice %arg9[%add3A_18, %dma_wait3A] : memref<10240x128xf32, #tpu.memory_space<vmem_shared>> -> memref<128x128xf32, #tpu.memory_space<vmem_shared>>
      %dma_wait3A_43 = arith.constant 0 : i32
      %dma_wait3A_44 = tpu.memref_slice %arg9[%add3A_18, %dma_wait3A_43] : memref<10240x128xf32, #tpu.memory_space<vmem_shared>> -> memref<128x128xf32, #tpu.memory_space<vmem_shared>>
      tpu.wait_dma2 semaphore(%run_scoped3A : memref<!tpu.dma_semaphore, #tpu.memory_space<semaphore_mem>>) src(%arg8 : memref<128x128xf32, #tpu.memory_space<vmem>>) dst(%dma_wait3A_44 : memref<128x128xf32, #tpu.memory_space<vmem_shared>>)
      tpu.yield
    }) : () -> ()
    %mul3A_19 = arith.constant 640 : i32
    %mul3A_20 = arith.muli %arg1, %mul3A_19 : i32
    %add3A_21 = arith.constant 384 : i32
    %add3A_22 = arith.addi %mul3A_20, %add3A_21 : i32
    "tpu.region"() ({
      %run_scoped3A = tpu.sem_alloc : memref<!tpu.dma_semaphore, #tpu.memory_space<semaphore_mem>>
      %dma_start3A = arith.constant 0 : i32
      %dma_start3A_39 = tpu.memref_slice %arg9[%add3A_22, %dma_start3A] : memref<10240x128xf32, #tpu.memory_space<vmem_shared>> -> memref<128x128xf32, #tpu.memory_space<vmem_shared>>
      %dma_start3A_40 = arith.constant 0 : i32
      %dma_start3A_41 = tpu.memref_slice %arg9[%add3A_22, %dma_start3A_40] : memref<10240x128xf32, #tpu.memory_space<vmem_shared>> -> memref<128x128xf32, #tpu.memory_space<vmem_shared>>
      tpu.enqueue_dma source(%arg8 : memref<128x128xf32, #tpu.memory_space<vmem>>) target(%dma_start3A_41 : memref<128x128xf32, #tpu.memory_space<vmem_shared>>) target_semaphore(%run_scoped3A : memref<!tpu.dma_semaphore, #tpu.memory_space<semaphore_mem>>)
      %dma_wait3A = arith.constant 0 : i32
      %dma_wait3A_42 = tpu.memref_slice %arg9[%add3A_22, %dma_wait3A] : memref<10240x128xf32, #tpu.memory_space<vmem_shared>> -> memref<128x128xf32, #tpu.memory_space<vmem_shared>>
      %dma_wait3A_43 = arith.constant 0 : i32
      %dma_wait3A_44 = tpu.memref_slice %arg9[%add3A_22, %dma_wait3A_43] : memref<10240x128xf32, #tpu.memory_space<vmem_shared>> -> memref<128x128xf32, #tpu.memory_space<vmem_shared>>
      tpu.wait_dma2 semaphore(%run_scoped3A : memref<!tpu.dma_semaphore, #tpu.memory_space<semaphore_mem>>) src(%arg8 : memref<128x128xf32, #tpu.memory_space<vmem>>) dst(%dma_wait3A_44 : memref<128x128xf32, #tpu.memory_space<vmem_shared>>)
      tpu.yield
    }) : () -> ()
    %mul3A_23 = arith.constant 640 : i32
    %mul3A_24 = arith.muli %arg1, %mul3A_23 : i32
    %add3A_25 = arith.constant 512 : i32
    %add3A_26 = arith.addi %mul3A_24, %add3A_25 : i32
    "tpu.region"() ({
      %run_scoped3A = tpu.sem_alloc : memref<!tpu.dma_semaphore, #tpu.memory_space<semaphore_mem>>
      %dma_start3A = arith.constant 0 : i32
      %dma_start3A_39 = tpu.memref_slice %arg9[%add3A_26, %dma_start3A] : memref<10240x128xf32, #tpu.memory_space<vmem_shared>> -> memref<128x128xf32, #tpu.memory_space<vmem_shared>>
      %dma_start3A_40 = arith.constant 0 : i32
      %dma_start3A_41 = tpu.memref_slice %arg9[%add3A_26, %dma_start3A_40] : memref<10240x128xf32, #tpu.memory_space<vmem_shared>> -> memref<128x128xf32, #tpu.memory_space<vmem_shared>>
      tpu.enqueue_dma source(%arg8 : memref<128x128xf32, #tpu.memory_space<vmem>>) target(%dma_start3A_41 : memref<128x128xf32, #tpu.memory_space<vmem_shared>>) target_semaphore(%run_scoped3A : memref<!tpu.dma_semaphore, #tpu.memory_space<semaphore_mem>>)
      %dma_wait3A = arith.constant 0 : i32
      %dma_wait3A_42 = tpu.memref_slice %arg9[%add3A_26, %dma_wait3A] : memref<10240x128xf32, #tpu.memory_space<vmem_shared>> -> memref<128x128xf32, #tpu.memory_space<vmem_shared>>
      %dma_wait3A_43 = arith.constant 0 : i32
      %dma_wait3A_44 = tpu.memref_slice %arg9[%add3A_26, %dma_wait3A_43] : memref<10240x128xf32, #tpu.memory_space<vmem_shared>> -> memref<128x128xf32, #tpu.memory_space<vmem_shared>>
      tpu.wait_dma2 semaphore(%run_scoped3A : memref<!tpu.dma_semaphore, #tpu.memory_space<semaphore_mem>>) src(%arg8 : memref<128x128xf32, #tpu.memory_space<vmem>>) dst(%dma_wait3A_44 : memref<128x128xf32, #tpu.memory_space<vmem_shared>>)
      tpu.yield
    }) : () -> ()
    "tpu.region"() ({
      %run_scoped3A = tpu.sem_alloc : memref<!tpu.dma_semaphore, #tpu.memory_space<semaphore_mem>>
      %dma_start3A = arith.constant 0 : i32
      %dma_start3A_39 = arith.constant 0 : i32
      %dma_start3A_40 = tpu.memref_slice %arg2[%add3A, %dma_start3A, %dma_start3A_39] : memref<32x80x128xi32, #tpu.memory_space<hbm>> -> memref<1x80x128xi32, #tpu.memory_space<hbm>>
      %dma_start3A_41 = tpu.memref_squeeze %dma_start3A_40 : memref<1x80x128xi32, #tpu.memory_space<hbm>> -> memref<80x128xi32, #tpu.memory_space<hbm>>
      %dma_start3A_42 = arith.constant 0 : i32
      %dma_start3A_43 = arith.constant 0 : i32
      %dma_start3A_44 = tpu.memref_slice %arg2[%add3A, %dma_start3A_42, %dma_start3A_43] : memref<32x80x128xi32, #tpu.memory_space<hbm>> -> memref<1x80x128xi32, #tpu.memory_space<hbm>>
      %dma_start3A_45 = tpu.memref_squeeze %dma_start3A_44 : memref<1x80x128xi32, #tpu.memory_space<hbm>> -> memref<80x128xi32, #tpu.memory_space<hbm>>
      tpu.enqueue_dma source(%dma_start3A_45 : memref<80x128xi32, #tpu.memory_space<hbm>>) target(%arg6 : memref<80x128xi32, #tpu.memory_space<vmem>>) target_semaphore(%run_scoped3A : memref<!tpu.dma_semaphore, #tpu.memory_space<semaphore_mem>>)
      %dma_wait3A = arith.constant 0 : i32
      %dma_wait3A_46 = arith.constant 0 : i32
      %dma_wait3A_47 = tpu.memref_slice %arg2[%add3A, %dma_wait3A, %dma_wait3A_46] : memref<32x80x128xi32, #tpu.memory_space<hbm>> -> memref<1x80x128xi32, #tpu.memory_space<hbm>>
      %dma_wait3A_48 = tpu.memref_squeeze %dma_wait3A_47 : memref<1x80x128xi32, #tpu.memory_space<hbm>> -> memref<80x128xi32, #tpu.memory_space<hbm>>
      %dma_wait3A_49 = arith.constant 0 : i32
      %dma_wait3A_50 = arith.constant 0 : i32
      %dma_wait3A_51 = tpu.memref_slice %arg2[%add3A, %dma_wait3A_49, %dma_wait3A_50] : memref<32x80x128xi32, #tpu.memory_space<hbm>> -> memref<1x80x128xi32, #tpu.memory_space<hbm>>
      %dma_wait3A_52 = tpu.memref_squeeze %dma_wait3A_51 : memref<1x80x128xi32, #tpu.memory_space<hbm>> -> memref<80x128xi32, #tpu.memory_space<hbm>>
      tpu.wait_dma2 semaphore(%run_scoped3A : memref<!tpu.dma_semaphore, #tpu.memory_space<semaphore_mem>>) src(%dma_wait3A_52 : memref<80x128xi32, #tpu.memory_space<hbm>>) dst(%arg6 : memref<80x128xi32, #tpu.memory_space<vmem>>)
      tpu.yield
    }) : () -> ()
    "tpu.region"() ({
      %run_scoped3A = tpu.sem_alloc : memref<!tpu.dma_semaphore, #tpu.memory_space<semaphore_mem>>
      %dma_start3A = arith.constant 0 : i32
      %dma_start3A_39 = arith.constant 0 : i32
      %dma_start3A_40 = tpu.memref_slice %arg3[%add3A, %dma_start3A, %dma_start3A_39] : memref<32x80x128xi32, #tpu.memory_space<hbm>> -> memref<1x80x128xi32, #tpu.memory_space<hbm>>
      %dma_start3A_41 = tpu.memref_squeeze %dma_start3A_40 : memref<1x80x128xi32, #tpu.memory_space<hbm>> -> memref<80x128xi32, #tpu.memory_space<hbm>>
      %dma_start3A_42 = arith.constant 0 : i32
      %dma_start3A_43 = arith.constant 0 : i32
      %dma_start3A_44 = tpu.memref_slice %arg3[%add3A, %dma_start3A_42, %dma_start3A_43] : memref<32x80x128xi32, #tpu.memory_space<hbm>> -> memref<1x80x128xi32, #tpu.memory_space<hbm>>
      %dma_start3A_45 = tpu.memref_squeeze %dma_start3A_44 : memref<1x80x128xi32, #tpu.memory_space<hbm>> -> memref<80x128xi32, #tpu.memory_space<hbm>>
      tpu.enqueue_dma source(%dma_start3A_45 : memref<80x128xi32, #tpu.memory_space<hbm>>) target(%arg7 : memref<80x128xi32, #tpu.memory_space<vmem>>) target_semaphore(%run_scoped3A : memref<!tpu.dma_semaphore, #tpu.memory_space<semaphore_mem>>)
      %dma_wait3A = arith.constant 0 : i32
      %dma_wait3A_46 = arith.constant 0 : i32
      %dma_wait3A_47 = tpu.memref_slice %arg3[%add3A, %dma_wait3A, %dma_wait3A_46] : memref<32x80x128xi32, #tpu.memory_space<hbm>> -> memref<1x80x128xi32, #tpu.memory_space<hbm>>
      %dma_wait3A_48 = tpu.memref_squeeze %dma_wait3A_47 : memref<1x80x128xi32, #tpu.memory_space<hbm>> -> memref<80x128xi32, #tpu.memory_space<hbm>>
      %dma_wait3A_49 = arith.constant 0 : i32
      %dma_wait3A_50 = arith.constant 0 : i32
      %dma_wait3A_51 = tpu.memref_slice %arg3[%add3A, %dma_wait3A_49, %dma_wait3A_50] : memref<32x80x128xi32, #tpu.memory_space<hbm>> -> memref<1x80x128xi32, #tpu.memory_space<hbm>>
      %dma_wait3A_52 = tpu.memref_squeeze %dma_wait3A_51 : memref<1x80x128xi32, #tpu.memory_space<hbm>> -> memref<80x128xi32, #tpu.memory_space<hbm>>
      tpu.wait_dma2 semaphore(%run_scoped3A : memref<!tpu.dma_semaphore, #tpu.memory_space<semaphore_mem>>) src(%dma_wait3A_52 : memref<80x128xi32, #tpu.memory_space<hbm>>) dst(%arg7 : memref<80x128xi32, #tpu.memory_space<vmem>>)
      tpu.yield
    }) : () -> ()
    %barrier3A = arith.constant 0 : index
    tpu.barrier barrier_id(%barrier3A)
    %scan3A_27 = arith.constant 0 : i32
    %scan3A_28 = arith.constant 0 : i32
    %scan3A_29 = arith.constant 80 : i32
    %scan3A_30 = arith.addi %scan3A_28, %scan3A_29 : i32
    %scan3A_31 = arith.constant 1 : i32
    %scan3A_32 = scf.for %scan3A_39 = %scan3A_28 to %scan3A_30 step %scan3A_31 iter_args(%scan3A_40 = %scan3A_27) -> (i32)  : i32 {
      %dma_start3A = arith.constant 0 : i32
      %dma_start3A_41 = tpu.memref_slice %arg6[%scan3A_39, %dma_start3A] : memref<80x128xi32, #tpu.memory_space<vmem>> -> memref<1x128xi32, #tpu.memory_space<vmem>>
      %dma_start3A_42 = tpu.memref_squeeze %dma_start3A_41 : memref<1x128xi32, #tpu.memory_space<vmem>> -> memref<128xi32, #tpu.memory_space<vmem>>
      %dma_start3A_43 = arith.constant 0 : i32
      %dma_start3A_44 = arith.constant 0 : i32
      %dma_start3A_45 = tpu.memref_slice %arg4[%dma_start3A_43, %dma_start3A_44] : memref<10240x128xf32, #tpu.memory_space<hbm>> -> memref<10240x128xf32, #tpu.memory_space<hbm>>
      tpu.enqueue_indirect_dma source(%dma_start3A_45 : memref<10240x128xf32, #tpu.memory_space<hbm>>) target(%arg8 : memref<128x128xf32, #tpu.memory_space<vmem>>) offsets(%dma_start3A_42 : memref<128xi32, #tpu.memory_space<vmem>>) semaphore(%arg10 : memref<!tpu.dma_semaphore, #tpu.memory_space<semaphore_mem>>)
      %dma_wait3A = arith.constant 0 : i32
      %dma_wait3A_46 = tpu.memref_slice %arg6[%scan3A_39, %dma_wait3A] : memref<80x128xi32, #tpu.memory_space<vmem>> -> memref<1x128xi32, #tpu.memory_space<vmem>>
      %dma_wait3A_47 = tpu.memref_squeeze %dma_wait3A_46 : memref<1x128xi32, #tpu.memory_space<vmem>> -> memref<128xi32, #tpu.memory_space<vmem>>
      %dma_wait3A_48 = arith.constant 0 : i32
      %dma_wait3A_49 = arith.constant 0 : i32
      %dma_wait3A_50 = tpu.memref_slice %arg4[%dma_wait3A_48, %dma_wait3A_49] : memref<10240x128xf32, #tpu.memory_space<hbm>> -> memref<10240x128xf32, #tpu.memory_space<hbm>>
      tpu.wait_indirect_dma semaphore(%arg10 : memref<!tpu.dma_semaphore, #tpu.memory_space<semaphore_mem>>) src(%dma_wait3A_50 : memref<10240x128xf32, #tpu.memory_space<hbm>>) dst(%arg8 : memref<128x128xf32, #tpu.memory_space<vmem>>)
      "tpu.region"() ({
        %run_scoped3A = tpu.sem_alloc : memref<!tpu.dma_semaphore, #tpu.memory_space<semaphore_mem>>
        %dma_start3A_52 = arith.constant 0 : i32
        %dma_start3A_53 = tpu.memref_slice %arg7[%scan3A_39, %dma_start3A_52] : memref<80x128xi32, #tpu.memory_space<vmem>> -> memref<1x128xi32, #tpu.memory_space<vmem>>
        %dma_start3A_54 = tpu.memref_squeeze %dma_start3A_53 : memref<1x128xi32, #tpu.memory_space<vmem>> -> memref<128xi32, #tpu.memory_space<vmem>>
        %dma_start3A_55 = arith.constant 0 : i32
        %dma_start3A_56 = arith.constant 0 : i32
        %dma_start3A_57 = tpu.memref_slice %arg9[%dma_start3A_55, %dma_start3A_56] : memref<10240x128xf32, #tpu.memory_space<vmem_shared>> -> memref<10240x128xf32, #tpu.memory_space<vmem_shared>>
        tpu.enqueue_indirect_dma source(%arg8 : memref<128x128xf32, #tpu.memory_space<vmem>>) target(%dma_start3A_57 : memref<10240x128xf32, #tpu.memory_space<vmem_shared>>) offsets(%dma_start3A_54 : memref<128xi32, #tpu.memory_space<vmem>>) semaphore(%run_scoped3A : memref<!tpu.dma_semaphore, #tpu.memory_space<semaphore_mem>>) {add = true}
        %dma_wait3A_58 = arith.constant 0 : i32
        %dma_wait3A_59 = tpu.memref_slice %arg7[%scan3A_39, %dma_wait3A_58] : memref<80x128xi32, #tpu.memory_space<vmem>> -> memref<1x128xi32, #tpu.memory_space<vmem>>
        %dma_wait3A_60 = tpu.memref_squeeze %dma_wait3A_59 : memref<1x128xi32, #tpu.memory_space<vmem>> -> memref<128xi32, #tpu.memory_space<vmem>>
        %dma_wait3A_61 = arith.constant 0 : i32
        %dma_wait3A_62 = arith.constant 0 : i32
        %dma_wait3A_63 = tpu.memref_slice %arg9[%dma_wait3A_61, %dma_wait3A_62] : memref<10240x128xf32, #tpu.memory_space<vmem_shared>> -> memref<10240x128xf32, #tpu.memory_space<vmem_shared>>
        tpu.wait_indirect_dma semaphore(%run_scoped3A : memref<!tpu.dma_semaphore, #tpu.memory_space<semaphore_mem>>) src(%arg8 : memref<128x128xf32, #tpu.memory_space<vmem>>) dst(%dma_wait3A_63 : memref<10240x128xf32, #tpu.memory_space<vmem_shared>>)
        tpu.yield
      }) : () -> ()
      %scan3A_51 = arith.constant 0 : i32
      scf.yield %scan3A_51 : i32
    }
    %scan3A_33 = arith.constant 80 : i32
    %barrier3A_34 = arith.constant 0 : index
    tpu.barrier barrier_id(%barrier3A_34)
    %mul3A_35 = arith.constant 640 : i32
    %mul3A_36 = arith.muli %arg1, %mul3A_35 : i32
    %mul3A_37 = arith.constant 640 : i32
    %mul3A_38 = arith.muli %arg1, %mul3A_37 : i32
    "tpu.region"() ({
      %run_scoped3A = tpu.sem_alloc : memref<!tpu.dma_semaphore, #tpu.memory_space<semaphore_mem>>
      %dma_start3A = arith.constant 0 : i32
      %dma_start3A_39 = tpu.memref_slice %arg5[%arg0, %mul3A_38, %dma_start3A] : memref<2x10240x128xf32, #tpu.memory_space<hbm>> -> memref<1x640x128xf32, #tpu.memory_space<hbm>>
      %dma_start3A_40 = tpu.memref_squeeze %dma_start3A_39 : memref<1x640x128xf32, #tpu.memory_space<hbm>> -> memref<640x128xf32, #tpu.memory_space<hbm>>
      %dma_start3A_41 = arith.constant 0 : i32
      %dma_start3A_42 = tpu.memref_slice %arg9[%mul3A_36, %dma_start3A_41] : memref<10240x128xf32, #tpu.memory_space<vmem_shared>> -> memref<640x128xf32, #tpu.memory_space<vmem_shared>>
      tpu.enqueue_dma source(%dma_start3A_42 : memref<640x128xf32, #tpu.memory_space<vmem_shared>>) target(%dma_start3A_40 : memref<640x128xf32, #tpu.memory_space<hbm>>) target_semaphore(%run_scoped3A : memref<!tpu.dma_semaphore, #tpu.memory_space<semaphore_mem>>)
      %dma_wait3A = arith.constant 0 : i32
      %dma_wait3A_43 = tpu.memref_slice %arg5[%arg0, %mul3A_38, %dma_wait3A] : memref<2x10240x128xf32, #tpu.memory_space<hbm>> -> memref<1x640x128xf32, #tpu.memory_space<hbm>>
      %dma_wait3A_44 = tpu.memref_squeeze %dma_wait3A_43 : memref<1x640x128xf32, #tpu.memory_space<hbm>> -> memref<640x128xf32, #tpu.memory_space<hbm>>
      %dma_wait3A_45 = arith.constant 0 : i32
      %dma_wait3A_46 = tpu.memref_slice %arg9[%mul3A_36, %dma_wait3A_45] : memref<10240x128xf32, #tpu.memory_space<vmem_shared>> -> memref<640x128xf32, #tpu.memory_space<vmem_shared>>
      tpu.wait_dma2 semaphore(%run_scoped3A : memref<!tpu.dma_semaphore, #tpu.memory_space<semaphore_mem>>) src(%dma_wait3A_46 : memref<640x128xf32, #tpu.memory_space<vmem_shared>>) dst(%dma_wait3A_44 : memref<640x128xf32, #tpu.memory_space<hbm>>)
      tpu.yield
    }) : () -> ()
    return
  }
}

#map = affine_map<(d0, d1) -> (0, 0, 0)>
module attributes {stable_mosaic.version = 14 : i64} {
  func.func @_sc_degree(%arg0: i32, %arg1: i32, %arg2: memref<32x80x128xi32, #tpu.memory_space<hbm>>, %arg3: memref<2x10240x16xf32, #tpu.memory_space<hbm>>, %arg4: memref<80x128xi32, #tpu.memory_space<vmem>>, %arg5: memref<128x16xf32, #tpu.memory_space<vmem>>, %arg6: memref<10240x16xf32, #tpu.memory_space<vmem_shared>>) attributes {dimension_semantics = [#tpu.dimension_semantics<core_parallel>, #tpu.dimension_semantics<subcore_parallel>], iteration_bounds = array<i64: 2, 16>, scalar_prefetch = 0 : i64, scratch_operands = 3 : i64, tpu.core_type = #tpu.core_type<sc_vector_subcore>, window_params = [{transform_indices = #map}, {transform_indices = #map}]} {
    %mul3A = arith.constant 16 : i32
    %mul3A_0 = arith.muli %arg0, %mul3A : i32
    %add3A = arith.addi %mul3A_0, %arg1 : i32
    %scan3A = arith.constant 0 : i32
    %scan3A_1 = arith.constant 0 : i32
    %scan3A_2 = arith.constant 128 : i32
    %scan3A_3 = arith.addi %scan3A_1, %scan3A_2 : i32
    %scan3A_4 = arith.constant 1 : i32
    %scan3A_5 = scf.for %scan3A_46 = %scan3A_1 to %scan3A_3 step %scan3A_4 iter_args(%scan3A_47 = %scan3A) -> (i32)  : i32 {
      %broadcast_in_dim3A = arith.constant 0.000000e+00 : f32
      %broadcast_in_dim3A_48 = vector.broadcast %broadcast_in_dim3A : f32 to vector<16xf32>
      %swap3A = arith.index_cast %scan3A_46 : i32 to index
      %swap3A_49 = arith.constant 0 : index
      %swap3A_50 = tpu.vector_load %arg5[%swap3A, %swap3A_49] {strides = array<i32>} : memref<128x16xf32, #tpu.memory_space<vmem>>, vector<1x16xf32>,
      %swap3A_51 = vector.shape_cast %swap3A_50 : vector<1x16xf32> to vector<16xf32>
      %swap3A_52 = vector.shape_cast %broadcast_in_dim3A_48 : vector<16xf32> to vector<1x16xf32>
      tpu.vector_store %arg5[%swap3A, %swap3A_49], %swap3A_52 {strides = array<i32>} : memref<128x16xf32, #tpu.memory_space<vmem>>, vector<1x16xf32>,
      %scan3A_53 = arith.constant 0 : i32
      scf.yield %scan3A_53 : i32
    }
    %scan3A_6 = arith.constant 128 : i32
    %mul3A_7 = arith.constant 640 : i32
    %mul3A_8 = arith.muli %arg1, %mul3A_7 : i32
    %add3A_9 = arith.constant 0 : i32
    %add3A_10 = arith.addi %mul3A_8, %add3A_9 : i32
    "tpu.region"() ({
      %run_scoped3A = tpu.sem_alloc : memref<!tpu.dma_semaphore, #tpu.memory_space<semaphore_mem>>
      %dma_start3A = arith.constant 0 : i32
      %dma_start3A_46 = tpu.memref_slice %arg6[%add3A_10, %dma_start3A] : memref<10240x16xf32, #tpu.memory_space<vmem_shared>> -> memref<128x16xf32, #tpu.memory_space<vmem_shared>>
      %dma_start3A_47 = arith.constant 0 : i32
      %dma_start3A_48 = tpu.memref_slice %arg6[%add3A_10, %dma_start3A_47] : memref<10240x16xf32, #tpu.memory_space<vmem_shared>> -> memref<128x16xf32, #tpu.memory_space<vmem_shared>>
      tpu.enqueue_dma source(%arg5 : memref<128x16xf32, #tpu.memory_space<vmem>>) target(%dma_start3A_48 : memref<128x16xf32, #tpu.memory_space<vmem_shared>>) target_semaphore(%run_scoped3A : memref<!tpu.dma_semaphore, #tpu.memory_space<semaphore_mem>>)
      %dma_wait3A = arith.constant 0 : i32
      %dma_wait3A_49 = tpu.memref_slice %arg6[%add3A_10, %dma_wait3A] : memref<10240x16xf32, #tpu.memory_space<vmem_shared>> -> memref<128x16xf32, #tpu.memory_space<vmem_shared>>
      %dma_wait3A_50 = arith.constant 0 : i32
      %dma_wait3A_51 = tpu.memref_slice %arg6[%add3A_10, %dma_wait3A_50] : memref<10240x16xf32, #tpu.memory_space<vmem_shared>> -> memref<128x16xf32, #tpu.memory_space<vmem_shared>>
      tpu.wait_dma2 semaphore(%run_scoped3A : memref<!tpu.dma_semaphore, #tpu.memory_space<semaphore_mem>>) src(%arg5 : memref<128x16xf32, #tpu.memory_space<vmem>>) dst(%dma_wait3A_51 : memref<128x16xf32, #tpu.memory_space<vmem_shared>>)
      tpu.yield
    }) : () -> ()
    %mul3A_11 = arith.constant 640 : i32
    %mul3A_12 = arith.muli %arg1, %mul3A_11 : i32
    %add3A_13 = arith.constant 128 : i32
    %add3A_14 = arith.addi %mul3A_12, %add3A_13 : i32
    "tpu.region"() ({
      %run_scoped3A = tpu.sem_alloc : memref<!tpu.dma_semaphore, #tpu.memory_space<semaphore_mem>>
      %dma_start3A = arith.constant 0 : i32
      %dma_start3A_46 = tpu.memref_slice %arg6[%add3A_14, %dma_start3A] : memref<10240x16xf32, #tpu.memory_space<vmem_shared>> -> memref<128x16xf32, #tpu.memory_space<vmem_shared>>
      %dma_start3A_47 = arith.constant 0 : i32
      %dma_start3A_48 = tpu.memref_slice %arg6[%add3A_14, %dma_start3A_47] : memref<10240x16xf32, #tpu.memory_space<vmem_shared>> -> memref<128x16xf32, #tpu.memory_space<vmem_shared>>
      tpu.enqueue_dma source(%arg5 : memref<128x16xf32, #tpu.memory_space<vmem>>) target(%dma_start3A_48 : memref<128x16xf32, #tpu.memory_space<vmem_shared>>) target_semaphore(%run_scoped3A : memref<!tpu.dma_semaphore, #tpu.memory_space<semaphore_mem>>)
      %dma_wait3A = arith.constant 0 : i32
      %dma_wait3A_49 = tpu.memref_slice %arg6[%add3A_14, %dma_wait3A] : memref<10240x16xf32, #tpu.memory_space<vmem_shared>> -> memref<128x16xf32, #tpu.memory_space<vmem_shared>>
      %dma_wait3A_50 = arith.constant 0 : i32
      %dma_wait3A_51 = tpu.memref_slice %arg6[%add3A_14, %dma_wait3A_50] : memref<10240x16xf32, #tpu.memory_space<vmem_shared>> -> memref<128x16xf32, #tpu.memory_space<vmem_shared>>
      tpu.wait_dma2 semaphore(%run_scoped3A : memref<!tpu.dma_semaphore, #tpu.memory_space<semaphore_mem>>) src(%arg5 : memref<128x16xf32, #tpu.memory_space<vmem>>) dst(%dma_wait3A_51 : memref<128x16xf32, #tpu.memory_space<vmem_shared>>)
      tpu.yield
    }) : () -> ()
    %mul3A_15 = arith.constant 640 : i32
    %mul3A_16 = arith.muli %arg1, %mul3A_15 : i32
    %add3A_17 = arith.constant 256 : i32
    %add3A_18 = arith.addi %mul3A_16, %add3A_17 : i32
    "tpu.region"() ({
      %run_scoped3A = tpu.sem_alloc : memref<!tpu.dma_semaphore, #tpu.memory_space<semaphore_mem>>
      %dma_start3A = arith.constant 0 : i32
      %dma_start3A_46 = tpu.memref_slice %arg6[%add3A_18, %dma_start3A] : memref<10240x16xf32, #tpu.memory_space<vmem_shared>> -> memref<128x16xf32, #tpu.memory_space<vmem_shared>>
      %dma_start3A_47 = arith.constant 0 : i32
      %dma_start3A_48 = tpu.memref_slice %arg6[%add3A_18, %dma_start3A_47] : memref<10240x16xf32, #tpu.memory_space<vmem_shared>> -> memref<128x16xf32, #tpu.memory_space<vmem_shared>>
      tpu.enqueue_dma source(%arg5 : memref<128x16xf32, #tpu.memory_space<vmem>>) target(%dma_start3A_48 : memref<128x16xf32, #tpu.memory_space<vmem_shared>>) target_semaphore(%run_scoped3A : memref<!tpu.dma_semaphore, #tpu.memory_space<semaphore_mem>>)
      %dma_wait3A = arith.constant 0 : i32
      %dma_wait3A_49 = tpu.memref_slice %arg6[%add3A_18, %dma_wait3A] : memref<10240x16xf32, #tpu.memory_space<vmem_shared>> -> memref<128x16xf32, #tpu.memory_space<vmem_shared>>
      %dma_wait3A_50 = arith.constant 0 : i32
      %dma_wait3A_51 = tpu.memref_slice %arg6[%add3A_18, %dma_wait3A_50] : memref<10240x16xf32, #tpu.memory_space<vmem_shared>> -> memref<128x16xf32, #tpu.memory_space<vmem_shared>>
      tpu.wait_dma2 semaphore(%run_scoped3A : memref<!tpu.dma_semaphore, #tpu.memory_space<semaphore_mem>>) src(%arg5 : memref<128x16xf32, #tpu.memory_space<vmem>>) dst(%dma_wait3A_51 : memref<128x16xf32, #tpu.memory_space<vmem_shared>>)
      tpu.yield
    }) : () -> ()
    %mul3A_19 = arith.constant 640 : i32
    %mul3A_20 = arith.muli %arg1, %mul3A_19 : i32
    %add3A_21 = arith.constant 384 : i32
    %add3A_22 = arith.addi %mul3A_20, %add3A_21 : i32
    "tpu.region"() ({
      %run_scoped3A = tpu.sem_alloc : memref<!tpu.dma_semaphore, #tpu.memory_space<semaphore_mem>>
      %dma_start3A = arith.constant 0 : i32
      %dma_start3A_46 = tpu.memref_slice %arg6[%add3A_22, %dma_start3A] : memref<10240x16xf32, #tpu.memory_space<vmem_shared>> -> memref<128x16xf32, #tpu.memory_space<vmem_shared>>
      %dma_start3A_47 = arith.constant 0 : i32
      %dma_start3A_48 = tpu.memref_slice %arg6[%add3A_22, %dma_start3A_47] : memref<10240x16xf32, #tpu.memory_space<vmem_shared>> -> memref<128x16xf32, #tpu.memory_space<vmem_shared>>
      tpu.enqueue_dma source(%arg5 : memref<128x16xf32, #tpu.memory_space<vmem>>) target(%dma_start3A_48 : memref<128x16xf32, #tpu.memory_space<vmem_shared>>) target_semaphore(%run_scoped3A : memref<!tpu.dma_semaphore, #tpu.memory_space<semaphore_mem>>)
      %dma_wait3A = arith.constant 0 : i32
      %dma_wait3A_49 = tpu.memref_slice %arg6[%add3A_22, %dma_wait3A] : memref<10240x16xf32, #tpu.memory_space<vmem_shared>> -> memref<128x16xf32, #tpu.memory_space<vmem_shared>>
      %dma_wait3A_50 = arith.constant 0 : i32
      %dma_wait3A_51 = tpu.memref_slice %arg6[%add3A_22, %dma_wait3A_50] : memref<10240x16xf32, #tpu.memory_space<vmem_shared>> -> memref<128x16xf32, #tpu.memory_space<vmem_shared>>
      tpu.wait_dma2 semaphore(%run_scoped3A : memref<!tpu.dma_semaphore, #tpu.memory_space<semaphore_mem>>) src(%arg5 : memref<128x16xf32, #tpu.memory_space<vmem>>) dst(%dma_wait3A_51 : memref<128x16xf32, #tpu.memory_space<vmem_shared>>)
      tpu.yield
    }) : () -> ()
    %mul3A_23 = arith.constant 640 : i32
    %mul3A_24 = arith.muli %arg1, %mul3A_23 : i32
    %add3A_25 = arith.constant 512 : i32
    %add3A_26 = arith.addi %mul3A_24, %add3A_25 : i32
    "tpu.region"() ({
      %run_scoped3A = tpu.sem_alloc : memref<!tpu.dma_semaphore, #tpu.memory_space<semaphore_mem>>
      %dma_start3A = arith.constant 0 : i32
      %dma_start3A_46 = tpu.memref_slice %arg6[%add3A_26, %dma_start3A] : memref<10240x16xf32, #tpu.memory_space<vmem_shared>> -> memref<128x16xf32, #tpu.memory_space<vmem_shared>>
      %dma_start3A_47 = arith.constant 0 : i32
      %dma_start3A_48 = tpu.memref_slice %arg6[%add3A_26, %dma_start3A_47] : memref<10240x16xf32, #tpu.memory_space<vmem_shared>> -> memref<128x16xf32, #tpu.memory_space<vmem_shared>>
      tpu.enqueue_dma source(%arg5 : memref<128x16xf32, #tpu.memory_space<vmem>>) target(%dma_start3A_48 : memref<128x16xf32, #tpu.memory_space<vmem_shared>>) target_semaphore(%run_scoped3A : memref<!tpu.dma_semaphore, #tpu.memory_space<semaphore_mem>>)
      %dma_wait3A = arith.constant 0 : i32
      %dma_wait3A_49 = tpu.memref_slice %arg6[%add3A_26, %dma_wait3A] : memref<10240x16xf32, #tpu.memory_space<vmem_shared>> -> memref<128x16xf32, #tpu.memory_space<vmem_shared>>
      %dma_wait3A_50 = arith.constant 0 : i32
      %dma_wait3A_51 = tpu.memref_slice %arg6[%add3A_26, %dma_wait3A_50] : memref<10240x16xf32, #tpu.memory_space<vmem_shared>> -> memref<128x16xf32, #tpu.memory_space<vmem_shared>>
      tpu.wait_dma2 semaphore(%run_scoped3A : memref<!tpu.dma_semaphore, #tpu.memory_space<semaphore_mem>>) src(%arg5 : memref<128x16xf32, #tpu.memory_space<vmem>>) dst(%dma_wait3A_51 : memref<128x16xf32, #tpu.memory_space<vmem_shared>>)
      tpu.yield
    }) : () -> ()
    %scan3A_27 = arith.constant 0 : i32
    %scan3A_28 = arith.constant 0 : i32
    %scan3A_29 = arith.constant 128 : i32
    %scan3A_30 = arith.addi %scan3A_28, %scan3A_29 : i32
    %scan3A_31 = arith.constant 1 : i32
    %scan3A_32 = scf.for %scan3A_46 = %scan3A_28 to %scan3A_30 step %scan3A_31 iter_args(%scan3A_47 = %scan3A_27) -> (i32)  : i32 {
      %broadcast_in_dim3A = arith.constant 1.000000e+00 : f32
      %broadcast_in_dim3A_48 = vector.broadcast %broadcast_in_dim3A : f32 to vector<16xf32>
      %swap3A = arith.index_cast %scan3A_46 : i32 to index
      %swap3A_49 = arith.constant 0 : index
      %swap3A_50 = tpu.vector_load %arg5[%swap3A, %swap3A_49] {strides = array<i32>} : memref<128x16xf32, #tpu.memory_space<vmem>>, vector<1x16xf32>,
      %swap3A_51 = vector.shape_cast %swap3A_50 : vector<1x16xf32> to vector<16xf32>
      %swap3A_52 = vector.shape_cast %broadcast_in_dim3A_48 : vector<16xf32> to vector<1x16xf32>
      tpu.vector_store %arg5[%swap3A, %swap3A_49], %swap3A_52 {strides = array<i32>} : memref<128x16xf32, #tpu.memory_space<vmem>>, vector<1x16xf32>,
      %scan3A_53 = arith.constant 0 : i32
      scf.yield %scan3A_53 : i32
    }
    %scan3A_33 = arith.constant 128 : i32
    "tpu.region"() ({
      %run_scoped3A = tpu.sem_alloc : memref<!tpu.dma_semaphore, #tpu.memory_space<semaphore_mem>>
      %dma_start3A = arith.constant 0 : i32
      %dma_start3A_46 = arith.constant 0 : i32
      %dma_start3A_47 = tpu.memref_slice %arg2[%add3A, %dma_start3A, %dma_start3A_46] : memref<32x80x128xi32, #tpu.memory_space<hbm>> -> memref<1x80x128xi32, #tpu.memory_space<hbm>>
      %dma_start3A_48 = tpu.memref_squeeze %dma_start3A_47 : memref<1x80x128xi32, #tpu.memory_space<hbm>> -> memref<80x128xi32, #tpu.memory_space<hbm>>
      %dma_start3A_49 = arith.constant 0 : i32
      %dma_start3A_50 = arith.constant 0 : i32
      %dma_start3A_51 = tpu.memref_slice %arg2[%add3A, %dma_start3A_49, %dma_start3A_50] : memref<32x80x128xi32, #tpu.memory_space<hbm>> -> memref<1x80x128xi32, #tpu.memory_space<hbm>>
      %dma_start3A_52 = tpu.memref_squeeze %dma_start3A_51 : memref<1x80x128xi32, #tpu.memory_space<hbm>> -> memref<80x128xi32, #tpu.memory_space<hbm>>
      tpu.enqueue_dma source(%dma_start3A_52 : memref<80x128xi32, #tpu.memory_space<hbm>>) target(%arg4 : memref<80x128xi32, #tpu.memory_space<vmem>>) target_semaphore(%run_scoped3A : memref<!tpu.dma_semaphore, #tpu.memory_space<semaphore_mem>>)
      %dma_wait3A = arith.constant 0 : i32
      %dma_wait3A_53 = arith.constant 0 : i32
      %dma_wait3A_54 = tpu.memref_slice %arg2[%add3A, %dma_wait3A, %dma_wait3A_53] : memref<32x80x128xi32, #tpu.memory_space<hbm>> -> memref<1x80x128xi32, #tpu.memory_space<hbm>>
      %dma_wait3A_55 = tpu.memref_squeeze %dma_wait3A_54 : memref<1x80x128xi32, #tpu.memory_space<hbm>> -> memref<80x128xi32, #tpu.memory_space<hbm>>
      %dma_wait3A_56 = arith.constant 0 : i32
      %dma_wait3A_57 = arith.constant 0 : i32
      %dma_wait3A_58 = tpu.memref_slice %arg2[%add3A, %dma_wait3A_56, %dma_wait3A_57] : memref<32x80x128xi32, #tpu.memory_space<hbm>> -> memref<1x80x128xi32, #tpu.memory_space<hbm>>
      %dma_wait3A_59 = tpu.memref_squeeze %dma_wait3A_58 : memref<1x80x128xi32, #tpu.memory_space<hbm>> -> memref<80x128xi32, #tpu.memory_space<hbm>>
      tpu.wait_dma2 semaphore(%run_scoped3A : memref<!tpu.dma_semaphore, #tpu.memory_space<semaphore_mem>>) src(%dma_wait3A_59 : memref<80x128xi32, #tpu.memory_space<hbm>>) dst(%arg4 : memref<80x128xi32, #tpu.memory_space<vmem>>)
      tpu.yield
    }) : () -> ()
    %barrier3A = arith.constant 0 : index
    tpu.barrier barrier_id(%barrier3A)
    %scan3A_34 = arith.constant 0 : i32
    %scan3A_35 = arith.constant 0 : i32
    %scan3A_36 = arith.constant 80 : i32
    %scan3A_37 = arith.addi %scan3A_35, %scan3A_36 : i32
    %scan3A_38 = arith.constant 1 : i32
    %scan3A_39 = scf.for %scan3A_46 = %scan3A_35 to %scan3A_37 step %scan3A_38 iter_args(%scan3A_47 = %scan3A_34) -> (i32)  : i32 {
      "tpu.region"() ({
        %run_scoped3A = tpu.sem_alloc : memref<!tpu.dma_semaphore, #tpu.memory_space<semaphore_mem>>
        %dma_start3A = arith.constant 0 : i32
        %dma_start3A_49 = tpu.memref_slice %arg4[%scan3A_46, %dma_start3A] : memref<80x128xi32, #tpu.memory_space<vmem>> -> memref<1x128xi32, #tpu.memory_space<vmem>>
        %dma_start3A_50 = tpu.memref_squeeze %dma_start3A_49 : memref<1x128xi32, #tpu.memory_space<vmem>> -> memref<128xi32, #tpu.memory_space<vmem>>
        %dma_start3A_51 = arith.constant 0 : i32
        %dma_start3A_52 = arith.constant 0 : i32
        %dma_start3A_53 = tpu.memref_slice %arg6[%dma_start3A_51, %dma_start3A_52] : memref<10240x16xf32, #tpu.memory_space<vmem_shared>> -> memref<10240x16xf32, #tpu.memory_space<vmem_shared>>
        tpu.enqueue_indirect_dma source(%arg5 : memref<128x16xf32, #tpu.memory_space<vmem>>) target(%dma_start3A_53 : memref<10240x16xf32, #tpu.memory_space<vmem_shared>>) offsets(%dma_start3A_50 : memref<128xi32, #tpu.memory_space<vmem>>) semaphore(%run_scoped3A : memref<!tpu.dma_semaphore, #tpu.memory_space<semaphore_mem>>) {add = true}
        %dma_wait3A = arith.constant 0 : i32
        %dma_wait3A_54 = tpu.memref_slice %arg4[%scan3A_46, %dma_wait3A] : memref<80x128xi32, #tpu.memory_space<vmem>> -> memref<1x128xi32, #tpu.memory_space<vmem>>
        %dma_wait3A_55 = tpu.memref_squeeze %dma_wait3A_54 : memref<1x128xi32, #tpu.memory_space<vmem>> -> memref<128xi32, #tpu.memory_space<vmem>>
        %dma_wait3A_56 = arith.constant 0 : i32
        %dma_wait3A_57 = arith.constant 0 : i32
        %dma_wait3A_58 = tpu.memref_slice %arg6[%dma_wait3A_56, %dma_wait3A_57] : memref<10240x16xf32, #tpu.memory_space<vmem_shared>> -> memref<10240x16xf32, #tpu.memory_space<vmem_shared>>
        tpu.wait_indirect_dma semaphore(%run_scoped3A : memref<!tpu.dma_semaphore, #tpu.memory_space<semaphore_mem>>) src(%arg5 : memref<128x16xf32, #tpu.memory_space<vmem>>) dst(%dma_wait3A_58 : memref<10240x16xf32, #tpu.memory_space<vmem_shared>>)
        tpu.yield
      }) : () -> ()
      %scan3A_48 = arith.constant 0 : i32
      scf.yield %scan3A_48 : i32
    }
    %scan3A_40 = arith.constant 80 : i32
    %barrier3A_41 = arith.constant 0 : index
    tpu.barrier barrier_id(%barrier3A_41)
    %mul3A_42 = arith.constant 640 : i32
    %mul3A_43 = arith.muli %arg1, %mul3A_42 : i32
    %mul3A_44 = arith.constant 640 : i32
    %mul3A_45 = arith.muli %arg1, %mul3A_44 : i32
    "tpu.region"() ({
      %run_scoped3A = tpu.sem_alloc : memref<!tpu.dma_semaphore, #tpu.memory_space<semaphore_mem>>
      %dma_start3A = arith.constant 0 : i32
      %dma_start3A_46 = tpu.memref_slice %arg3[%arg0, %mul3A_45, %dma_start3A] : memref<2x10240x16xf32, #tpu.memory_space<hbm>> -> memref<1x640x16xf32, #tpu.memory_space<hbm>>
      %dma_start3A_47 = tpu.memref_squeeze %dma_start3A_46 : memref<1x640x16xf32, #tpu.memory_space<hbm>> -> memref<640x16xf32, #tpu.memory_space<hbm>>
      %dma_start3A_48 = arith.constant 0 : i32
      %dma_start3A_49 = tpu.memref_slice %arg6[%mul3A_43, %dma_start3A_48] : memref<10240x16xf32, #tpu.memory_space<vmem_shared>> -> memref<640x16xf32, #tpu.memory_space<vmem_shared>>
      tpu.enqueue_dma source(%dma_start3A_49 : memref<640x16xf32, #tpu.memory_space<vmem_shared>>) target(%dma_start3A_47 : memref<640x16xf32, #tpu.memory_space<hbm>>) target_semaphore(%run_scoped3A : memref<!tpu.dma_semaphore, #tpu.memory_space<semaphore_mem>>)
      %dma_wait3A = arith.constant 0 : i32
      %dma_wait3A_50 = tpu.memref_slice %arg3[%arg0, %mul3A_45, %dma_wait3A] : memref<2x10240x16xf32, #tpu.memory_space<hbm>> -> memref<1x640x16xf32, #tpu.memory_space<hbm>>
      %dma_wait3A_51 = tpu.memref_squeeze %dma_wait3A_50 : memref<1x640x16xf32, #tpu.memory_space<hbm>> -> memref<640x16xf32, #tpu.memory_space<hbm>>
      %dma_wait3A_52 = arith.constant 0 : i32
      %dma_wait3A_53 = tpu.memref_slice %arg6[%mul3A_43, %dma_wait3A_52] : memref<10240x16xf32, #tpu.memory_space<vmem_shared>> -> memref<640x16xf32, #tpu.memory_space<vmem_shared>>
      tpu.wait_dma2 semaphore(%run_scoped3A : memref<!tpu.dma_semaphore, #tpu.memory_space<semaphore_mem>>) src(%dma_wait3A_53 : memref<640x16xf32, #tpu.memory_space<vmem_shared>>) dst(%dma_wait3A_51 : memref<640x16xf32, #tpu.memory_space<hbm>>)
      tpu.yield
    }) : () -> ()
    return
  }
}

#map = affine_map<(d0, d1) -> (0, 0, 0)>
#map1 = affine_map<(d0, d1) -> (0, 0)>
module attributes {stable_mosaic.version = 14 : i64} {
  func.func @_sc_segsum(%arg0: i32, %arg1: i32, %arg2: memref<32x80x128xi32, #tpu.memory_space<hbm>>, %arg3: memref<32x80x128xi32, #tpu.memory_space<hbm>>, %arg4: memref<10240x128xf32, #tpu.memory_space<hbm>>, %arg5: memref<2x10240x128xf32, #tpu.memory_space<hbm>>, %arg6: memref<80x128xi32, #tpu.memory_space<vmem>>, %arg7: memref<80x128xi32, #tpu.memory_space<vmem>>, %arg8: memref<128x128xf32, #tpu.memory_space<vmem>>, %arg9: memref<10240x128xf32, #tpu.memory_space<vmem_shared>>, %arg10: memref<!tpu.dma_semaphore, #tpu.memory_space<semaphore_mem>>) attributes {dimension_semantics = [#tpu.dimension_semantics<core_parallel>, #tpu.dimension_semantics<subcore_parallel>], iteration_bounds = array<i64: 2, 16>, scalar_prefetch = 0 : i64, scratch_operands = 5 : i64, tpu.core_type = #tpu.core_type<sc_vector_subcore>, window_params = [{transform_indices = #map}, {transform_indices = #map}, {transform_indices = #map1}, {transform_indices = #map}]} {
    %mul3A = arith.constant 16 : i32
    %mul3A_0 = arith.muli %arg0, %mul3A : i32
    %add3A = arith.addi %mul3A_0, %arg1 : i32
    %scan3A = arith.constant 0 : i32
    %scan3A_1 = arith.constant 0 : i32
    %scan3A_2 = arith.constant 128 : i32
    %scan3A_3 = arith.addi %scan3A_1, %scan3A_2 : i32
    %scan3A_4 = arith.constant 1 : i32
    %scan3A_5 = scf.for %scan3A_39 = %scan3A_1 to %scan3A_3 step %scan3A_4 iter_args(%scan3A_40 = %scan3A) -> (i32)  : i32 {
      %broadcast_in_dim3A = arith.constant 0.000000e+00 : f32
      %broadcast_in_dim3A_41 = vector.broadcast %broadcast_in_dim3A : f32 to vector<16xf32>
      %swap3A = arith.index_cast %scan3A_39 : i32 to index
      %swap3A_42 = arith.constant 0 : index
      %swap3A_43 = tpu.vector_load %arg8[%swap3A, %swap3A_42] {strides = array<i32>} : memref<128x128xf32, #tpu.memory_space<vmem>>, vector<1x16xf32>,
      %swap3A_44 = vector.shape_cast %swap3A_43 : vector<1x16xf32> to vector<16xf32>
      %swap3A_45 = vector.shape_cast %broadcast_in_dim3A_41 : vector<16xf32> to vector<1x16xf32>
      tpu.vector_store %arg8[%swap3A, %swap3A_42], %swap3A_45 {strides = array<i32>} : memref<128x128xf32, #tpu.memory_space<vmem>>, vector<1x16xf32>,
      %broadcast_in_dim3A_46 = arith.constant 0.000000e+00 : f32
      %broadcast_in_dim3A_47 = vector.broadcast %broadcast_in_dim3A_46 : f32 to vector<16xf32>
      %swap3A_48 = arith.index_cast %scan3A_39 : i32 to index
      %swap3A_49 = arith.constant 16 : index
      %swap3A_50 = tpu.vector_load %arg8[%swap3A_48, %swap3A_49] {strides = array<i32>} : memref<128x128xf32, #tpu.memory_space<vmem>>, vector<1x16xf32>,
      %swap3A_51 = vector.shape_cast %swap3A_50 : vector<1x16xf32> to vector<16xf32>
      %swap3A_52 = vector.shape_cast %broadcast_in_dim3A_47 : vector<16xf32> to vector<1x16xf32>
      tpu.vector_store %arg8[%swap3A_48, %swap3A_49], %swap3A_52 {strides = array<i32>} : memref<128x128xf32, #tpu.memory_space<vmem>>, vector<1x16xf32>,
      %broadcast_in_dim3A_53 = arith.constant 0.000000e+00 : f32
      %broadcast_in_dim3A_54 = vector.broadcast %broadcast_in_dim3A_53 : f32 to vector<16xf32>
      %swap3A_55 = arith.index_cast %scan3A_39 : i32 to index
      %swap3A_56 = arith.constant 32 : index
      %swap3A_57 = tpu.vector_load %arg8[%swap3A_55, %swap3A_56] {strides = array<i32>} : memref<128x128xf32, #tpu.memory_space<vmem>>, vector<1x16xf32>,
      %swap3A_58 = vector.shape_cast %swap3A_57 : vector<1x16xf32> to vector<16xf32>
      %swap3A_59 = vector.shape_cast %broadcast_in_dim3A_54 : vector<16xf32> to vector<1x16xf32>
      tpu.vector_store %arg8[%swap3A_55, %swap3A_56], %swap3A_59 {strides = array<i32>} : memref<128x128xf32, #tpu.memory_space<vmem>>, vector<1x16xf32>,
      %broadcast_in_dim3A_60 = arith.constant 0.000000e+00 : f32
      %broadcast_in_dim3A_61 = vector.broadcast %broadcast_in_dim3A_60 : f32 to vector<16xf32>
      %swap3A_62 = arith.index_cast %scan3A_39 : i32 to index
      %swap3A_63 = arith.constant 48 : index
      %swap3A_64 = tpu.vector_load %arg8[%swap3A_62, %swap3A_63] {strides = array<i32>} : memref<128x128xf32, #tpu.memory_space<vmem>>, vector<1x16xf32>,
      %swap3A_65 = vector.shape_cast %swap3A_64 : vector<1x16xf32> to vector<16xf32>
      %swap3A_66 = vector.shape_cast %broadcast_in_dim3A_61 : vector<16xf32> to vector<1x16xf32>
      tpu.vector_store %arg8[%swap3A_62, %swap3A_63], %swap3A_66 {strides = array<i32>} : memref<128x128xf32, #tpu.memory_space<vmem>>, vector<1x16xf32>,
      %broadcast_in_dim3A_67 = arith.constant 0.000000e+00 : f32
      %broadcast_in_dim3A_68 = vector.broadcast %broadcast_in_dim3A_67 : f32 to vector<16xf32>
      %swap3A_69 = arith.index_cast %scan3A_39 : i32 to index
      %swap3A_70 = arith.constant 64 : index
      %swap3A_71 = tpu.vector_load %arg8[%swap3A_69, %swap3A_70] {strides = array<i32>} : memref<128x128xf32, #tpu.memory_space<vmem>>, vector<1x16xf32>,
      %swap3A_72 = vector.shape_cast %swap3A_71 : vector<1x16xf32> to vector<16xf32>
      %swap3A_73 = vector.shape_cast %broadcast_in_dim3A_68 : vector<16xf32> to vector<1x16xf32>
      tpu.vector_store %arg8[%swap3A_69, %swap3A_70], %swap3A_73 {strides = array<i32>} : memref<128x128xf32, #tpu.memory_space<vmem>>, vector<1x16xf32>,
      %broadcast_in_dim3A_74 = arith.constant 0.000000e+00 : f32
      %broadcast_in_dim3A_75 = vector.broadcast %broadcast_in_dim3A_74 : f32 to vector<16xf32>
      %swap3A_76 = arith.index_cast %scan3A_39 : i32 to index
      %swap3A_77 = arith.constant 80 : index
      %swap3A_78 = tpu.vector_load %arg8[%swap3A_76, %swap3A_77] {strides = array<i32>} : memref<128x128xf32, #tpu.memory_space<vmem>>, vector<1x16xf32>,
      %swap3A_79 = vector.shape_cast %swap3A_78 : vector<1x16xf32> to vector<16xf32>
      %swap3A_80 = vector.shape_cast %broadcast_in_dim3A_75 : vector<16xf32> to vector<1x16xf32>
      tpu.vector_store %arg8[%swap3A_76, %swap3A_77], %swap3A_80 {strides = array<i32>} : memref<128x128xf32, #tpu.memory_space<vmem>>, vector<1x16xf32>,
      %broadcast_in_dim3A_81 = arith.constant 0.000000e+00 : f32
      %broadcast_in_dim3A_82 = vector.broadcast %broadcast_in_dim3A_81 : f32 to vector<16xf32>
      %swap3A_83 = arith.index_cast %scan3A_39 : i32 to index
      %swap3A_84 = arith.constant 96 : index
      %swap3A_85 = tpu.vector_load %arg8[%swap3A_83, %swap3A_84] {strides = array<i32>} : memref<128x128xf32, #tpu.memory_space<vmem>>, vector<1x16xf32>,
      %swap3A_86 = vector.shape_cast %swap3A_85 : vector<1x16xf32> to vector<16xf32>
      %swap3A_87 = vector.shape_cast %broadcast_in_dim3A_82 : vector<16xf32> to vector<1x16xf32>
      tpu.vector_store %arg8[%swap3A_83, %swap3A_84], %swap3A_87 {strides = array<i32>} : memref<128x128xf32, #tpu.memory_space<vmem>>, vector<1x16xf32>,
      %broadcast_in_dim3A_88 = arith.constant 0.000000e+00 : f32
      %broadcast_in_dim3A_89 = vector.broadcast %broadcast_in_dim3A_88 : f32 to vector<16xf32>
      %swap3A_90 = arith.index_cast %scan3A_39 : i32 to index
      %swap3A_91 = arith.constant 112 : index
      %swap3A_92 = tpu.vector_load %arg8[%swap3A_90, %swap3A_91] {strides = array<i32>} : memref<128x128xf32, #tpu.memory_space<vmem>>, vector<1x16xf32>,
      %swap3A_93 = vector.shape_cast %swap3A_92 : vector<1x16xf32> to vector<16xf32>
      %swap3A_94 = vector.shape_cast %broadcast_in_dim3A_89 : vector<16xf32> to vector<1x16xf32>
      tpu.vector_store %arg8[%swap3A_90, %swap3A_91], %swap3A_94 {strides = array<i32>} : memref<128x128xf32, #tpu.memory_space<vmem>>, vector<1x16xf32>,
      %scan3A_95 = arith.constant 0 : i32
      scf.yield %scan3A_95 : i32
    }
    %scan3A_6 = arith.constant 128 : i32
    %mul3A_7 = arith.constant 640 : i32
    %mul3A_8 = arith.muli %arg1, %mul3A_7 : i32
    %add3A_9 = arith.constant 0 : i32
    %add3A_10 = arith.addi %mul3A_8, %add3A_9 : i32
    "tpu.region"() ({
      %run_scoped3A = tpu.sem_alloc : memref<!tpu.dma_semaphore, #tpu.memory_space<semaphore_mem>>
      %dma_start3A = arith.constant 0 : i32
      %dma_start3A_39 = tpu.memref_slice %arg9[%add3A_10, %dma_start3A] : memref<10240x128xf32, #tpu.memory_space<vmem_shared>> -> memref<128x128xf32, #tpu.memory_space<vmem_shared>>
      %dma_start3A_40 = arith.constant 0 : i32
      %dma_start3A_41 = tpu.memref_slice %arg9[%add3A_10, %dma_start3A_40] : memref<10240x128xf32, #tpu.memory_space<vmem_shared>> -> memref<128x128xf32, #tpu.memory_space<vmem_shared>>
      tpu.enqueue_dma source(%arg8 : memref<128x128xf32, #tpu.memory_space<vmem>>) target(%dma_start3A_41 : memref<128x128xf32, #tpu.memory_space<vmem_shared>>) target_semaphore(%run_scoped3A : memref<!tpu.dma_semaphore, #tpu.memory_space<semaphore_mem>>)
      %dma_wait3A = arith.constant 0 : i32
      %dma_wait3A_42 = tpu.memref_slice %arg9[%add3A_10, %dma_wait3A] : memref<10240x128xf32, #tpu.memory_space<vmem_shared>> -> memref<128x128xf32, #tpu.memory_space<vmem_shared>>
      %dma_wait3A_43 = arith.constant 0 : i32
      %dma_wait3A_44 = tpu.memref_slice %arg9[%add3A_10, %dma_wait3A_43] : memref<10240x128xf32, #tpu.memory_space<vmem_shared>> -> memref<128x128xf32, #tpu.memory_space<vmem_shared>>
      tpu.wait_dma2 semaphore(%run_scoped3A : memref<!tpu.dma_semaphore, #tpu.memory_space<semaphore_mem>>) src(%arg8 : memref<128x128xf32, #tpu.memory_space<vmem>>) dst(%dma_wait3A_44 : memref<128x128xf32, #tpu.memory_space<vmem_shared>>)
      tpu.yield
    }) : () -> ()
    %mul3A_11 = arith.constant 640 : i32
    %mul3A_12 = arith.muli %arg1, %mul3A_11 : i32
    %add3A_13 = arith.constant 128 : i32
    %add3A_14 = arith.addi %mul3A_12, %add3A_13 : i32
    "tpu.region"() ({
      %run_scoped3A = tpu.sem_alloc : memref<!tpu.dma_semaphore, #tpu.memory_space<semaphore_mem>>
      %dma_start3A = arith.constant 0 : i32
      %dma_start3A_39 = tpu.memref_slice %arg9[%add3A_14, %dma_start3A] : memref<10240x128xf32, #tpu.memory_space<vmem_shared>> -> memref<128x128xf32, #tpu.memory_space<vmem_shared>>
      %dma_start3A_40 = arith.constant 0 : i32
      %dma_start3A_41 = tpu.memref_slice %arg9[%add3A_14, %dma_start3A_40] : memref<10240x128xf32, #tpu.memory_space<vmem_shared>> -> memref<128x128xf32, #tpu.memory_space<vmem_shared>>
      tpu.enqueue_dma source(%arg8 : memref<128x128xf32, #tpu.memory_space<vmem>>) target(%dma_start3A_41 : memref<128x128xf32, #tpu.memory_space<vmem_shared>>) target_semaphore(%run_scoped3A : memref<!tpu.dma_semaphore, #tpu.memory_space<semaphore_mem>>)
      %dma_wait3A = arith.constant 0 : i32
      %dma_wait3A_42 = tpu.memref_slice %arg9[%add3A_14, %dma_wait3A] : memref<10240x128xf32, #tpu.memory_space<vmem_shared>> -> memref<128x128xf32, #tpu.memory_space<vmem_shared>>
      %dma_wait3A_43 = arith.constant 0 : i32
      %dma_wait3A_44 = tpu.memref_slice %arg9[%add3A_14, %dma_wait3A_43] : memref<10240x128xf32, #tpu.memory_space<vmem_shared>> -> memref<128x128xf32, #tpu.memory_space<vmem_shared>>
      tpu.wait_dma2 semaphore(%run_scoped3A : memref<!tpu.dma_semaphore, #tpu.memory_space<semaphore_mem>>) src(%arg8 : memref<128x128xf32, #tpu.memory_space<vmem>>) dst(%dma_wait3A_44 : memref<128x128xf32, #tpu.memory_space<vmem_shared>>)
      tpu.yield
    }) : () -> ()
    %mul3A_15 = arith.constant 640 : i32
    %mul3A_16 = arith.muli %arg1, %mul3A_15 : i32
    %add3A_17 = arith.constant 256 : i32
    %add3A_18 = arith.addi %mul3A_16, %add3A_17 : i32
    "tpu.region"() ({
      %run_scoped3A = tpu.sem_alloc : memref<!tpu.dma_semaphore, #tpu.memory_space<semaphore_mem>>
      %dma_start3A = arith.constant 0 : i32
      %dma_start3A_39 = tpu.memref_slice %arg9[%add3A_18, %dma_start3A] : memref<10240x128xf32, #tpu.memory_space<vmem_shared>> -> memref<128x128xf32, #tpu.memory_space<vmem_shared>>
      %dma_start3A_40 = arith.constant 0 : i32
      %dma_start3A_41 = tpu.memref_slice %arg9[%add3A_18, %dma_start3A_40] : memref<10240x128xf32, #tpu.memory_space<vmem_shared>> -> memref<128x128xf32, #tpu.memory_space<vmem_shared>>
      tpu.enqueue_dma source(%arg8 : memref<128x128xf32, #tpu.memory_space<vmem>>) target(%dma_start3A_41 : memref<128x128xf32, #tpu.memory_space<vmem_shared>>) target_semaphore(%run_scoped3A : memref<!tpu.dma_semaphore, #tpu.memory_space<semaphore_mem>>)
      %dma_wait3A = arith.constant 0 : i32
      %dma_wait3A_42 = tpu.memref_slice %arg9[%add3A_18, %dma_wait3A] : memref<10240x128xf32, #tpu.memory_space<vmem_shared>> -> memref<128x128xf32, #tpu.memory_space<vmem_shared>>
      %dma_wait3A_43 = arith.constant 0 : i32
      %dma_wait3A_44 = tpu.memref_slice %arg9[%add3A_18, %dma_wait3A_43] : memref<10240x128xf32, #tpu.memory_space<vmem_shared>> -> memref<128x128xf32, #tpu.memory_space<vmem_shared>>
      tpu.wait_dma2 semaphore(%run_scoped3A : memref<!tpu.dma_semaphore, #tpu.memory_space<semaphore_mem>>) src(%arg8 : memref<128x128xf32, #tpu.memory_space<vmem>>) dst(%dma_wait3A_44 : memref<128x128xf32, #tpu.memory_space<vmem_shared>>)
      tpu.yield
    }) : () -> ()
    %mul3A_19 = arith.constant 640 : i32
    %mul3A_20 = arith.muli %arg1, %mul3A_19 : i32
    %add3A_21 = arith.constant 384 : i32
    %add3A_22 = arith.addi %mul3A_20, %add3A_21 : i32
    "tpu.region"() ({
      %run_scoped3A = tpu.sem_alloc : memref<!tpu.dma_semaphore, #tpu.memory_space<semaphore_mem>>
      %dma_start3A = arith.constant 0 : i32
      %dma_start3A_39 = tpu.memref_slice %arg9[%add3A_22, %dma_start3A] : memref<10240x128xf32, #tpu.memory_space<vmem_shared>> -> memref<128x128xf32, #tpu.memory_space<vmem_shared>>
      %dma_start3A_40 = arith.constant 0 : i32
      %dma_start3A_41 = tpu.memref_slice %arg9[%add3A_22, %dma_start3A_40] : memref<10240x128xf32, #tpu.memory_space<vmem_shared>> -> memref<128x128xf32, #tpu.memory_space<vmem_shared>>
      tpu.enqueue_dma source(%arg8 : memref<128x128xf32, #tpu.memory_space<vmem>>) target(%dma_start3A_41 : memref<128x128xf32, #tpu.memory_space<vmem_shared>>) target_semaphore(%run_scoped3A : memref<!tpu.dma_semaphore, #tpu.memory_space<semaphore_mem>>)
      %dma_wait3A = arith.constant 0 : i32
      %dma_wait3A_42 = tpu.memref_slice %arg9[%add3A_22, %dma_wait3A] : memref<10240x128xf32, #tpu.memory_space<vmem_shared>> -> memref<128x128xf32, #tpu.memory_space<vmem_shared>>
      %dma_wait3A_43 = arith.constant 0 : i32
      %dma_wait3A_44 = tpu.memref_slice %arg9[%add3A_22, %dma_wait3A_43] : memref<10240x128xf32, #tpu.memory_space<vmem_shared>> -> memref<128x128xf32, #tpu.memory_space<vmem_shared>>
      tpu.wait_dma2 semaphore(%run_scoped3A : memref<!tpu.dma_semaphore, #tpu.memory_space<semaphore_mem>>) src(%arg8 : memref<128x128xf32, #tpu.memory_space<vmem>>) dst(%dma_wait3A_44 : memref<128x128xf32, #tpu.memory_space<vmem_shared>>)
      tpu.yield
    }) : () -> ()
    %mul3A_23 = arith.constant 640 : i32
    %mul3A_24 = arith.muli %arg1, %mul3A_23 : i32
    %add3A_25 = arith.constant 512 : i32
    %add3A_26 = arith.addi %mul3A_24, %add3A_25 : i32
    "tpu.region"() ({
      %run_scoped3A = tpu.sem_alloc : memref<!tpu.dma_semaphore, #tpu.memory_space<semaphore_mem>>
      %dma_start3A = arith.constant 0 : i32
      %dma_start3A_39 = tpu.memref_slice %arg9[%add3A_26, %dma_start3A] : memref<10240x128xf32, #tpu.memory_space<vmem_shared>> -> memref<128x128xf32, #tpu.memory_space<vmem_shared>>
      %dma_start3A_40 = arith.constant 0 : i32
      %dma_start3A_41 = tpu.memref_slice %arg9[%add3A_26, %dma_start3A_40] : memref<10240x128xf32, #tpu.memory_space<vmem_shared>> -> memref<128x128xf32, #tpu.memory_space<vmem_shared>>
      tpu.enqueue_dma source(%arg8 : memref<128x128xf32, #tpu.memory_space<vmem>>) target(%dma_start3A_41 : memref<128x128xf32, #tpu.memory_space<vmem_shared>>) target_semaphore(%run_scoped3A : memref<!tpu.dma_semaphore, #tpu.memory_space<semaphore_mem>>)
      %dma_wait3A = arith.constant 0 : i32
      %dma_wait3A_42 = tpu.memref_slice %arg9[%add3A_26, %dma_wait3A] : memref<10240x128xf32, #tpu.memory_space<vmem_shared>> -> memref<128x128xf32, #tpu.memory_space<vmem_shared>>
      %dma_wait3A_43 = arith.constant 0 : i32
      %dma_wait3A_44 = tpu.memref_slice %arg9[%add3A_26, %dma_wait3A_43] : memref<10240x128xf32, #tpu.memory_space<vmem_shared>> -> memref<128x128xf32, #tpu.memory_space<vmem_shared>>
      tpu.wait_dma2 semaphore(%run_scoped3A : memref<!tpu.dma_semaphore, #tpu.memory_space<semaphore_mem>>) src(%arg8 : memref<128x128xf32, #tpu.memory_space<vmem>>) dst(%dma_wait3A_44 : memref<128x128xf32, #tpu.memory_space<vmem_shared>>)
      tpu.yield
    }) : () -> ()
    "tpu.region"() ({
      %run_scoped3A = tpu.sem_alloc : memref<!tpu.dma_semaphore, #tpu.memory_space<semaphore_mem>>
      %dma_start3A = arith.constant 0 : i32
      %dma_start3A_39 = arith.constant 0 : i32
      %dma_start3A_40 = tpu.memref_slice %arg2[%add3A, %dma_start3A, %dma_start3A_39] : memref<32x80x128xi32, #tpu.memory_space<hbm>> -> memref<1x80x128xi32, #tpu.memory_space<hbm>>
      %dma_start3A_41 = tpu.memref_squeeze %dma_start3A_40 : memref<1x80x128xi32, #tpu.memory_space<hbm>> -> memref<80x128xi32, #tpu.memory_space<hbm>>
      %dma_start3A_42 = arith.constant 0 : i32
      %dma_start3A_43 = arith.constant 0 : i32
      %dma_start3A_44 = tpu.memref_slice %arg2[%add3A, %dma_start3A_42, %dma_start3A_43] : memref<32x80x128xi32, #tpu.memory_space<hbm>> -> memref<1x80x128xi32, #tpu.memory_space<hbm>>
      %dma_start3A_45 = tpu.memref_squeeze %dma_start3A_44 : memref<1x80x128xi32, #tpu.memory_space<hbm>> -> memref<80x128xi32, #tpu.memory_space<hbm>>
      tpu.enqueue_dma source(%dma_start3A_45 : memref<80x128xi32, #tpu.memory_space<hbm>>) target(%arg6 : memref<80x128xi32, #tpu.memory_space<vmem>>) target_semaphore(%run_scoped3A : memref<!tpu.dma_semaphore, #tpu.memory_space<semaphore_mem>>)
      %dma_wait3A = arith.constant 0 : i32
      %dma_wait3A_46 = arith.constant 0 : i32
      %dma_wait3A_47 = tpu.memref_slice %arg2[%add3A, %dma_wait3A, %dma_wait3A_46] : memref<32x80x128xi32, #tpu.memory_space<hbm>> -> memref<1x80x128xi32, #tpu.memory_space<hbm>>
      %dma_wait3A_48 = tpu.memref_squeeze %dma_wait3A_47 : memref<1x80x128xi32, #tpu.memory_space<hbm>> -> memref<80x128xi32, #tpu.memory_space<hbm>>
      %dma_wait3A_49 = arith.constant 0 : i32
      %dma_wait3A_50 = arith.constant 0 : i32
      %dma_wait3A_51 = tpu.memref_slice %arg2[%add3A, %dma_wait3A_49, %dma_wait3A_50] : memref<32x80x128xi32, #tpu.memory_space<hbm>> -> memref<1x80x128xi32, #tpu.memory_space<hbm>>
      %dma_wait3A_52 = tpu.memref_squeeze %dma_wait3A_51 : memref<1x80x128xi32, #tpu.memory_space<hbm>> -> memref<80x128xi32, #tpu.memory_space<hbm>>
      tpu.wait_dma2 semaphore(%run_scoped3A : memref<!tpu.dma_semaphore, #tpu.memory_space<semaphore_mem>>) src(%dma_wait3A_52 : memref<80x128xi32, #tpu.memory_space<hbm>>) dst(%arg6 : memref<80x128xi32, #tpu.memory_space<vmem>>)
      tpu.yield
    }) : () -> ()
    "tpu.region"() ({
      %run_scoped3A = tpu.sem_alloc : memref<!tpu.dma_semaphore, #tpu.memory_space<semaphore_mem>>
      %dma_start3A = arith.constant 0 : i32
      %dma_start3A_39 = arith.constant 0 : i32
      %dma_start3A_40 = tpu.memref_slice %arg3[%add3A, %dma_start3A, %dma_start3A_39] : memref<32x80x128xi32, #tpu.memory_space<hbm>> -> memref<1x80x128xi32, #tpu.memory_space<hbm>>
      %dma_start3A_41 = tpu.memref_squeeze %dma_start3A_40 : memref<1x80x128xi32, #tpu.memory_space<hbm>> -> memref<80x128xi32, #tpu.memory_space<hbm>>
      %dma_start3A_42 = arith.constant 0 : i32
      %dma_start3A_43 = arith.constant 0 : i32
      %dma_start3A_44 = tpu.memref_slice %arg3[%add3A, %dma_start3A_42, %dma_start3A_43] : memref<32x80x128xi32, #tpu.memory_space<hbm>> -> memref<1x80x128xi32, #tpu.memory_space<hbm>>
      %dma_start3A_45 = tpu.memref_squeeze %dma_start3A_44 : memref<1x80x128xi32, #tpu.memory_space<hbm>> -> memref<80x128xi32, #tpu.memory_space<hbm>>
      tpu.enqueue_dma source(%dma_start3A_45 : memref<80x128xi32, #tpu.memory_space<hbm>>) target(%arg7 : memref<80x128xi32, #tpu.memory_space<vmem>>) target_semaphore(%run_scoped3A : memref<!tpu.dma_semaphore, #tpu.memory_space<semaphore_mem>>)
      %dma_wait3A = arith.constant 0 : i32
      %dma_wait3A_46 = arith.constant 0 : i32
      %dma_wait3A_47 = tpu.memref_slice %arg3[%add3A, %dma_wait3A, %dma_wait3A_46] : memref<32x80x128xi32, #tpu.memory_space<hbm>> -> memref<1x80x128xi32, #tpu.memory_space<hbm>>
      %dma_wait3A_48 = tpu.memref_squeeze %dma_wait3A_47 : memref<1x80x128xi32, #tpu.memory_space<hbm>> -> memref<80x128xi32, #tpu.memory_space<hbm>>
      %dma_wait3A_49 = arith.constant 0 : i32
      %dma_wait3A_50 = arith.constant 0 : i32
      %dma_wait3A_51 = tpu.memref_slice %arg3[%add3A, %dma_wait3A_49, %dma_wait3A_50] : memref<32x80x128xi32, #tpu.memory_space<hbm>> -> memref<1x80x128xi32, #tpu.memory_space<hbm>>
      %dma_wait3A_52 = tpu.memref_squeeze %dma_wait3A_51 : memref<1x80x128xi32, #tpu.memory_space<hbm>> -> memref<80x128xi32, #tpu.memory_space<hbm>>
      tpu.wait_dma2 semaphore(%run_scoped3A : memref<!tpu.dma_semaphore, #tpu.memory_space<semaphore_mem>>) src(%dma_wait3A_52 : memref<80x128xi32, #tpu.memory_space<hbm>>) dst(%arg7 : memref<80x128xi32, #tpu.memory_space<vmem>>)
      tpu.yield
    }) : () -> ()
    %barrier3A = arith.constant 0 : index
    tpu.barrier barrier_id(%barrier3A)
    %scan3A_27 = arith.constant 0 : i32
    %scan3A_28 = arith.constant 0 : i32
    %scan3A_29 = arith.constant 80 : i32
    %scan3A_30 = arith.addi %scan3A_28, %scan3A_29 : i32
    %scan3A_31 = arith.constant 1 : i32
    %scan3A_32 = scf.for %scan3A_39 = %scan3A_28 to %scan3A_30 step %scan3A_31 iter_args(%scan3A_40 = %scan3A_27) -> (i32)  : i32 {
      %dma_start3A = arith.constant 0 : i32
      %dma_start3A_41 = tpu.memref_slice %arg6[%scan3A_39, %dma_start3A] : memref<80x128xi32, #tpu.memory_space<vmem>> -> memref<1x128xi32, #tpu.memory_space<vmem>>
      %dma_start3A_42 = tpu.memref_squeeze %dma_start3A_41 : memref<1x128xi32, #tpu.memory_space<vmem>> -> memref<128xi32, #tpu.memory_space<vmem>>
      %dma_start3A_43 = arith.constant 0 : i32
      %dma_start3A_44 = arith.constant 0 : i32
      %dma_start3A_45 = tpu.memref_slice %arg4[%dma_start3A_43, %dma_start3A_44] : memref<10240x128xf32, #tpu.memory_space<hbm>> -> memref<10240x128xf32, #tpu.memory_space<hbm>>
      tpu.enqueue_indirect_dma source(%dma_start3A_45 : memref<10240x128xf32, #tpu.memory_space<hbm>>) target(%arg8 : memref<128x128xf32, #tpu.memory_space<vmem>>) offsets(%dma_start3A_42 : memref<128xi32, #tpu.memory_space<vmem>>) semaphore(%arg10 : memref<!tpu.dma_semaphore, #tpu.memory_space<semaphore_mem>>)
      %dma_wait3A = arith.constant 0 : i32
      %dma_wait3A_46 = tpu.memref_slice %arg6[%scan3A_39, %dma_wait3A] : memref<80x128xi32, #tpu.memory_space<vmem>> -> memref<1x128xi32, #tpu.memory_space<vmem>>
      %dma_wait3A_47 = tpu.memref_squeeze %dma_wait3A_46 : memref<1x128xi32, #tpu.memory_space<vmem>> -> memref<128xi32, #tpu.memory_space<vmem>>
      %dma_wait3A_48 = arith.constant 0 : i32
      %dma_wait3A_49 = arith.constant 0 : i32
      %dma_wait3A_50 = tpu.memref_slice %arg4[%dma_wait3A_48, %dma_wait3A_49] : memref<10240x128xf32, #tpu.memory_space<hbm>> -> memref<10240x128xf32, #tpu.memory_space<hbm>>
      tpu.wait_indirect_dma semaphore(%arg10 : memref<!tpu.dma_semaphore, #tpu.memory_space<semaphore_mem>>) src(%dma_wait3A_50 : memref<10240x128xf32, #tpu.memory_space<hbm>>) dst(%arg8 : memref<128x128xf32, #tpu.memory_space<vmem>>)
      "tpu.region"() ({
        %run_scoped3A = tpu.sem_alloc : memref<!tpu.dma_semaphore, #tpu.memory_space<semaphore_mem>>
        %dma_start3A_52 = arith.constant 0 : i32
        %dma_start3A_53 = tpu.memref_slice %arg7[%scan3A_39, %dma_start3A_52] : memref<80x128xi32, #tpu.memory_space<vmem>> -> memref<1x128xi32, #tpu.memory_space<vmem>>
        %dma_start3A_54 = tpu.memref_squeeze %dma_start3A_53 : memref<1x128xi32, #tpu.memory_space<vmem>> -> memref<128xi32, #tpu.memory_space<vmem>>
        %dma_start3A_55 = arith.constant 0 : i32
        %dma_start3A_56 = arith.constant 0 : i32
        %dma_start3A_57 = tpu.memref_slice %arg9[%dma_start3A_55, %dma_start3A_56] : memref<10240x128xf32, #tpu.memory_space<vmem_shared>> -> memref<10240x128xf32, #tpu.memory_space<vmem_shared>>
        tpu.enqueue_indirect_dma source(%arg8 : memref<128x128xf32, #tpu.memory_space<vmem>>) target(%dma_start3A_57 : memref<10240x128xf32, #tpu.memory_space<vmem_shared>>) offsets(%dma_start3A_54 : memref<128xi32, #tpu.memory_space<vmem>>) semaphore(%run_scoped3A : memref<!tpu.dma_semaphore, #tpu.memory_space<semaphore_mem>>) {add = true}
        %dma_wait3A_58 = arith.constant 0 : i32
        %dma_wait3A_59 = tpu.memref_slice %arg7[%scan3A_39, %dma_wait3A_58] : memref<80x128xi32, #tpu.memory_space<vmem>> -> memref<1x128xi32, #tpu.memory_space<vmem>>
        %dma_wait3A_60 = tpu.memref_squeeze %dma_wait3A_59 : memref<1x128xi32, #tpu.memory_space<vmem>> -> memref<128xi32, #tpu.memory_space<vmem>>
        %dma_wait3A_61 = arith.constant 0 : i32
        %dma_wait3A_62 = arith.constant 0 : i32
        %dma_wait3A_63 = tpu.memref_slice %arg9[%dma_wait3A_61, %dma_wait3A_62] : memref<10240x128xf32, #tpu.memory_space<vmem_shared>> -> memref<10240x128xf32, #tpu.memory_space<vmem_shared>>
        tpu.wait_indirect_dma semaphore(%run_scoped3A : memref<!tpu.dma_semaphore, #tpu.memory_space<semaphore_mem>>) src(%arg8 : memref<128x128xf32, #tpu.memory_space<vmem>>) dst(%dma_wait3A_63 : memref<10240x128xf32, #tpu.memory_space<vmem_shared>>)
        tpu.yield
      }) : () -> ()
      %scan3A_51 = arith.constant 0 : i32
      scf.yield %scan3A_51 : i32
    }
    %scan3A_33 = arith.constant 80 : i32
    %barrier3A_34 = arith.constant 0 : index
    tpu.barrier barrier_id(%barrier3A_34)
    %mul3A_35 = arith.constant 640 : i32
    %mul3A_36 = arith.muli %arg1, %mul3A_35 : i32
    %mul3A_37 = arith.constant 640 : i32
    %mul3A_38 = arith.muli %arg1, %mul3A_37 : i32
    "tpu.region"() ({
      %run_scoped3A = tpu.sem_alloc : memref<!tpu.dma_semaphore, #tpu.memory_space<semaphore_mem>>
      %dma_start3A = arith.constant 0 : i32
      %dma_start3A_39 = tpu.memref_slice %arg5[%arg0, %mul3A_38, %dma_start3A] : memref<2x10240x128xf32, #tpu.memory_space<hbm>> -> memref<1x640x128xf32, #tpu.memory_space<hbm>>
      %dma_start3A_40 = tpu.memref_squeeze %dma_start3A_39 : memref<1x640x128xf32, #tpu.memory_space<hbm>> -> memref<640x128xf32, #tpu.memory_space<hbm>>
      %dma_start3A_41 = arith.constant 0 : i32
      %dma_start3A_42 = tpu.memref_slice %arg9[%mul3A_36, %dma_start3A_41] : memref<10240x128xf32, #tpu.memory_space<vmem_shared>> -> memref<640x128xf32, #tpu.memory_space<vmem_shared>>
      tpu.enqueue_dma source(%dma_start3A_42 : memref<640x128xf32, #tpu.memory_space<vmem_shared>>) target(%dma_start3A_40 : memref<640x128xf32, #tpu.memory_space<hbm>>) target_semaphore(%run_scoped3A : memref<!tpu.dma_semaphore, #tpu.memory_space<semaphore_mem>>)
      %dma_wait3A = arith.constant 0 : i32
      %dma_wait3A_43 = tpu.memref_slice %arg5[%arg0, %mul3A_38, %dma_wait3A] : memref<2x10240x128xf32, #tpu.memory_space<hbm>> -> memref<1x640x128xf32, #tpu.memory_space<hbm>>
      %dma_wait3A_44 = tpu.memref_squeeze %dma_wait3A_43 : memref<1x640x128xf32, #tpu.memory_space<hbm>> -> memref<640x128xf32, #tpu.memory_space<hbm>>
      %dma_wait3A_45 = arith.constant 0 : i32
      %dma_wait3A_46 = tpu.memref_slice %arg9[%mul3A_36, %dma_wait3A_45] : memref<10240x128xf32, #tpu.memory_space<vmem_shared>> -> memref<640x128xf32, #tpu.memory_space<vmem_shared>>
      tpu.wait_dma2 semaphore(%run_scoped3A : memref<!tpu.dma_semaphore, #tpu.memory_space<semaphore_mem>>) src(%dma_wait3A_46 : memref<640x128xf32, #tpu.memory_space<vmem_shared>>) dst(%dma_wait3A_44 : memref<640x128xf32, #tpu.memory_space<hbm>>)
      tpu.yield
    }) : () -> ()
    return
  }
}

module attributes {stable_mosaic.version = 14 : i64} {
  func.func @body(%arg0: i32, %arg1: memref<256x128xf32, #tpu.memory_space<vmem>>, %arg2: memref<128x128xf32, #tpu.memory_space<vmem>>, %arg3: memref<1x128xf32, #tpu.memory_space<vmem>>, %arg4: memref<128x128xf32, #tpu.memory_space<vmem>>, %arg5: memref<256x1xf32, #tpu.memory_space<vmem>>, %arg6: memref<256x1xf32, #tpu.memory_space<vmem>>, %arg7: memref<256x128xf32, #tpu.memory_space<vmem>>, %arg8: memref<256x128xf32, #tpu.memory_space<vmem>>) attributes {dimension_semantics = [#tpu.dimension_semantics<arbitrary>], iteration_bounds = array<i64: 40>, scalar_prefetch = 0 : i64, scratch_operands = 0 : i64, tpu.core_type = #tpu.core_type<tc>, window_params = [{transform_indices = @transform_0, window_bounds = array<i64: 256, 128>}, {pipeline_mode = #tpu.pipeline_mode<synchronous>, transform_indices = @transform_1, window_bounds = array<i64: 128, 128>}, {pipeline_mode = #tpu.pipeline_mode<synchronous>, transform_indices = @transform_2, window_bounds = array<i64: 1, 128>}, {pipeline_mode = #tpu.pipeline_mode<synchronous>, transform_indices = @transform_3, window_bounds = array<i64: 128, 128>}, {transform_indices = @transform_4, window_bounds = array<i64: 256, 1>}, {transform_indices = @transform_5, window_bounds = array<i64: 256, 1>}, {transform_indices = @transform_6, window_bounds = array<i64: 256, 128>}, {transform_indices = @transform_7, window_bounds = array<i64: 256, 128>}]} {
    %get3A = arith.constant 0 : index
    %get3A_0 = arith.constant 0 : index
    %get3A_1 = vector.load %arg5[%get3A, %get3A_0] : memref<256x1xf32, #tpu.memory_space<vmem>>, vector<256x1xf32>
    %get3A_2 = arith.constant 0 : index
    %get3A_3 = arith.constant 0 : index
    %get3A_4 = vector.load %arg6[%get3A_2, %get3A_3] : memref<256x1xf32, #tpu.memory_space<vmem>>, vector<256x1xf32>
    %add3A = arith.addf %get3A_1, %get3A_4 : vector<256x1xf32>
    %add3A_5 = arith.constant 1.000000e+00 : f32
    %add3A_6 = vector.broadcast %add3A_5 : f32 to vector<256x1xf32>
    %add3A_7 = arith.addf %add3A, %add3A_6 : vector<256x1xf32>
    %rsqrt3A = math.rsqrt %add3A_7 : vector<256x1xf32>
    %get3A_8 = arith.constant 0 : index
    %get3A_9 = arith.constant 0 : index
    %get3A_10 = vector.load %arg1[%get3A_8, %get3A_9] : memref<256x128xf32, #tpu.memory_space<vmem>>, vector<256x128xf32>
    %get3A_11 = arith.constant 0 : index
    %get3A_12 = arith.constant 0 : index
    %get3A_13 = vector.load %arg2[%get3A_11, %get3A_12] : memref<128x128xf32, #tpu.memory_space<vmem>>, vector<128x128xf32>
    %dot_general3A = arith.constant dense<0.000000e+00> : vector<256x128xf32>
    %dot_general3A_14 = tpu.matmul %get3A_10, %get3A_13, %dot_general3A {dimension_numbers = #tpu.dot_dimension_numbers<[1], [0], [0], [1], [0, 0, 1, 1], [], []>, transpose_lhs_hint = false} : vector<256x128xf32>, vector<128x128xf32>, vector<256x128xf32> -> vector<256x128xf32>
    %get3A_15 = arith.constant 0 : index
    %get3A_16 = arith.constant 0 : index
    %get3A_17 = vector.load %arg3[%get3A_15, %get3A_16] : memref<1x128xf32, #tpu.memory_space<vmem>>, vector<1x128xf32>
    %add3A_18 = vector.broadcast %get3A_17 : vector<1x128xf32> to vector<256x128xf32>
    %add3A_19 = arith.addf %dot_general3A_14, %add3A_18 : vector<256x128xf32>
    %swap3A = arith.constant 0 : index
    %swap3A_20 = arith.constant 0 : index
    %swap3A_21 = vector.load %arg7[%swap3A, %swap3A_20] : memref<256x128xf32, #tpu.memory_space<vmem>>, vector<256x128xf32>
    tpu.vector_store %arg7[%swap3A, %swap3A_20], %add3A_19 {strides = array<i32>} : memref<256x128xf32, #tpu.memory_space<vmem>>, vector<256x128xf32>,
    %get3A_22 = arith.constant 0 : index
    %get3A_23 = arith.constant 0 : index
    %get3A_24 = vector.load %arg4[%get3A_22, %get3A_23] : memref<128x128xf32, #tpu.memory_space<vmem>>, vector<128x128xf32>
    %dot_general3A_25 = arith.constant dense<0.000000e+00> : vector<256x128xf32>
    %dot_general3A_26 = tpu.matmul %add3A_19, %get3A_24, %dot_general3A_25 {dimension_numbers = #tpu.dot_dimension_numbers<[1], [0], [0], [1], [0, 0, 1, 1], [], []>, transpose_lhs_hint = false} : vector<256x128xf32>, vector<128x128xf32>, vector<256x128xf32> -> vector<256x128xf32>
    %mul3A = vector.broadcast %rsqrt3A : vector<256x1xf32> to vector<256x128xf32>
    %mul3A_27 = arith.mulf %dot_general3A_26, %mul3A : vector<256x128xf32>
    %swap3A_28 = arith.constant 0 : index
    %swap3A_29 = arith.constant 0 : index
    %swap3A_30 = vector.load %arg8[%swap3A_28, %swap3A_29] : memref<256x128xf32, #tpu.memory_space<vmem>>, vector<256x128xf32>
    tpu.vector_store %arg8[%swap3A_28, %swap3A_29], %mul3A_27 {strides = array<i32>} : memref<256x128xf32, #tpu.memory_space<vmem>>, vector<256x128xf32>,
    return
  }
  func.func @transform_0(%arg0: i32) -> (i32, i32) {
    %c0_i32 = arith.constant 0 : i32
    %c0_i32_0 = arith.constant 0 : i32
    return %arg0, %c0_i32 : i32, i32
  }
  func.func @transform_1(%arg0: i32) -> (i32, i32) {
    %c0_i32 = arith.constant 0 : i32
    %c0_i32_0 = arith.constant 0 : i32
    %c0_i32_1 = arith.constant 0 : i32
    return %c0_i32, %c0_i32_0 : i32, i32
  }
  func.func @transform_2(%arg0: i32) -> (i32, i32) {
    %c0_i32 = arith.constant 0 : i32
    %c0_i32_0 = arith.constant 0 : i32
    %c0_i32_1 = arith.constant 0 : i32
    return %c0_i32, %c0_i32_0 : i32, i32
  }
  func.func @transform_3(%arg0: i32) -> (i32, i32) {
    %c0_i32 = arith.constant 0 : i32
    %c0_i32_0 = arith.constant 0 : i32
    %c0_i32_1 = arith.constant 0 : i32
    return %c0_i32, %c0_i32_0 : i32, i32
  }
  func.func @transform_4(%arg0: i32) -> (i32, i32) {
    %c0_i32 = arith.constant 0 : i32
    %c0_i32_0 = arith.constant 0 : i32
    return %arg0, %c0_i32 : i32, i32
  }
  func.func @transform_5(%arg0: i32) -> (i32, i32) {
    %c0_i32 = arith.constant 0 : i32
    %c0_i32_0 = arith.constant 0 : i32
    return %arg0, %c0_i32 : i32, i32
  }
  func.func @transform_6(%arg0: i32) -> (i32, i32) {
    %c0_i32 = arith.constant 0 : i32
    %c0_i32_0 = arith.constant 0 : i32
    return %arg0, %c0_i32 : i32, i32
  }
  func.func @transform_7(%arg0: i32) -> (i32, i32) {
    %c0_i32 = arith.constant 0 : i32
    %c0_i32_0 = arith.constant 0 : i32
    return %arg0, %c0_i32 : i32, i32
  }
}

module attributes {stable_mosaic.version = 14 : i64} {
  func.func @body(%arg0: i32, %arg1: memref<256x128xf32, #tpu.memory_space<vmem>>, %arg2: memref<256x128xf32, #tpu.memory_space<vmem>>, %arg3: memref<2x256x128xf32, #tpu.memory_space<vmem>>, %arg4: memref<256x1xf32, #tpu.memory_space<vmem>>, %arg5: memref<256x1xf32, #tpu.memory_space<vmem>>, %arg6: memref<1x128xf32, #tpu.memory_space<vmem>>, %arg7: memref<1x128xf32, #tpu.memory_space<vmem>>, %arg8: memref<1x128xf32, #tpu.memory_space<vmem>>, %arg9: memref<128x128xf32, #tpu.memory_space<vmem>>, %arg10: memref<256x128xf32, #tpu.memory_space<vmem>>, %arg11: memref<256x128xf32, #tpu.memory_space<vmem>>) attributes {dimension_semantics = [#tpu.dimension_semantics<arbitrary>], iteration_bounds = array<i64: 40>, scalar_prefetch = 0 : i64, scratch_operands = 0 : i64, tpu.core_type = #tpu.core_type<tc>, window_params = [{transform_indices = @transform_0, window_bounds = array<i64: 256, 128>}, {transform_indices = @transform_1, window_bounds = array<i64: 256, 128>}, {transform_indices = @transform_2, window_bounds = array<i64: 2, 256, 128>}, {transform_indices = @transform_3, window_bounds = array<i64: 256, 1>}, {transform_indices = @transform_4, window_bounds = array<i64: 256, 1>}, {pipeline_mode = #tpu.pipeline_mode<synchronous>, transform_indices = @transform_5, window_bounds = array<i64: 1, 128>}, {pipeline_mode = #tpu.pipeline_mode<synchronous>, transform_indices = @transform_6, window_bounds = array<i64: 1, 128>}, {pipeline_mode = #tpu.pipeline_mode<synchronous>, transform_indices = @transform_7, window_bounds = array<i64: 1, 128>}, {pipeline_mode = #tpu.pipeline_mode<synchronous>, transform_indices = @transform_8, window_bounds = array<i64: 128, 128>}, {transform_indices = @transform_9, window_bounds = array<i64: 256, 128>}, {transform_indices = @transform_10, window_bounds = array<i64: 256, 128>}]} {
    %get3A = arith.constant 0 : index
    %get3A_0 = arith.constant 0 : index
    %get3A_1 = vector.load %arg1[%get3A, %get3A_0] : memref<256x128xf32, #tpu.memory_space<vmem>>, vector<256x128xf32>
    %get3A_2 = arith.constant 0 : index
    %get3A_3 = arith.constant 0 : index
    %get3A_4 = vector.load %arg2[%get3A_2, %get3A_3] : memref<256x128xf32, #tpu.memory_space<vmem>>, vector<256x128xf32>
    %get3A_5 = arith.constant 0 : index
    %get3A_6 = arith.constant 0 : index
    %get3A_7 = arith.constant 0 : index
    %get3A_8 = vector.load %arg3[%get3A_5, %get3A_6, %get3A_7] : memref<2x256x128xf32, #tpu.memory_space<vmem>>, vector<2x256x128xf32>
    %get3A_9 = arith.constant 0 : index
    %get3A_10 = arith.constant 0 : index
    %get3A_11 = vector.load %arg4[%get3A_9, %get3A_10] : memref<256x1xf32, #tpu.memory_space<vmem>>, vector<256x1xf32>
    %get3A_12 = arith.constant 0 : index
    %get3A_13 = arith.constant 0 : index
    %get3A_14 = vector.load %arg5[%get3A_12, %get3A_13] : memref<256x1xf32, #tpu.memory_space<vmem>>, vector<256x1xf32>
    %get3A_15 = arith.constant 0 : index
    %get3A_16 = arith.constant 0 : index
    %get3A_17 = vector.load %arg6[%get3A_15, %get3A_16] : memref<1x128xf32, #tpu.memory_space<vmem>>, vector<1x128xf32>
    %get3A_18 = arith.constant 0 : index
    %get3A_19 = arith.constant 0 : index
    %get3A_20 = vector.load %arg7[%get3A_18, %get3A_19] : memref<1x128xf32, #tpu.memory_space<vmem>>, vector<1x128xf32>
    %get3A_21 = arith.constant 0 : index
    %get3A_22 = arith.constant 0 : index
    %get3A_23 = vector.load %arg8[%get3A_21, %get3A_22] : memref<1x128xf32, #tpu.memory_space<vmem>>, vector<1x128xf32>
    %add3A = arith.addf %get3A_11, %get3A_14 : vector<256x1xf32>
    %add3A_24 = arith.constant 1.000000e+00 : f32
    %add3A_25 = vector.broadcast %add3A_24 : f32 to vector<256x1xf32>
    %add3A_26 = arith.addf %add3A, %add3A_25 : vector<256x1xf32>
    %rsqrt3A = math.rsqrt %add3A_26 : vector<256x1xf32>
    %slice3A = vector.extract_strided_slice %get3A_8 {offsets = [0, 0, 0], sizes = [1, 256, 128], strides = [1, 1, 1]} : vector<2x256x128xf32> to vector<1x256x128xf32>
    %squeeze3A = vector.shape_cast %slice3A : vector<1x256x128xf32> to vector<256x128xf32>
    %slice3A_27 = vector.extract_strided_slice %get3A_8 {offsets = [1, 0, 0], sizes = [1, 256, 128], strides = [1, 1, 1]} : vector<2x256x128xf32> to vector<1x256x128xf32>
    %squeeze3A_28 = vector.shape_cast %slice3A_27 : vector<1x256x128xf32> to vector<256x128xf32>
    %add3A_29 = arith.addf %squeeze3A, %squeeze3A_28 : vector<256x128xf32>
    %add3A_30 = arith.addf %add3A_29, %get3A_4 : vector<256x128xf32>
    %mul3A = vector.broadcast %rsqrt3A : vector<256x1xf32> to vector<256x128xf32>
    %mul3A_31 = arith.mulf %add3A_30, %mul3A : vector<256x128xf32>
    %add3A_32 = vector.broadcast %get3A_17 : vector<1x128xf32> to vector<256x128xf32>
    %add3A_33 = arith.addf %mul3A_31, %add3A_32 : vector<256x128xf32>
    %add3A_34 = arith.addf %add3A_33, %get3A_1 : vector<256x128xf32>
    %max3A = arith.constant 0.000000e+00 : f32
    %max3A_35 = vector.broadcast %max3A : f32 to vector<256x128xf32>
    %max3A_36 = arith.maximumf %add3A_34, %max3A_35 : vector<256x128xf32>
    %reduce_sum3A = arith.constant dense<0.000000e+00> : vector<256xf32>
    %reduce_sum3A_37 = vector.multi_reduction <add>, %max3A_36, %reduce_sum3A [1] : vector<256x128xf32> to vector<256xf32>
    %broadcast_in_dim3A = vector.shape_cast %reduce_sum3A_37 : vector<256xf32> to vector<256x1xf32>
    %div3A = arith.constant 1.280000e+02 : f32
    %div3A_38 = vector.broadcast %div3A : f32 to vector<256x1xf32>
    %div3A_39 = arith.divf %broadcast_in_dim3A, %div3A_38 : vector<256x1xf32>
    %sub3A = vector.broadcast %div3A_39 : vector<256x1xf32> to vector<256x128xf32>
    %sub3A_40 = arith.subf %max3A_36, %sub3A : vector<256x128xf32>
    %integer_pow3A = arith.mulf %sub3A_40, %sub3A_40 : vector<256x128xf32>
    %reduce_sum3A_41 = arith.constant dense<0.000000e+00> : vector<256xf32>
    %reduce_sum3A_42 = vector.multi_reduction <add>, %integer_pow3A, %reduce_sum3A_41 [1] : vector<256x128xf32> to vector<256xf32>
    %broadcast_in_dim3A_43 = vector.shape_cast %reduce_sum3A_42 : vector<256xf32> to vector<256x1xf32>
    %div3A_44 = arith.constant 1.280000e+02 : f32
    %div3A_45 = vector.broadcast %div3A_44 : f32 to vector<256x1xf32>
    %div3A_46 = arith.divf %broadcast_in_dim3A_43, %div3A_45 : vector<256x1xf32>
    %sub3A_47 = vector.broadcast %div3A_39 : vector<256x1xf32> to vector<256x128xf32>
    %sub3A_48 = arith.subf %max3A_36, %sub3A_47 : vector<256x128xf32>
    %add3A_49 = arith.constant 9.99999974E-6 : f32
    %add3A_50 = vector.broadcast %add3A_49 : f32 to vector<256x1xf32>
    %add3A_51 = arith.addf %div3A_46, %add3A_50 : vector<256x1xf32>
    %rsqrt3A_52 = math.rsqrt %add3A_51 : vector<256x1xf32>
    %mul3A_53 = vector.broadcast %rsqrt3A_52 : vector<256x1xf32> to vector<256x128xf32>
    %mul3A_54 = arith.mulf %sub3A_48, %mul3A_53 : vector<256x128xf32>
    %mul3A_55 = vector.broadcast %get3A_20 : vector<1x128xf32> to vector<256x128xf32>
    %mul3A_56 = arith.mulf %mul3A_54, %mul3A_55 : vector<256x128xf32>
    %add3A_57 = vector.broadcast %get3A_23 : vector<1x128xf32> to vector<256x128xf32>
    %add3A_58 = arith.addf %mul3A_56, %add3A_57 : vector<256x128xf32>
    %swap3A = arith.constant 0 : index
    %swap3A_59 = arith.constant 0 : index
    %swap3A_60 = vector.load %arg10[%swap3A, %swap3A_59] : memref<256x128xf32, #tpu.memory_space<vmem>>, vector<256x128xf32>
    tpu.vector_store %arg10[%swap3A, %swap3A_59], %add3A_58 {strides = array<i32>} : memref<256x128xf32, #tpu.memory_space<vmem>>, vector<256x128xf32>,
    %get3A_61 = arith.constant 0 : index
    %get3A_62 = arith.constant 0 : index
    %get3A_63 = vector.load %arg9[%get3A_61, %get3A_62] : memref<128x128xf32, #tpu.memory_space<vmem>>, vector<128x128xf32>
    %dot_general3A = arith.constant dense<0.000000e+00> : vector<256x128xf32>
    %dot_general3A_64 = tpu.matmul %add3A_58, %get3A_63, %dot_general3A {dimension_numbers = #tpu.dot_dimension_numbers<[1], [0], [0], [1], [0, 0, 1, 1], [], []>, transpose_lhs_hint = false} : vector<256x128xf32>, vector<128x128xf32>, vector<256x128xf32> -> vector<256x128xf32>
    %mul3A_65 = vector.broadcast %rsqrt3A : vector<256x1xf32> to vector<256x128xf32>
    %mul3A_66 = arith.mulf %dot_general3A_64, %mul3A_65 : vector<256x128xf32>
    %swap3A_67 = arith.constant 0 : index
    %swap3A_68 = arith.constant 0 : index
    %swap3A_69 = vector.load %arg11[%swap3A_67, %swap3A_68] : memref<256x128xf32, #tpu.memory_space<vmem>>, vector<256x128xf32>
    tpu.vector_store %arg11[%swap3A_67, %swap3A_68], %mul3A_66 {strides = array<i32>} : memref<256x128xf32, #tpu.memory_space<vmem>>, vector<256x128xf32>,
    return
  }
  func.func @transform_0(%arg0: i32) -> (i32, i32) {
    %c0_i32 = arith.constant 0 : i32
    %c0_i32_0 = arith.constant 0 : i32
    return %arg0, %c0_i32 : i32, i32
  }
  func.func @transform_1(%arg0: i32) -> (i32, i32) {
    %c0_i32 = arith.constant 0 : i32
    %c0_i32_0 = arith.constant 0 : i32
    return %arg0, %c0_i32 : i32, i32
  }
  func.func @transform_2(%arg0: i32) -> (i32, i32, i32) {
    %c0_i32 = arith.constant 0 : i32
    %c0_i32_0 = arith.constant 0 : i32
    %c0_i32_1 = arith.constant 0 : i32
    return %c0_i32, %arg0, %c0_i32_0 : i32, i32, i32
  }
  func.func @transform_3(%arg0: i32) -> (i32, i32) {
    %c0_i32 = arith.constant 0 : i32
    %c0_i32_0 = arith.constant 0 : i32
    return %arg0, %c0_i32 : i32, i32
  }
  func.func @transform_4(%arg0: i32) -> (i32, i32) {
    %c0_i32 = arith.constant 0 : i32
    %c0_i32_0 = arith.constant 0 : i32
    return %arg0, %c0_i32 : i32, i32
  }
  func.func @transform_5(%arg0: i32) -> (i32, i32) {
    %c0_i32 = arith.constant 0 : i32
    %c0_i32_0 = arith.constant 0 : i32
    %c0_i32_1 = arith.constant 0 : i32
    return %c0_i32, %c0_i32_0 : i32, i32
  }
  func.func @transform_6(%arg0: i32) -> (i32, i32) {
    %c0_i32 = arith.constant 0 : i32
    %c0_i32_0 = arith.constant 0 : i32
    %c0_i32_1 = arith.constant 0 : i32
    return %c0_i32, %c0_i32_0 : i32, i32
  }
  func.func @transform_7(%arg0: i32) -> (i32, i32) {
    %c0_i32 = arith.constant 0 : i32
    %c0_i32_0 = arith.constant 0 : i32
    %c0_i32_1 = arith.constant 0 : i32
    return %c0_i32, %c0_i32_0 : i32, i32
  }
  func.func @transform_8(%arg0: i32) -> (i32, i32) {
    %c0_i32 = arith.constant 0 : i32
    %c0_i32_0 = arith.constant 0 : i32
    %c0_i32_1 = arith.constant 0 : i32
    return %c0_i32, %c0_i32_0 : i32, i32
  }
  func.func @transform_9(%arg0: i32) -> (i32, i32) {
    %c0_i32 = arith.constant 0 : i32
    %c0_i32_0 = arith.constant 0 : i32
    return %arg0, %c0_i32 : i32, i32
  }
  func.func @transform_10(%arg0: i32) -> (i32, i32) {
    %c0_i32 = arith.constant 0 : i32
    %c0_i32_0 = arith.constant 0 : i32
    return %arg0, %c0_i32 : i32, i32
  }
}

module attributes {stable_mosaic.version = 14 : i64} {
  func.func @body(%arg0: i32, %arg1: memref<256x128xf32, #tpu.memory_space<vmem>>, %arg2: memref<256x128xf32, #tpu.memory_space<vmem>>, %arg3: memref<2x256x128xf32, #tpu.memory_space<vmem>>, %arg4: memref<256x1xf32, #tpu.memory_space<vmem>>, %arg5: memref<256x1xf32, #tpu.memory_space<vmem>>, %arg6: memref<1x128xf32, #tpu.memory_space<vmem>>, %arg7: memref<1x128xf32, #tpu.memory_space<vmem>>, %arg8: memref<1x128xf32, #tpu.memory_space<vmem>>, %arg9: memref<256x1xi32, #tpu.memory_space<vmem>>, %arg10: memref<128x128xf32, #tpu.memory_space<vmem>>, %arg11: memref<1x128xf32, #tpu.memory_space<vmem>>, %arg12: memref<128x128xf32, #tpu.memory_space<vmem>>, %arg13: memref<1x128xf32, #tpu.memory_space<vmem>>, %arg14: memref<64x128xf32, #tpu.memory_space<vmem>>, %arg15: memref<64x128xf32, #tpu.memory_space<vmem>>) attributes {dimension_semantics = [#tpu.dimension_semantics<arbitrary>], iteration_bounds = array<i64: 40>, scalar_prefetch = 0 : i64, scratch_operands = 1 : i64, tpu.core_type = #tpu.core_type<tc>, window_params = [{transform_indices = @transform_0, window_bounds = array<i64: 256, 128>}, {transform_indices = @transform_1, window_bounds = array<i64: 256, 128>}, {transform_indices = @transform_2, window_bounds = array<i64: 2, 256, 128>}, {transform_indices = @transform_3, window_bounds = array<i64: 256, 1>}, {transform_indices = @transform_4, window_bounds = array<i64: 256, 1>}, {pipeline_mode = #tpu.pipeline_mode<synchronous>, transform_indices = @transform_5, window_bounds = array<i64: 1, 128>}, {pipeline_mode = #tpu.pipeline_mode<synchronous>, transform_indices = @transform_6, window_bounds = array<i64: 1, 128>}, {pipeline_mode = #tpu.pipeline_mode<synchronous>, transform_indices = @transform_7, window_bounds = array<i64: 1, 128>}, {transform_indices = @transform_8, window_bounds = array<i64: 256, 1>}, {pipeline_mode = #tpu.pipeline_mode<synchronous>, transform_indices = @transform_9, window_bounds = array<i64: 128, 128>}, {pipeline_mode = #tpu.pipeline_mode<synchronous>, transform_indices = @transform_10, window_bounds = array<i64: 1, 128>}, {pipeline_mode = #tpu.pipeline_mode<synchronous>, transform_indices = @transform_11, window_bounds = array<i64: 128, 128>}, {pipeline_mode = #tpu.pipeline_mode<synchronous>, transform_indices = @transform_12, window_bounds = array<i64: 1, 128>}, {pipeline_mode = #tpu.pipeline_mode<synchronous>, transform_indices = @transform_13, window_bounds = array<i64: 64, 128>}]} {
    %get3A = arith.constant 0 : index
    %get3A_0 = arith.constant 0 : index
    %get3A_1 = vector.load %arg1[%get3A, %get3A_0] : memref<256x128xf32, #tpu.memory_space<vmem>>, vector<256x128xf32>
    %get3A_2 = arith.constant 0 : index
    %get3A_3 = arith.constant 0 : index
    %get3A_4 = vector.load %arg2[%get3A_2, %get3A_3] : memref<256x128xf32, #tpu.memory_space<vmem>>, vector<256x128xf32>
    %get3A_5 = arith.constant 0 : index
    %get3A_6 = arith.constant 0 : index
    %get3A_7 = arith.constant 0 : index
    %get3A_8 = vector.load %arg3[%get3A_5, %get3A_6, %get3A_7] : memref<2x256x128xf32, #tpu.memory_space<vmem>>, vector<2x256x128xf32>
    %get3A_9 = arith.constant 0 : index
    %get3A_10 = arith.constant 0 : index
    %get3A_11 = vector.load %arg4[%get3A_9, %get3A_10] : memref<256x1xf32, #tpu.memory_space<vmem>>, vector<256x1xf32>
    %get3A_12 = arith.constant 0 : index
    %get3A_13 = arith.constant 0 : index
    %get3A_14 = vector.load %arg5[%get3A_12, %get3A_13] : memref<256x1xf32, #tpu.memory_space<vmem>>, vector<256x1xf32>
    %get3A_15 = arith.constant 0 : index
    %get3A_16 = arith.constant 0 : index
    %get3A_17 = vector.load %arg6[%get3A_15, %get3A_16] : memref<1x128xf32, #tpu.memory_space<vmem>>, vector<1x128xf32>
    %get3A_18 = arith.constant 0 : index
    %get3A_19 = arith.constant 0 : index
    %get3A_20 = vector.load %arg7[%get3A_18, %get3A_19] : memref<1x128xf32, #tpu.memory_space<vmem>>, vector<1x128xf32>
    %get3A_21 = arith.constant 0 : index
    %get3A_22 = arith.constant 0 : index
    %get3A_23 = vector.load %arg8[%get3A_21, %get3A_22] : memref<1x128xf32, #tpu.memory_space<vmem>>, vector<1x128xf32>
    %add3A = arith.addf %get3A_11, %get3A_14 : vector<256x1xf32>
    %add3A_24 = arith.constant 1.000000e+00 : f32
    %add3A_25 = vector.broadcast %add3A_24 : f32 to vector<256x1xf32>
    %add3A_26 = arith.addf %add3A, %add3A_25 : vector<256x1xf32>
    %rsqrt3A = math.rsqrt %add3A_26 : vector<256x1xf32>
    %slice3A = vector.extract_strided_slice %get3A_8 {offsets = [0, 0, 0], sizes = [1, 256, 128], strides = [1, 1, 1]} : vector<2x256x128xf32> to vector<1x256x128xf32>
    %squeeze3A = vector.shape_cast %slice3A : vector<1x256x128xf32> to vector<256x128xf32>
    %slice3A_27 = vector.extract_strided_slice %get3A_8 {offsets = [1, 0, 0], sizes = [1, 256, 128], strides = [1, 1, 1]} : vector<2x256x128xf32> to vector<1x256x128xf32>
    %squeeze3A_28 = vector.shape_cast %slice3A_27 : vector<1x256x128xf32> to vector<256x128xf32>
    %add3A_29 = arith.addf %squeeze3A, %squeeze3A_28 : vector<256x128xf32>
    %add3A_30 = arith.addf %add3A_29, %get3A_4 : vector<256x128xf32>
    %mul3A = vector.broadcast %rsqrt3A : vector<256x1xf32> to vector<256x128xf32>
    %mul3A_31 = arith.mulf %add3A_30, %mul3A : vector<256x128xf32>
    %add3A_32 = vector.broadcast %get3A_17 : vector<1x128xf32> to vector<256x128xf32>
    %add3A_33 = arith.addf %mul3A_31, %add3A_32 : vector<256x128xf32>
    %add3A_34 = arith.addf %add3A_33, %get3A_1 : vector<256x128xf32>
    %max3A = arith.constant 0.000000e+00 : f32
    %max3A_35 = vector.broadcast %max3A : f32 to vector<256x128xf32>
    %max3A_36 = arith.maximumf %add3A_34, %max3A_35 : vector<256x128xf32>
    %reduce_sum3A = arith.constant dense<0.000000e+00> : vector<256xf32>
    %reduce_sum3A_37 = vector.multi_reduction <add>, %max3A_36, %reduce_sum3A [1] : vector<256x128xf32> to vector<256xf32>
    %broadcast_in_dim3A = vector.shape_cast %reduce_sum3A_37 : vector<256xf32> to vector<256x1xf32>
    %div3A = arith.constant 1.280000e+02 : f32
    %div3A_38 = vector.broadcast %div3A : f32 to vector<256x1xf32>
    %div3A_39 = arith.divf %broadcast_in_dim3A, %div3A_38 : vector<256x1xf32>
    %sub3A = vector.broadcast %div3A_39 : vector<256x1xf32> to vector<256x128xf32>
    %sub3A_40 = arith.subf %max3A_36, %sub3A : vector<256x128xf32>
    %integer_pow3A = arith.mulf %sub3A_40, %sub3A_40 : vector<256x128xf32>
    %reduce_sum3A_41 = arith.constant dense<0.000000e+00> : vector<256xf32>
    %reduce_sum3A_42 = vector.multi_reduction <add>, %integer_pow3A, %reduce_sum3A_41 [1] : vector<256x128xf32> to vector<256xf32>
    %broadcast_in_dim3A_43 = vector.shape_cast %reduce_sum3A_42 : vector<256xf32> to vector<256x1xf32>
    %div3A_44 = arith.constant 1.280000e+02 : f32
    %div3A_45 = vector.broadcast %div3A_44 : f32 to vector<256x1xf32>
    %div3A_46 = arith.divf %broadcast_in_dim3A_43, %div3A_45 : vector<256x1xf32>
    %sub3A_47 = vector.broadcast %div3A_39 : vector<256x1xf32> to vector<256x128xf32>
    %sub3A_48 = arith.subf %max3A_36, %sub3A_47 : vector<256x128xf32>
    %add3A_49 = arith.constant 9.99999974E-6 : f32
    %add3A_50 = vector.broadcast %add3A_49 : f32 to vector<256x1xf32>
    %add3A_51 = arith.addf %div3A_46, %add3A_50 : vector<256x1xf32>
    %rsqrt3A_52 = math.rsqrt %add3A_51 : vector<256x1xf32>
    %mul3A_53 = vector.broadcast %rsqrt3A_52 : vector<256x1xf32> to vector<256x128xf32>
    %mul3A_54 = arith.mulf %sub3A_48, %mul3A_53 : vector<256x128xf32>
    %mul3A_55 = vector.broadcast %get3A_20 : vector<1x128xf32> to vector<256x128xf32>
    %mul3A_56 = arith.mulf %mul3A_54, %mul3A_55 : vector<256x128xf32>
    %add3A_57 = vector.broadcast %get3A_23 : vector<1x128xf32> to vector<256x128xf32>
    %add3A_58 = arith.addf %mul3A_56, %add3A_57 : vector<256x128xf32>
    %eq3A = arith.constant 0 : i32
    %eq3A_59 = arith.cmpi eq, %arg0, %eq3A : i32
    %convert_element_type3A = arith.extui %eq3A_59 : i1 to i32
    %cond3A = arith.constant 0 : i32
    %cond3A_60 = arith.cmpi ne, %convert_element_type3A, %cond3A : i32
    scf.if %cond3A_60 {
      %broadcast_in_dim3A_90 = arith.constant 0xFF800000 : f32
      %broadcast_in_dim3A_91 = vector.broadcast %broadcast_in_dim3A_90 : f32 to vector<64x128xf32>
      %swap3A = arith.constant 0 : index
      %swap3A_92 = arith.constant 0 : index
      %swap3A_93 = vector.load %arg15[%swap3A, %swap3A_92] : memref<64x128xf32, #tpu.memory_space<vmem>>, vector<64x128xf32>
      tpu.vector_store %arg15[%swap3A, %swap3A_92], %broadcast_in_dim3A_91 {strides = array<i32>} : memref<64x128xf32, #tpu.memory_space<vmem>>, vector<64x128xf32>,
    } else {
    }
    %get3A_61 = arith.constant 0 : index
    %get3A_62 = arith.constant 0 : index
    %get3A_63 = vector.load %arg9[%get3A_61, %get3A_62] : memref<256x1xi32, #tpu.memory_space<vmem>>, vector<256x1xi32>
    %reduce_min3A = vector.shape_cast %get3A_63 : vector<256x1xi32> to vector<1x256x1xi32>
    %reduce_min3A_64 = arith.constant dense<2147483647> : vector<1xi32>
    %reduce_min3A_65 = vector.multi_reduction <minsi>, %reduce_min3A, %reduce_min3A_64 [1, 2] : vector<1x256x1xi32> to vector<1xi32>
    %reduce_min3A_66 = vector.shape_cast %reduce_min3A_65 : vector<1xi32> to vector<1x1x1xi32>
    %reduce_min3A_67 = vector.extract %reduce_min3A_66[0, 0, 0] : i32 from vector<1x1x1xi32>
    %reduce_max3A = vector.shape_cast %get3A_63 : vector<256x1xi32> to vector<1x256x1xi32>
    %reduce_max3A_68 = arith.constant dense<-2147483648> : vector<1xi32>
    %reduce_max3A_69 = vector.multi_reduction <maxsi>, %reduce_max3A, %reduce_max3A_68 [1, 2] : vector<1x256x1xi32> to vector<1xi32>
    %reduce_max3A_70 = vector.shape_cast %reduce_max3A_69 : vector<1xi32> to vector<1x1x1xi32>
    %reduce_max3A_71 = vector.extract %reduce_max3A_70[0, 0, 0] : i32 from vector<1x1x1xi32>
    %min3A = arith.constant 63 : i32
    %min3A_72 = arith.minsi %reduce_max3A_71, %min3A : i32
    %add3A_73 = arith.constant 1 : i32
    %add3A_74 = arith.addi %min3A_72, %add3A_73 : i32
    %while3A = arith.constant 0 : i32
    %while3A_75 = arith.subi %add3A_74, %reduce_min3A_67 : i32
    %while3A_76 = arith.addi %reduce_min3A_67, %while3A_75 : i32
    %while3A_77 = arith.constant 1 : i32
    %while3A_78 = arith.divsi %while3A_75, %while3A_77 : i32
    %while3A_79 = arith.muli %while3A_78, %while3A_77 : i32
    %while3A_80 = arith.addi %reduce_min3A_67, %while3A_79 : i32
    %while3A_81 = arith.constant 1 : i32
    %while3A_82 = scf.for %while3A_90 = %reduce_min3A_67 to %while3A_80 step %while3A_81 iter_args(%while3A_91 = %while3A) -> (i32)  : i32 {
      %eq3A_92 = vector.broadcast %while3A_90 : i32 to vector<256x1xi32>
      %eq3A_93 = arith.cmpi eq, %get3A_63, %eq3A_92 : vector<256x1xi32>
      %jit3A = arith.constant 0xFF800000 : f32
      %broadcast_in_dim3A_94 = vector.shape_cast %eq3A_93 : vector<256x1xi1> to vector<256x1xi1>
      %broadcast_in_dim3A_95 = vector.broadcast %broadcast_in_dim3A_94 : vector<256x1xi1> to vector<256x128xi1>
      %broadcast_in_dim3A_96 = vector.broadcast %jit3A : f32 to vector<256x128xf32>
      %select_n3A = arith.select %broadcast_in_dim3A_95, %add3A_58, %broadcast_in_dim3A_96 : vector<256x128xi1>, vector<256x128xf32>
      %reduce_max3A_97 = arith.constant dense<0xFF800000> : vector<128xf32>
      %reduce_max3A_98 = vector.multi_reduction <maximumf>, %select_n3A, %reduce_max3A_97 [0] : vector<256x128xf32> to vector<128xf32>
      %get3A_99 = arith.index_cast %while3A_90 : i32 to index
      %get3A_100 = arith.constant 0 : index
      %get3A_101 = vector.load %arg15[%get3A_99, %get3A_100] : memref<64x128xf32, #tpu.memory_space<vmem>>, vector<1x128xf32>
      %broadcast_in_dim3A_102 = vector.shape_cast %reduce_max3A_98 : vector<128xf32> to vector<1x128xf32>
      %max3A_103 = arith.maximumf %get3A_101, %broadcast_in_dim3A_102 : vector<1x128xf32>
      %swap3A = arith.index_cast %while3A_90 : i32 to index
      %swap3A_104 = arith.constant 0 : index
      %swap3A_105 = vector.load %arg15[%swap3A, %swap3A_104] : memref<64x128xf32, #tpu.memory_space<vmem>>, vector<1x128xf32>
      tpu.vector_store %arg15[%swap3A, %swap3A_104], %max3A_103 {strides = array<i32>} : memref<64x128xf32, #tpu.memory_space<vmem>>, vector<1x128xf32>,
      %while3A_106 = arith.constant 0 : i32
      scf.yield %while3A_106 : i32
    }
    %while3A_83 = arith.constant 1 : i32
    %while3A_84 = scf.for %while3A_90 = %while3A_80 to %while3A_76 step %while3A_83 iter_args(%while3A_91 = %while3A_82) -> (i32)  : i32 {
      %eq3A_92 = vector.broadcast %while3A_90 : i32 to vector<256x1xi32>
      %eq3A_93 = arith.cmpi eq, %get3A_63, %eq3A_92 : vector<256x1xi32>
      %jit3A = arith.constant 0xFF800000 : f32
      %broadcast_in_dim3A_94 = vector.shape_cast %eq3A_93 : vector<256x1xi1> to vector<256x1xi1>
      %broadcast_in_dim3A_95 = vector.broadcast %broadcast_in_dim3A_94 : vector<256x1xi1> to vector<256x128xi1>
      %broadcast_in_dim3A_96 = vector.broadcast %jit3A : f32 to vector<256x128xf32>
      %select_n3A = arith.select %broadcast_in_dim3A_95, %add3A_58, %broadcast_in_dim3A_96 : vector<256x128xi1>, vector<256x128xf32>
      %reduce_max3A_97 = arith.constant dense<0xFF800000> : vector<128xf32>
      %reduce_max3A_98 = vector.multi_reduction <maximumf>, %select_n3A, %reduce_max3A_97 [0] : vector<256x128xf32> to vector<128xf32>
      %get3A_99 = arith.index_cast %while3A_90 : i32 to index
      %get3A_100 = arith.constant 0 : index
      %get3A_101 = vector.load %arg15[%get3A_99, %get3A_100] : memref<64x128xf32, #tpu.memory_space<vmem>>, vector<1x128xf32>
      %broadcast_in_dim3A_102 = vector.shape_cast %reduce_max3A_98 : vector<128xf32> to vector<1x128xf32>
      %max3A_103 = arith.maximumf %get3A_101, %broadcast_in_dim3A_102 : vector<1x128xf32>
      %swap3A = arith.index_cast %while3A_90 : i32 to index
      %swap3A_104 = arith.constant 0 : index
      %swap3A_105 = vector.load %arg15[%swap3A, %swap3A_104] : memref<64x128xf32, #tpu.memory_space<vmem>>, vector<1x128xf32>
      tpu.vector_store %arg15[%swap3A, %swap3A_104], %max3A_103 {strides = array<i32>} : memref<64x128xf32, #tpu.memory_space<vmem>>, vector<1x128xf32>,
      %while3A_106 = arith.constant 0 : i32
      scf.yield %while3A_106 : i32
    }
    %eq3A_85 = arith.constant 39 : i32
    %eq3A_86 = arith.cmpi eq, %arg0, %eq3A_85 : i32
    %convert_element_type3A_87 = arith.extui %eq3A_86 : i1 to i32
    %cond3A_88 = arith.constant 0 : i32
    %cond3A_89 = arith.cmpi ne, %convert_element_type3A_87, %cond3A_88 : i32
    scf.if %cond3A_89 {
      %get3A_90 = arith.constant 0 : index
      %get3A_91 = arith.constant 0 : index
      %get3A_92 = vector.load %arg15[%get3A_90, %get3A_91] : memref<64x128xf32, #tpu.memory_space<vmem>>, vector<64x128xf32>
      %eq3A_93 = arith.constant 0xFF800000 : f32
      %eq3A_94 = vector.broadcast %eq3A_93 : f32 to vector<64x128xf32>
      %eq3A_95 = arith.cmpf oeq, %get3A_92, %eq3A_94 : vector<64x128xf32>
      %jit3A = arith.constant 0.000000e+00 : f32
      %broadcast_in_dim3A_96 = vector.broadcast %jit3A : f32 to vector<64x128xf32>
      %select_n3A = arith.select %eq3A_95, %broadcast_in_dim3A_96, %get3A_92 : vector<64x128xi1>, vector<64x128xf32>
      %get3A_97 = arith.constant 0 : index
      %get3A_98 = arith.constant 0 : index
      %get3A_99 = vector.load %arg10[%get3A_97, %get3A_98] : memref<128x128xf32, #tpu.memory_space<vmem>>, vector<128x128xf32>
      %dot_general3A = arith.constant dense<0.000000e+00> : vector<64x128xf32>
      %dot_general3A_100 = tpu.matmul %select_n3A, %get3A_99, %dot_general3A {dimension_numbers = #tpu.dot_dimension_numbers<[1], [0], [0], [1], [0, 0, 1, 1], [], []>, transpose_lhs_hint = false} : vector<64x128xf32>, vector<128x128xf32>, vector<64x128xf32> -> vector<64x128xf32>
      %get3A_101 = arith.constant 0 : index
      %get3A_102 = arith.constant 0 : index
      %get3A_103 = vector.load %arg11[%get3A_101, %get3A_102] : memref<1x128xf32, #tpu.memory_space<vmem>>, vector<1x128xf32>
      %add3A_104 = vector.broadcast %get3A_103 : vector<1x128xf32> to vector<64x128xf32>
      %add3A_105 = arith.addf %dot_general3A_100, %add3A_104 : vector<64x128xf32>
      %max3A_106 = arith.constant 0.000000e+00 : f32
      %max3A_107 = vector.broadcast %max3A_106 : f32 to vector<64x128xf32>
      %max3A_108 = arith.maximumf %add3A_105, %max3A_107 : vector<64x128xf32>
      %get3A_109 = arith.constant 0 : index
      %get3A_110 = arith.constant 0 : index
      %get3A_111 = vector.load %arg12[%get3A_109, %get3A_110] : memref<128x128xf32, #tpu.memory_space<vmem>>, vector<128x128xf32>
      %dot_general3A_112 = arith.constant dense<0.000000e+00> : vector<64x128xf32>
      %dot_general3A_113 = tpu.matmul %max3A_108, %get3A_111, %dot_general3A_112 {dimension_numbers = #tpu.dot_dimension_numbers<[1], [0], [0], [1], [0, 0, 1, 1], [], []>, transpose_lhs_hint = false} : vector<64x128xf32>, vector<128x128xf32>, vector<64x128xf32> -> vector<64x128xf32>
      %get3A_114 = arith.constant 0 : index
      %get3A_115 = arith.constant 0 : index
      %get3A_116 = vector.load %arg13[%get3A_114, %get3A_115] : memref<1x128xf32, #tpu.memory_space<vmem>>, vector<1x128xf32>
      %add3A_117 = vector.broadcast %get3A_116 : vector<1x128xf32> to vector<64x128xf32>
      %add3A_118 = arith.addf %dot_general3A_113, %add3A_117 : vector<64x128xf32>
      %swap3A = arith.constant 0 : index
      %swap3A_119 = arith.constant 0 : index
      %swap3A_120 = vector.load %arg14[%swap3A, %swap3A_119] : memref<64x128xf32, #tpu.memory_space<vmem>>, vector<64x128xf32>
      tpu.vector_store %arg14[%swap3A, %swap3A_119], %add3A_118 {strides = array<i32>} : memref<64x128xf32, #tpu.memory_space<vmem>>, vector<64x128xf32>,
    } else {
    }
    return
  }
  func.func @transform_0(%arg0: i32) -> (i32, i32) {
    %c0_i32 = arith.constant 0 : i32
    %c0_i32_0 = arith.constant 0 : i32
    return %arg0, %c0_i32 : i32, i32
  }
  func.func @transform_1(%arg0: i32) -> (i32, i32) {
    %c0_i32 = arith.constant 0 : i32
    %c0_i32_0 = arith.constant 0 : i32
    return %arg0, %c0_i32 : i32, i32
  }
  func.func @transform_2(%arg0: i32) -> (i32, i32, i32) {
    %c0_i32 = arith.constant 0 : i32
    %c0_i32_0 = arith.constant 0 : i32
    %c0_i32_1 = arith.constant 0 : i32
    return %c0_i32, %arg0, %c0_i32_0 : i32, i32, i32
  }
  func.func @transform_3(%arg0: i32) -> (i32, i32) {
    %c0_i32 = arith.constant 0 : i32
    %c0_i32_0 = arith.constant 0 : i32
    return %arg0, %c0_i32 : i32, i32
  }
  func.func @transform_4(%arg0: i32) -> (i32, i32) {
    %c0_i32 = arith.constant 0 : i32
    %c0_i32_0 = arith.constant 0 : i32
    return %arg0, %c0_i32 : i32, i32
  }
  func.func @transform_5(%arg0: i32) -> (i32, i32) {
    %c0_i32 = arith.constant 0 : i32
    %c0_i32_0 = arith.constant 0 : i32
    %c0_i32_1 = arith.constant 0 : i32
    return %c0_i32, %c0_i32_0 : i32, i32
  }
  func.func @transform_6(%arg0: i32) -> (i32, i32) {
    %c0_i32 = arith.constant 0 : i32
    %c0_i32_0 = arith.constant 0 : i32
    %c0_i32_1 = arith.constant 0 : i32
    return %c0_i32, %c0_i32_0 : i32, i32
  }
  func.func @transform_7(%arg0: i32) -> (i32, i32) {
    %c0_i32 = arith.constant 0 : i32
    %c0_i32_0 = arith.constant 0 : i32
    %c0_i32_1 = arith.constant 0 : i32
    return %c0_i32, %c0_i32_0 : i32, i32
  }
  func.func @transform_8(%arg0: i32) -> (i32, i32) {
    %c0_i32 = arith.constant 0 : i32
    %c0_i32_0 = arith.constant 0 : i32
    return %arg0, %c0_i32 : i32, i32
  }
  func.func @transform_9(%arg0: i32) -> (i32, i32) {
    %c0_i32 = arith.constant 0 : i32
    %c0_i32_0 = arith.constant 0 : i32
    %c0_i32_1 = arith.constant 0 : i32
    return %c0_i32, %c0_i32_0 : i32, i32
  }
  func.func @transform_10(%arg0: i32) -> (i32, i32) {
    %c0_i32 = arith.constant 0 : i32
    %c0_i32_0 = arith.constant 0 : i32
    %c0_i32_1 = arith.constant 0 : i32
    return %c0_i32, %c0_i32_0 : i32, i32
  }
  func.func @transform_11(%arg0: i32) -> (i32, i32) {
    %c0_i32 = arith.constant 0 : i32
    %c0_i32_0 = arith.constant 0 : i32
    %c0_i32_1 = arith.constant 0 : i32
    return %c0_i32, %c0_i32_0 : i32, i32
  }
  func.func @transform_12(%arg0: i32) -> (i32, i32) {
    %c0_i32 = arith.constant 0 : i32
    %c0_i32_0 = arith.constant 0 : i32
    %c0_i32_1 = arith.constant 0 : i32
    return %c0_i32, %c0_i32_0 : i32, i32
  }
  func.func @transform_13(%arg0: i32) -> (i32, i32) {
    %c0_i32 = arith.constant 0 : i32
    %c0_i32_0 = arith.constant 0 : i32
    %c0_i32_1 = arith.constant 0 : i32
    return %c0_i32, %c0_i32_0 : i32, i32
  }
}

</mosaic_0001>

<sc_bundles>
// kernel: kernel.10.cloned.1.call-start
scs
__scs_entry_jumppad:
0x0: {  	(pc) =	sbr.rel $0x88, $3  }
0x1: {  	(tag) =	ssettag $0x0;
	lr =	simm.s32 $0x1  }
0x2: {  	[smem:$0x3F94] =	sst lr;
	_ =	strace $0xD0000000  }
0x3: {  	_ = 	snop  }
0x4: {  	_ = 	snop  }
0x5: {  	_ = 	snop  }
0x6: {  	_ = 	snop  }
0x7: {  	_ = 	snop  }
__scs_overlays_trampoline_lowered:
0x8: {  	[smem:$0x3FA3] =	sst s0  }
0x9: {  	[smem:$0x3FA4] =	sst s1  }
0xa: {  	[smem:$0x3FA5] =	sst s2  }
0xb: {  	[smem:$0x3FA6] =	sst s3  }
0xc: {  	[smem:$0x3FA7] =	sst s4  }
0xd: {  	[smem:$0x3FA8] =	sst s5  }
0xe: {  	[smem:$0x3FA9] =	sst s6  }
0xf: {  	[smem:$0x3FAA] =	sst s7  }
0x10: {  	[smem:$0x3FAB] =	sst s8  }
0x11: {  	[smem:$0x3FAC] =	sst s9;
	s0 =	simm.s32 @!p0 $0x0  }
0x12: {  	s1 =	sld [smem:$0x3F92];
	s0 =	simm.s32 @p0 $0x1  }
0x13: {  	[smem:$0x3FAD] =	sst s0;
	s0 =	simm.s32 @!p1 $0x0  }
0x14: {  	s2 =	sld [smem:$0x3F91];
	s0 =	simm.s32 @p1 $0x1  }
0x15: {  	[smem:$0x3FAE] =	sst s0;
	s0 =	simm.s32 @!p2 $0x0  }
0x16: {  	s3 =	sld [smem:$0x3FDB];
	s0 =	simm.s32 @p2 $0x1  }
0x17: {  	s4 =	simm.s32 $0x1BF5;
	[smem:$0x3FB0] =	sst s0  }
0x18: {  	s0 =	sld [smem:$0x3F93];
	_ =	swait.ge [sflag:s4], $0x0  }
0x19: {  	s7 =	sld [smem:$0x3F94]  }
0x1a: {  	s8 =	sadd.s32 $0xFFFFE003, lr  }
0x1b: {  	s9 =	sadd.s32 $0xFFFFFEF7, lr;
	s5 =	simm.s32 $0xFFFFFFFF;
	p2 =	slt.u32 s8, $0xFFFFF086  }
0x1c: {  	p1 =	slt.u32 s9, $0xF7A;
	s5 =	simm.s32 @!p2 $0x0  }
0x1d: {  	s5 =	simm.s32 @p1 $0x1;
	p0 =	seq.s32 s7, s2  }
0x1e: {  	s7 =	smul.u32 @!p0 $0xF7A, s2;
	p2 =	seq.s32 @!p0 s5, $0x0  }
0x1f: {  	s9 =	smul.u32 $0xF7A, s1;
	s8 =	simm.s32 @!p0 $0x1BF5;
	p2 =	por !p2, p0  }
0x20: {  	[sflag:s8] =	ssyncset.s32 @!p0 $0xFFFFF086;
	s6 =	sadd.s32 @!p0 s3, s7;
	s7 =	simm.s32 @!p0 $0x108  }
0x21: {  	s3 =	sadd.s32 s3, s9;
	s6 =	sadd.s32 @!p0 $0x88, s6;
	s7 =	simm.s32 @p2 $0x1082  }
0x22: {  	[simem:s7], [sflag:s8] =	dma.local @!p0 [hbm:s6], $0xF7A  }
0x23: {  	s9 =	sor.u32 $0xD0000000, s2;
	s6 =	simm.s32 $0x108;
	_ =	swait.ge @!p0 [sflag:s8], $0x0  }
0x24: {  	s3 =	sadd.s32 $0x88, s3;
	s6 =	simm.s32 @!p1 $0x1082;
	[sflag:s4] =	ssyncset.s32 $0xFFFFF086  }
0x25: {  	[simem:s6], [sflag:s4] =	dma.local [hbm:s3], $0xF7A  }
0x26: {  	[smem:$0x3F94] =	sst s1;
	(tag) =	ssettag s2;
	_ =	strace s9  }
0x27: {  	s1 =	sld [smem:$0x3FA4]  }
0x28: {  	s2 =	sld [smem:$0x3FA5]  }
0x29: {  	s4 =	sld [smem:$0x3FA7]  }
0x2a: {  	p0 =	seq.s32 s5, $0x0;
	s5 =	sld [smem:$0x3FA8]  }
0x2b: {  	s6 =	sld [smem:$0x3FA9]  }
0x2c: {  	s7 =	sld [smem:$0x3FAA]  }
0x2d: {  	s3 =	simm.s32 $0x108;
	s8 =	sld [smem:$0x3FAB]  }
0x2e: {  	s3 =	simm.s32 @!p0 $0x1082;
	s9 =	sld [smem:$0x3FAC]  }
0x2f: {  	lr =	sadd.s32 s0, s3;
	s0 =	sld [smem:$0x3FA3]  }
0x30: {  	s3 =	sld [smem:$0x3FA6]  }
0x31: {  	[smem:$0x3FAF] =	sst s10  }
0x32: {  	s10 =	sld [smem:$0x3FAD];
	_ =	sdelay $0x3  }
0x33: {  	p0 =	seq.s32 s10, $0x1;
	s10 =	sld [smem:$0x3FAF];
	_ =	sdelay $0x3  }
0x34: {  	[smem:$0x3FAF] =	sst s10  }
0x35: {  	s10 =	sld [smem:$0x3FAE];
	_ =	sdelay $0x3  }
0x36: {  	p1 =	seq.s32 s10, $0x1;
	s10 =	sld [smem:$0x3FAF];
	_ =	sdelay $0x3  }
0x37: {  	[smem:$0x3FAF] =	sst s10  }
0x38: {  	s10 =	sld [smem:$0x3FB0]  }
0x39: {  	_ = 	snop;
	(pc) =	sbr.ind lr, $3  }
0x3a: {  	_ = 	snop  }
0x3b: {  	_ = 	snop  }
0x3c: {  	p2 =	seq.s32 s10, $0x1;
	s10 =	sld [smem:$0x3FAF]  }
0x3d: {  	_ =	shalt  }
0x3e: {  	_ =	shalt  }
0x3f: {  	_ =	shalt  }
0x40: {  	_ =	shalt  }
0x41: {  	_ =	shalt  }
0x42: {  	_ =	shalt  }
0x43: {  	_ =	shalt  }
0x44: {  	_ =	shalt  }
0x45: {  	_ =	shalt  }
0x46: {  	_ =	shalt  }
0x47: {  	_ =	shalt  }
0x48: {  	_ =	shalt  }
0x49: {  	_ =	shalt  }
0x4a: {  	_ =	shalt  }
0x4b: {  	_ =	shalt  }
0x4c: {  	_ =	shalt  }
0x4d: {  	_ =	shalt  }
0x4e: {  	_ =	shalt  }
0x4f: {  	_ =	shalt  }
0x50: {  	_ =	shalt  }
0x51: {  	_ =	shalt  }
0x52: {  	_ =	shalt  }
0x53: {  	_ =	shalt  }
0x54: {  	_ =	shalt  }
0x55: {  	_ =	shalt  }
0x56: {  	_ =	shalt  }
0x57: {  	_ =	shalt  }
0x58: {  	_ =	shalt  }
0x59: {  	_ =	shalt  }
0x5a: {  	_ =	shalt  }
0x5b: {  	_ =	shalt  }
0x5c: {  	_ =	shalt  }
0x5d: {  	_ =	shalt  }
0x5e: {  	_ =	shalt  }
0x5f: {  	_ =	shalt  }
0x60: {  	_ =	shalt  }
0x61: {  	_ =	shalt  }
0x62: {  	_ =	shalt  }
0x63: {  	_ =	shalt  }
0x64: {  	_ =	shalt  }
0x65: {  	_ =	shalt  }
0x66: {  	_ =	shalt  }
0x67: {  	_ =	shalt  }
0x68: {  	_ =	shalt  }
0x69: {  	_ =	shalt  }
0x6a: {  	_ =	shalt  }
0x6b: {  	_ =	shalt  }
0x6c: {  	_ =	shalt  }
0x6d: {  	_ =	shalt  }
0x6e: {  	_ =	shalt  }
0x6f: {  	_ =	shalt  }
0x70: {  	_ =	shalt  }
0x71: {  	_ =	shalt  }
0x72: {  	_ =	shalt  }
0x73: {  	_ =	shalt  }
0x74: {  	_ =	shalt  }
0x75: {  	_ =	shalt  }
0x76: {  	_ =	shalt  }
0x77: {  	_ =	shalt  }
0x78: {  	_ =	shalt  }
0x79: {  	_ =	shalt  }
0x7a: {  	_ =	shalt  }
0x7b: {  	_ =	shalt  }
0x7c: {  	_ =	shalt  }
0x7d: {  	_ =	shalt  }
0x7e: {  	_ =	shalt  }
0x7f: {  	_ =	shalt  }
0x80: {  	_ =	shalt  }
0x81: {  	_ =	shalt  }
0x82: {  	_ =	shalt  }
0x83: {  	_ =	shalt  }
0x84: {  	_ =	shalt  }
0x85: {  	_ =	shalt  }
0x86: {  	_ =	shalt  }
0x87: {  	_ =	shalt  }
.Lfunc_end0:
.L_simem_size_0:
called_computation_lowered:
.L_overlay_start_0:
0x88: {  	s2 =	sld [smem:$0x3FD9]  }
0x89: {  	s3 =	sld [smem:$0x3FFE];
	_ =	sdelay $0x1  }
0x8a: {  	s1 =	srdreg.scid  }
0x8b: {  	s0 =	sand.u32 $0x1, s1  }
0x8c: {  	s16 =	sshll.u32 s0, $0xA;
	s2 =	sadd.s32 s3, s2  }
0x8d: {  	s2 =	sadd.s32 s2, s16  }
0x8e: {  	[smem:$0x3FBB] =	sst s2  }
0x8f: {  	_ = 	snop  }
0x90: {  	(tm) =	ssettm $0x1  }
0x91: {  	s17 =	sld [smem:$0x3FFB];
	_ =	sdelay $0x3  }
0x92: {  	_ =	strace s17  }
0x93: {  	s2 =	sld [smem:$0x3FFC];
	_ =	sdelay $0x3  }
0x94: {  	_ =	strace s2  }
0x95: {  	s2 =	sld [smem:$0x3FFD];
	_ =	sdelay $0x3  }
0x96: {  	_ =	strace s2  }
0x97: {  	_ =	strace $0x8FFFFFFF  }
0x98: {  	s18 =	sld [smem:$0x3FDB];
	_ =	sdelay $0x1  }
0x99: {  	s19 =	simm.s32 $_scs_section_size  }
0x9a: {  	s4 =	simm.s32 $_size__tile_overlayer_lowered;
	s5 =	simm.s32 $_tile_overlayer_lowered  }
0x9b: {  	s22 =	simm.s32 $0x1BFF;
	s21 =	sshll.u32 s5, $0x1;
	s2 =	sadd.s32 s19, s18  }
0x9c: {  	s6 =	simm.s32 $0x0;
	s20 =	sshll.u32 s4, $0x1;
	s4 =	sadd.s32 s21, s2  }
0x9d: {  	[timem:s6], [sflag:s22] =	dma.local [hbm:s4], s20  }
0x9e: {  	_ =	swait.ge [sflag:s22], s20  }
0x9f: {  	s3 =	ssub.s32 $0x0, s20;
	[sflag:s22] =	ssyncset.done $0x0  }
0xa0: {  	[sflag:s22] =	ssyncadd.s32 s3;
	_ =	sdelay $0x1  }
0xa1: {  	s23 =	simm.s32 $0x1B8B  }
0xa2: {  	_ =	swait.ge [sflag:s23], $0x1  }
0xa3: {  	[sflag:s23] =	ssyncset.done $0x0  }
0xa4: {  	s25 =	simm.s32 $0x1B8E;
	s24 =	sld [smem:$0x3FFE];
	[sflag:s23] =	ssyncadd.s32 $0xFFFFFFFF  }
0xa5: {  	s26 =	simm.s32 $execute0_lowered;
	[smem:$0x3FD2] =	sst s25  }
0xa6: {  	s4 =	sshll.u32 s26, $0x1;
	_ =	strace $0x80000046;
	[dreg:$0x1] =	wrdreg $0xFFFFFFFF  }
0xa7: {  	s28 =	simm.s32 $_size_execute0_lowered;
	s2 =	sadd.s32 s2, s4;
	[dreg:$0x0] =	wrdreg $0x0  }
0xa8: {  	s4 =	sshll.u32 s28, $0x1;
	[dreg:$0x2] =	wrdreg s2  }
0xa9: {  	[dreg:$0x3] =	wrdreg s4  }
0xaa: {  	[dreg:$0x4] =	wrdreg $0xC0  }
0xab: {  	_ =	task [dreg:s6], $0x5FFFF  }
0xac: {  	[dreg:$0x1] =	wrdreg $0xFFFFFFFF  }
0xad: {  	[dreg:$0x0] =	wrdreg $0x60  }
0xae: {  	[dreg:$0x2] =	wrdreg s24  }
0xaf: {  	[dreg:$0x3] =	wrdreg $0x68000  }
0xb0: {  	[dreg:$0x4] =	wrdreg $0x9  }
0xb1: {  	_ =	task.clear_ibuf [dreg:s6], $0x5FFFF;
	_ =	strace $0x90000046  }
0xb2: {  	s29 =	simm.s32 $0x9;
	_ =	strace $0x80000048  }
0xb3: {  	_ =	swait.ge [sflag:s29], $0x1  }
0xb4: {  	[sflag:s29] =	ssyncadd.s32 $0xFFFFFFFF  }
0xb5: {  	_ =	strace $0x90000048  }
0xb6: {  	_ =	sfence  }
0xb7: {  	s30 =	sld [smem:$0x0];
	_ =	sdelay $0x2  }
0xb8: {  	s31 =	sshll.u32 s1, $0xD;
	s1 =	sshrl.u32 s1, $0x2  }
0xb9: {  	s3 =	sand.u32 $0x4000, s31;
	s1 =	sadd.s32 s1, s30  }
0xba: {  	s0 =	sor.u32 s3, s0;
	s1 =	sshll.u32 s1, $0x11  }
0xbb: {  	s0 =	sor.u32 s1, s0  }
0xbc: {  	s0 =	sadd.s32 $0x8F2B, s0  }
0xbd: {  	[sflag:s0] =	ssyncadd.remote.s32 $0x1  }
0xbe: {  	_ =	sfence.sel $0xFFFF  }
0xbf: {  	[dreg:$0x0] =	wrdreg $0xFFFFFFFF;
	(pc) =	sbr.abs _section_cstart, $3  }
0xc0: {  	[dreg:$0x1] =	wrdreg $0xFFFFFFFF  }
0xc1: {  	_ =	task.clear_ibuf [dreg:s6], $0x2FFFF;
	_ =	strace $0x9FFFFFFF  }
0xc2: {  	(tm) =	ssettm $0x7FFFFFFF  }
0xc3: {  	_ =	shalt  }
tec
execute0_lowered:
.L_overlay_start_1:
0x0: {  	(tag) =	ssettag $0x1  }
0x1: {  	s0 =	srdreg.scid;
	s5 =	rddreg [dreg:$0x0]  }
0x2: {  	s2 =	rddreg [dreg:$0x1];
	s4 =	sand.u32 $0x1, s0  }
0x3: {  	s3 =	simm.s32 $0x0;
	s0 =	stileid.u32;
	s7 =	smul.u32 $0x140000, s4  }
0x4: {  	s13 =	simm.s32 $0x1;
	s14 =	simm.s32 $0x80;
	s8 =	smul.u32 $0x14000, s0  }
0x5: {  	[smem:$0x7FF] =	sst s3;
	s1 =	sshll.u32 s4, $0x4;
	s9 =	smul.u32 $0x50000, s0  }
0x6: {  	s29 =	ssub.s32 $0x2, s4;
	s15 =	sshll.u32 s0, $0x6;
	s1 =	sor.u32 s0, s1  }
0x7: {  	s31 =	sshrl.u32 s29, $0x1;
	s15 =	sor.u32 $0x1C01, s15;
	s6 =	smul.u32 $0x500, s1  }
0x8: {  	s1 =	rddreg [dreg:$0x2];
	_ =	strace $0x80000047;
	s30 =	sshrl.u32 s9, $0x2  }
0x9: {  	s28 =	sadd.s32 s8, s7;
	s12 =	ssub.s32 s29, s31;
	s4 =	sadd.s32 s30, s2  }
0xa: {  	s10 =	sadd.s32 s6, s5;
	s6 =	sshrl.u32 s28, $0x3;
	s7 =	sadd.s32 $0xC000, s4  }
0xb: {  	s8 =	sadd.s32 $0x10000, s4;
	s16 =	sshrl.u32 s4, $0x3;
	s11 =	sadd.s32 s6, s5  }
0xc: {  	s5 =	sadd.s32 $0x4000, s4;
	s6 =	sadd.s32 $0x8000, s4;
	s9 =	sadd.s32 $0xFA00, s10  }
0xd: {  	v0 =	vimm.f32 $0.0e+00;
	v1 =	vimm.f32 $1.000000000e+00;
	s10 =	sadd.s32 $0x19A00, s11;
	s11 =	smax.u32 s12, $0x1;
	s12 =	simm.s32 $0x2800  }
.LBB2_1:
0xe: {  	s17 =	simm.s32 $0x200;
	s18 =	simm.s32 $0x0  }
.LBB2_2:
0xf: {  	p0 =	sne.s32 s17, $0xFE00;
	[tilespmem:s18+$0x2800] =	vst v0;
	s18 =	smov.u32 s17;
	s17 =	sadd.s32 $0x200, s17  }
.Ltmp0:
0x10: {  	(pc) =	sbr.rel @p0 .LBB2_2-.Ltmp0, $2  }
0x11: {  	_ =	sdelay $0x2  }
0x12: {  	s18 =	sshra.s32 s18, $0x2  }
0x13: {  	[tilespmem:s18+$0x2800] =	vst v0  }
0x14: {  	[spmem:s4] =	stream.linear.scatter [tilespmem:s12], [sflag:$0x1], $0x4000, $0x38;
	[tilespmem:$0x9000] =	vst v63  }
0x15: {  	_ =	swait.ge [sflag:s13], $0x4000  }
0x16: {  	[sflag:s13] =	ssyncset.done $0x0  }
0x17: {  	[sflag:s13] =	ssyncadd.s32 $0xFFFFC000  }
0x18: {  	[spmem:s5] =	stream.linear.scatter [tilespmem:s12], [sflag:$0x1], $0x4000, $0x38;
	[tilespmem:$0x9000] =	vst v63  }
0x19: {  	_ =	swait.ge [sflag:s13], $0x4000  }
0x1a: {  	[sflag:s13] =	ssyncset.done $0x0  }
0x1b: {  	[sflag:s13] =	ssyncadd.s32 $0xFFFFC000  }
0x1c: {  	[spmem:s6] =	stream.linear.scatter [tilespmem:s12], [sflag:$0x1], $0x4000, $0x38;
	[tilespmem:$0x9000] =	vst v63  }
0x1d: {  	_ =	swait.ge [sflag:s13], $0x4000  }
0x1e: {  	[sflag:s13] =	ssyncset.done $0x0  }
0x1f: {  	[sflag:s13] =	ssyncadd.s32 $0xFFFFC000  }
0x20: {  	[spmem:s7] =	stream.linear.scatter [tilespmem:s12], [sflag:$0x1], $0x4000, $0x38;
	[tilespmem:$0x9000] =	vst v63  }
0x21: {  	_ =	swait.ge [sflag:s13], $0x4000  }
0x22: {  	[sflag:s13] =	ssyncset.done $0x0  }
0x23: {  	[sflag:s13] =	ssyncadd.s32 $0xFFFFC000  }
0x24: {  	[spmem:s8] =	stream.linear.scatter [tilespmem:s12], [sflag:$0x1], $0x4000, $0x38;
	[tilespmem:$0x9000] =	vst v63  }
0x25: {  	_ =	swait.ge [sflag:s13], $0x4000  }
0x26: {  	[sflag:s13] =	ssyncset.done $0x0  }
0x27: {  	s17 =	simm.s32 $0x200;
	s18 =	simm.s32 $0x0;
	[sflag:s13] =	ssyncadd.s32 $0xFFFFC000  }
.LBB2_4:
0x28: {  	p0 =	sne.s32 s17, $0xFE00;
	[tilespmem:s18+$0x2800] =	vst v1;
	s18 =	smov.u32 s17;
	s17 =	sadd.s32 $0x200, s17  }
.Ltmp1:
0x29: {  	(pc) =	sbr.rel @p0 .LBB2_4-.Ltmp1, $2  }
0x2a: {  	_ =	sdelay $0x2  }
0x2b: {  	s18 =	sshra.s32 s18, $0x2  }
0x2c: {  	[tilespmem:s18+$0x2800] =	vst v1;
	s17 =	simm.s32 $0x0  }
0x2d: {  	[tilespmem:s17], [sflag:$0x1] =	stream.linear.gather [hbm4b:s9+s17], $0x2800, $0x38;
	[tilespmem:$0x9000] =	vst v63  }
0x2e: {  	_ =	swait.ge [sflag:s13], $0x2800  }
0x2f: {  	[sflag:s13] =	ssyncset.done $0x0  }
0x30: {  	[sflag:s13] =	ssyncadd.s32 $0xFFFFD800  }
0x31: {  	s31 =	simm.s32 $0x0;
	[bflag:$0x0] =	sbarrier.arrive $0xFFFF  }
0x32: {  	[spmem:s2] =	stream.indirect.scatter.add.f32 [tilespmem:s12], [sflag:$0x1], $0x10, s31, s14, $0xb8;
	[tilespmem:$0x9000] =	vst v63  }
0x33: {  	_ =	swait.ge [sflag:s13], $0x800  }
0x34: {  	s17 =	simm.s32 $0x200;
	[sflag:s13] =	ssyncset.done $0x0  }
.LBB2_6:
0x35: {  	s18 =	sshra.s32 s17, $0x2;
	[sflag:s13] =	ssyncadd.s32 $0xFFFFF800;
	p0 =	sne.s32 s17, $0x9E00  }
0x36: {  	[spmem:s2] =	stream.indirect.scatter.add.f32 [tilespmem:s12], [sflag:$0x1], $0x10, s18, s14, $0xb8;
	[tilespmem:$0x9000] =	vst v63  }
.Ltmp2:
0x37: {  	_ = 	snop;
	(pc) =	sbr.rel @p0 .LBB2_6-.Ltmp2, $4  }
0x38: {  	_ = 	snop  }
0x39: {  	s17 =	sadd.s32 $0x200, s17  }
0x3a: {  	_ =	swait.ge [sflag:s13], $0x800  }
0x3b: {  	[sflag:s13] =	ssyncset.done $0x0  }
0x3c: {  	s3 =	sadd.s32 $0x1, s3  }
0x3d: {  	[sflag:s13] =	ssyncadd.s32 $0xFFFFF800;
	p0 =	sne.s32 s3, s11  }
.Ltmp3:
0x3e: {  	[bflag:$0x0] =	sbarrier.arrive $0xFFFF;
	(pc) =	sbr.rel @p0 .LBB2_1-.Ltmp3, $4  }
0x3f: {  	[hbm:s10], [sflag:s15] =	dma.local [spmem:s16], $0x2800  }
0x40: {  	_ =	swait.ge [sflag:s13], $0x2800  }
0x41: {  	[sflag:s13] =	ssyncset.done $0x0  }
0x42: {  	[sflag:s13] =	ssyncadd.s32 $0xFFFFD800  }
0x43: {  	_ =	sfence.sel $0x180000  }
0x44: {  	[bflag:$0x0] =	sbarrier.arrive $0xFFFF  }
0x45: {  	p0 =	sne.s32 s0, $0x0;
	_ =	strace $0x90000047  }
0x46: {  	s0 =	sadd.s32 @!p0 $0x100000, s1;
	[bflag:$0x2] =	sbarrier.arrive $0xFFFF  }
0x47: {  	[sflag:s0] =	ssyncadd.tile.s32 @!p0 $0x1;
	_ =	shalt  }
.Lfunc_end2:
_tile_overlayer_lowered:
.L_overlay_start_2:
0x48: {  	(tag) =	ssettag $0x2  }
0x49: {  	s0 =	rddreg [dreg:$0x0];
	s2 =	stileid.u32  }
0x4a: {  	s1 =	rddreg [dreg:$0x1];
	p0 =	sne.s32 s2, $0x0  }
0x4b: {  	s3 =	rddreg [dreg:$0x2];
	[bflag:$0x3] =	sbarrier.arrive $0xFFFF;
	s2 =	simm.s32 @!p0 $0x1C01  }
0x4c: {  	[timem:s3], [sflag:s2] =	dma.local @!p0 [hbm:s0], s1  }
0x4d: {  	s0 =	simm.s32 @!p0 $0x1  }
0x4e: {  	_ =	swait.ge @!p0 [sflag:s0], s1  }
0x4f: {  	s1 =	ssub.s32 @!p0 $0x0, s1;
	[sflag:s0] =	ssyncset.done @!p0 $0x0  }
0x50: {  	[sflag:s0] =	ssyncadd.s32 @!p0 s1  }
0x51: {  	[bflag:$0x3] =	sbarrier.arrive $0xFFFF  }
0x52: {  	_ =	shalt  }

// kernel: kernel.13.cloned.1.call-start
scs
__scs_entry_jumppad:
0x0: {  	(pc) =	sbr.rel $0x88, $3  }
0x1: {  	(tag) =	ssettag $0x0;
	lr =	simm.s32 $0x1  }
0x2: {  	[smem:$0x3F94] =	sst lr;
	_ =	strace $0xD0000000  }
0x3: {  	_ = 	snop  }
0x4: {  	_ = 	snop  }
0x5: {  	_ = 	snop  }
0x6: {  	_ = 	snop  }
0x7: {  	_ = 	snop  }
__scs_overlays_trampoline_lowered:
0x8: {  	[smem:$0x3FA3] =	sst s0  }
0x9: {  	[smem:$0x3FA4] =	sst s1  }
0xa: {  	[smem:$0x3FA5] =	sst s2  }
0xb: {  	[smem:$0x3FA6] =	sst s3  }
0xc: {  	[smem:$0x3FA7] =	sst s4  }
0xd: {  	[smem:$0x3FA8] =	sst s5  }
0xe: {  	[smem:$0x3FA9] =	sst s6  }
0xf: {  	[smem:$0x3FAA] =	sst s7  }
0x10: {  	[smem:$0x3FAB] =	sst s8  }
0x11: {  	[smem:$0x3FAC] =	sst s9;
	s0 =	simm.s32 @!p0 $0x0  }
0x12: {  	s1 =	sld [smem:$0x3F92];
	s0 =	simm.s32 @p0 $0x1  }
0x13: {  	[smem:$0x3FAD] =	sst s0;
	s0 =	simm.s32 @!p1 $0x0  }
0x14: {  	s2 =	sld [smem:$0x3F91];
	s0 =	simm.s32 @p1 $0x1  }
0x15: {  	[smem:$0x3FAE] =	sst s0;
	s0 =	simm.s32 @!p2 $0x0  }
0x16: {  	s3 =	sld [smem:$0x3FDB];
	s0 =	simm.s32 @p2 $0x1  }
0x17: {  	s4 =	simm.s32 $0x1BF5;
	[smem:$0x3FB0] =	sst s0  }
0x18: {  	s0 =	sld [smem:$0x3F93];
	_ =	swait.ge [sflag:s4], $0x0  }
0x19: {  	s7 =	sld [smem:$0x3F94]  }
0x1a: {  	s8 =	sadd.s32 $0xFFFFE003, lr  }
0x1b: {  	s9 =	sadd.s32 $0xFFFFFEF7, lr;
	s5 =	simm.s32 $0xFFFFFFFF;
	p2 =	slt.u32 s8, $0xFFFFF086  }
0x1c: {  	p1 =	slt.u32 s9, $0xF7A;
	s5 =	simm.s32 @!p2 $0x0  }
0x1d: {  	s5 =	simm.s32 @p1 $0x1;
	p0 =	seq.s32 s7, s2  }
0x1e: {  	s7 =	smul.u32 @!p0 $0xF7A, s2;
	p2 =	seq.s32 @!p0 s5, $0x0  }
0x1f: {  	s9 =	smul.u32 $0xF7A, s1;
	s8 =	simm.s32 @!p0 $0x1BF5;
	p2 =	por !p2, p0  }
0x20: {  	[sflag:s8] =	ssyncset.s32 @!p0 $0xFFFFF086;
	s6 =	sadd.s32 @!p0 s3, s7;
	s7 =	simm.s32 @!p0 $0x108  }
0x21: {  	s3 =	sadd.s32 s3, s9;
	s6 =	sadd.s32 @!p0 $0x88, s6;
	s7 =	simm.s32 @p2 $0x1082  }
0x22: {  	[simem:s7], [sflag:s8] =	dma.local @!p0 [hbm:s6], $0xF7A  }
0x23: {  	s9 =	sor.u32 $0xD0000000, s2;
	s6 =	simm.s32 $0x108;
	_ =	swait.ge @!p0 [sflag:s8], $0x0  }
0x24: {  	s3 =	sadd.s32 $0x88, s3;
	s6 =	simm.s32 @!p1 $0x1082;
	[sflag:s4] =	ssyncset.s32 $0xFFFFF086  }
0x25: {  	[simem:s6], [sflag:s4] =	dma.local [hbm:s3], $0xF7A  }
0x26: {  	[smem:$0x3F94] =	sst s1;
	(tag) =	ssettag s2;
	_ =	strace s9  }
0x27: {  	s1 =	sld [smem:$0x3FA4]  }
0x28: {  	s2 =	sld [smem:$0x3FA5]  }
0x29: {  	s4 =	sld [smem:$0x3FA7]  }
0x2a: {  	p0 =	seq.s32 s5, $0x0;
	s5 =	sld [smem:$0x3FA8]  }
0x2b: {  	s6 =	sld [smem:$0x3FA9]  }
0x2c: {  	s7 =	sld [smem:$0x3FAA]  }
0x2d: {  	s3 =	simm.s32 $0x108;
	s8 =	sld [smem:$0x3FAB]  }
0x2e: {  	s3 =	simm.s32 @!p0 $0x1082;
	s9 =	sld [smem:$0x3FAC]  }
0x2f: {  	lr =	sadd.s32 s0, s3;
	s0 =	sld [smem:$0x3FA3]  }
0x30: {  	s3 =	sld [smem:$0x3FA6]  }
0x31: {  	[smem:$0x3FAF] =	sst s10  }
0x32: {  	s10 =	sld [smem:$0x3FAD];
	_ =	sdelay $0x3  }
0x33: {  	p0 =	seq.s32 s10, $0x1;
	s10 =	sld [smem:$0x3FAF];
	_ =	sdelay $0x3  }
0x34: {  	[smem:$0x3FAF] =	sst s10  }
0x35: {  	s10 =	sld [smem:$0x3FAE];
	_ =	sdelay $0x3  }
0x36: {  	p1 =	seq.s32 s10, $0x1;
	s10 =	sld [smem:$0x3FAF];
	_ =	sdelay $0x3  }
0x37: {  	[smem:$0x3FAF] =	sst s10  }
0x38: {  	s10 =	sld [smem:$0x3FB0]  }
0x39: {  	_ = 	snop;
	(pc) =	sbr.ind lr, $3  }
0x3a: {  	_ = 	snop  }
0x3b: {  	_ = 	snop  }
0x3c: {  	p2 =	seq.s32 s10, $0x1;
	s10 =	sld [smem:$0x3FAF]  }
0x3d: {  	_ =	shalt  }
0x3e: {  	_ =	shalt  }
0x3f: {  	_ =	shalt  }
0x40: {  	_ =	shalt  }
0x41: {  	_ =	shalt  }
0x42: {  	_ =	shalt  }
0x43: {  	_ =	shalt  }
0x44: {  	_ =	shalt  }
0x45: {  	_ =	shalt  }
0x46: {  	_ =	shalt  }
0x47: {  	_ =	shalt  }
0x48: {  	_ =	shalt  }
0x49: {  	_ =	shalt  }
0x4a: {  	_ =	shalt  }
0x4b: {  	_ =	shalt  }
0x4c: {  	_ =	shalt  }
0x4d: {  	_ =	shalt  }
0x4e: {  	_ =	shalt  }
0x4f: {  	_ =	shalt  }
0x50: {  	_ =	shalt  }
0x51: {  	_ =	shalt  }
0x52: {  	_ =	shalt  }
0x53: {  	_ =	shalt  }
0x54: {  	_ =	shalt  }
0x55: {  	_ =	shalt  }
0x56: {  	_ =	shalt  }
0x57: {  	_ =	shalt  }
0x58: {  	_ =	shalt  }
0x59: {  	_ =	shalt  }
0x5a: {  	_ =	shalt  }
0x5b: {  	_ =	shalt  }
0x5c: {  	_ =	shalt  }
0x5d: {  	_ =	shalt  }
0x5e: {  	_ =	shalt  }
0x5f: {  	_ =	shalt  }
0x60: {  	_ =	shalt  }
0x61: {  	_ =	shalt  }
0x62: {  	_ =	shalt  }
0x63: {  	_ =	shalt  }
0x64: {  	_ =	shalt  }
0x65: {  	_ =	shalt  }
0x66: {  	_ =	shalt  }
0x67: {  	_ =	shalt  }
0x68: {  	_ =	shalt  }
0x69: {  	_ =	shalt  }
0x6a: {  	_ =	shalt  }
0x6b: {  	_ =	shalt  }
0x6c: {  	_ =	shalt  }
0x6d: {  	_ =	shalt  }
0x6e: {  	_ =	shalt  }
0x6f: {  	_ =	shalt  }
0x70: {  	_ =	shalt  }
0x71: {  	_ =	shalt  }
0x72: {  	_ =	shalt  }
0x73: {  	_ =	shalt  }
0x74: {  	_ =	shalt  }
0x75: {  	_ =	shalt  }
0x76: {  	_ =	shalt  }
0x77: {  	_ =	shalt  }
0x78: {  	_ =	shalt  }
0x79: {  	_ =	shalt  }
0x7a: {  	_ =	shalt  }
0x7b: {  	_ =	shalt  }
0x7c: {  	_ =	shalt  }
0x7d: {  	_ =	shalt  }
0x7e: {  	_ =	shalt  }
0x7f: {  	_ =	shalt  }
0x80: {  	_ =	shalt  }
0x81: {  	_ =	shalt  }
0x82: {  	_ =	shalt  }
0x83: {  	_ =	shalt  }
0x84: {  	_ =	shalt  }
0x85: {  	_ =	shalt  }
0x86: {  	_ =	shalt  }
0x87: {  	_ =	shalt  }
.Lfunc_end0:
.L_simem_size_0:
called_computation.1_lowered:
.L_overlay_start_0:
0x88: {  	s2 =	sld [smem:$0x3FD9]  }
0x89: {  	s3 =	sld [smem:$0x3FFE];
	_ =	sdelay $0x1  }
0x8a: {  	s1 =	srdreg.scid  }
0x8b: {  	s0 =	sand.u32 $0x1, s1  }
0x8c: {  	s16 =	sshll.u32 s0, $0xA;
	s2 =	sadd.s32 s3, s2  }
0x8d: {  	s2 =	sadd.s32 s2, s16  }
0x8e: {  	[smem:$0x3FBB] =	sst s2  }
0x8f: {  	_ = 	snop  }
0x90: {  	(tm) =	ssettm $0x1  }
0x91: {  	s17 =	sld [smem:$0x3FFB];
	_ =	sdelay $0x3  }
0x92: {  	_ =	strace s17  }
0x93: {  	s2 =	sld [smem:$0x3FFC];
	_ =	sdelay $0x3  }
0x94: {  	_ =	strace s2  }
0x95: {  	s2 =	sld [smem:$0x3FFD];
	_ =	sdelay $0x3  }
0x96: {  	_ =	strace s2  }
0x97: {  	_ =	strace $0x8FFFFFFF  }
0x98: {  	s18 =	sld [smem:$0x3FDB];
	_ =	sdelay $0x1  }
0x99: {  	s19 =	simm.s32 $_scs_section_size  }
0x9a: {  	s4 =	simm.s32 $_size__tile_overlayer_lowered;
	s5 =	simm.s32 $_tile_overlayer_lowered  }
0x9b: {  	s22 =	simm.s32 $0x1BFF;
	s21 =	sshll.u32 s5, $0x1;
	s2 =	sadd.s32 s19, s18  }
0x9c: {  	s6 =	simm.s32 $0x0;
	s20 =	sshll.u32 s4, $0x1;
	s4 =	sadd.s32 s21, s2  }
0x9d: {  	[timem:s6], [sflag:s22] =	dma.local [hbm:s4], s20  }
0x9e: {  	_ =	swait.ge [sflag:s22], s20  }
0x9f: {  	s3 =	ssub.s32 $0x0, s20;
	[sflag:s22] =	ssyncset.done $0x0  }
0xa0: {  	[sflag:s22] =	ssyncadd.s32 s3;
	_ =	sdelay $0x1  }
0xa1: {  	s23 =	simm.s32 $0x1B8B  }
0xa2: {  	_ =	swait.ge [sflag:s23], $0x1  }
0xa3: {  	[sflag:s23] =	ssyncset.done $0x0  }
0xa4: {  	s25 =	simm.s32 $0x1B8E;
	s24 =	sld [smem:$0x3FFE];
	[sflag:s23] =	ssyncadd.s32 $0xFFFFFFFF  }
0xa5: {  	s26 =	simm.s32 $execute0_lowered;
	[smem:$0x3FD2] =	sst s25  }
0xa6: {  	s4 =	sshll.u32 s26, $0x1;
	_ =	strace $0x80000049;
	[dreg:$0x1] =	wrdreg $0xFFFFFFFF  }
0xa7: {  	s28 =	simm.s32 $_size_execute0_lowered;
	s2 =	sadd.s32 s2, s4;
	[dreg:$0x0] =	wrdreg $0x0  }
0xa8: {  	s4 =	sshll.u32 s28, $0x1;
	[dreg:$0x2] =	wrdreg s2  }
0xa9: {  	[dreg:$0x3] =	wrdreg s4  }
0xaa: {  	[dreg:$0x4] =	wrdreg $0xC0  }
0xab: {  	_ =	task [dreg:s6], $0x5FFFF  }
0xac: {  	[dreg:$0x1] =	wrdreg $0xFFFFFFFF  }
0xad: {  	[dreg:$0x0] =	wrdreg $0x60  }
0xae: {  	[dreg:$0x2] =	wrdreg s24  }
0xaf: {  	[dreg:$0x3] =	wrdreg $0x90000  }
0xb0: {  	[dreg:$0x4] =	wrdreg $0x9  }
0xb1: {  	_ =	task.clear_ibuf [dreg:s6], $0x5FFFF;
	_ =	strace $0x90000049  }
0xb2: {  	s29 =	simm.s32 $0x9;
	_ =	strace $0x8000004B  }
0xb3: {  	_ =	swait.ge [sflag:s29], $0x1  }
0xb4: {  	[sflag:s29] =	ssyncadd.s32 $0xFFFFFFFF  }
0xb5: {  	_ =	strace $0x9000004B  }
0xb6: {  	_ =	sfence  }
0xb7: {  	s30 =	sld [smem:$0x0];
	_ =	sdelay $0x2  }
0xb8: {  	s31 =	sshll.u32 s1, $0xD;
	s1 =	sshrl.u32 s1, $0x2  }
0xb9: {  	s3 =	sand.u32 $0x4000, s31;
	s1 =	sadd.s32 s1, s30  }
0xba: {  	s0 =	sor.u32 s3, s0;
	s1 =	sshll.u32 s1, $0x11  }
0xbb: {  	s0 =	sor.u32 s1, s0  }
0xbc: {  	s0 =	sadd.s32 $0x8F2B, s0  }
0xbd: {  	[sflag:s0] =	ssyncadd.remote.s32 $0x1  }
0xbe: {  	_ =	sfence.sel $0xFFFF  }
0xbf: {  	[dreg:$0x0] =	wrdreg $0xFFFFFFFF;
	(pc) =	sbr.abs _section_cstart, $3  }
0xc0: {  	[dreg:$0x1] =	wrdreg $0xFFFFFFFF  }
0xc1: {  	_ =	task.clear_ibuf [dreg:s6], $0x2FFFF;
	_ =	strace $0x9FFFFFFF  }
0xc2: {  	(tm) =	ssettm $0x7FFFFFFF  }
0xc3: {  	_ =	shalt  }
tec
execute0_lowered:
.L_overlay_start_1:
0x0: {  	(tag) =	ssettag $0x1  }
0x1: {  	s0 =	srdreg.scid;
	s6 =	rddreg [dreg:$0x0]  }
0x2: {  	s2 =	rddreg [dreg:$0x1];
	s3 =	simm.s32 $0x0;
	s14 =	simm.s32 $0x5000  }
0x3: {  	s15 =	simm.s32 $0x2;
	s16 =	simm.s32 $0x2800;
	s5 =	sand.u32 $0x1, s0  }
0x4: {  	s17 =	simm.s32 $0x80;
	s0 =	stileid.u32;
	s7 =	smul.u32 $0x140000, s5  }
0x5: {  	s18 =	simm.s32 $0x1;
	[smem:$0x7FF] =	sst s3;
	s8 =	smul.u32 $0x14000, s0  }
0x6: {  	s1 =	sshll.u32 s5, $0x4;
	s9 =	smul.u32 $0x50000, s0;
	s29 =	ssub.s32 $0x2, s5  }
0x7: {  	s19 =	sshll.u32 s0, $0x6;
	s1 =	sor.u32 s0, s1;
	s31 =	sshrl.u32 s29, $0x1  }
0x8: {  	s19 =	sor.u32 $0x1C02, s19;
	s4 =	smul.u32 $0x500, s1;
	s1 =	rddreg [dreg:$0x2]  }
0x9: {  	_ =	strace $0x8000004A;
	s7 =	sadd.s32 s8, s7;
	s30 =	sshrl.u32 s9, $0x2  }
0xa: {  	s13 =	ssub.s32 s29, s31;
	s7 =	sshrl.u32 s7, $0x3;
	s5 =	sadd.s32 s30, s2  }
0xb: {  	s13 =	smax.u32 s13, $0x1;
	s11 =	sadd.s32 s4, s6;
	s4 =	sadd.s32 $0x41A00, s6  }
0xc: {  	s12 =	sadd.s32 s7, s6;
	s6 =	sadd.s32 $0x4000, s5;
	s7 =	sadd.s32 $0x8000, s5  }
0xd: {  	s8 =	sadd.s32 $0xC000, s5;
	s9 =	sadd.s32 $0x10000, s5;
	s20 =	sshrl.u32 s5, $0x3  }
0xe: {  	v0 =	vimm.f32 $0.0e+00;
	s10 =	sadd.s32 $0x5A00, s11;
	s11 =	sadd.s32 $0xFA00, s11;
	s12 =	sadd.s32 $0x91A00, s12  }
.LBB2_1:
0xf: {  	s21 =	simm.s32 $0x0;
	s22 =	simm.s32 $0x200  }
.LBB2_2:
0x10: {  	p0 =	sne.s32 s22, $0xFE00;
	[tilespmem:s21+$0x5070] =	vst v0  }
0x11: {  	[tilespmem:s21+$0x5000] =	vst v0  }
0x12: {  	[tilespmem:s21+$0x5010] =	vst v0  }
.Ltmp0:
0x13: {  	[tilespmem:s21+$0x5020] =	vst v0;
	(pc) =	sbr.rel @p0 .LBB2_2-.Ltmp0, $4  }
0x14: {  	[tilespmem:s21+$0x5030] =	vst v0  }
0x15: {  	[tilespmem:s21+$0x5040] =	vst v0  }
0x16: {  	[tilespmem:s21+$0x5050] =	vst v0  }
0x17: {  	[tilespmem:s21+$0x5060] =	vst v0;
	s21 =	sshra.s32 s22, $0x2;
	s22 =	sadd.s32 $0x200, s22  }
0x18: {  	[tilespmem:s21+$0x5070] =	vst v0  }
0x19: {  	[tilespmem:s21+$0x5000] =	vst v0  }
0x1a: {  	[tilespmem:s21+$0x5010] =	vst v0  }
0x1b: {  	[tilespmem:s21+$0x5020] =	vst v0  }
0x1c: {  	[tilespmem:s21+$0x5030] =	vst v0  }
0x1d: {  	[tilespmem:s21+$0x5040] =	vst v0  }
0x1e: {  	[tilespmem:s21+$0x5050] =	vst v0  }
0x1f: {  	[tilespmem:s21+$0x5060] =	vst v0  }
0x20: {  	[spmem:s5] =	stream.linear.scatter [tilespmem:s14], [sflag:$0x2], $0x4000, $0x38;
	[tilespmem:$0x1D000] =	vst v63  }
0x21: {  	_ =	swait.ge [sflag:s15], $0x4000  }
0x22: {  	[sflag:s15] =	ssyncset.done $0x0  }
0x23: {  	[sflag:s15] =	ssyncadd.s32 $0xFFFFC000  }
0x24: {  	[spmem:s6] =	stream.linear.scatter [tilespmem:s14], [sflag:$0x2], $0x4000, $0x38;
	[tilespmem:$0x1D000] =	vst v63  }
0x25: {  	_ =	swait.ge [sflag:s15], $0x4000  }
0x26: {  	[sflag:s15] =	ssyncset.done $0x0  }
0x27: {  	[sflag:s15] =	ssyncadd.s32 $0xFFFFC000  }
0x28: {  	[spmem:s7] =	stream.linear.scatter [tilespmem:s14], [sflag:$0x2], $0x4000, $0x38;
	[tilespmem:$0x1D000] =	vst v63  }
0x29: {  	_ =	swait.ge [sflag:s15], $0x4000  }
0x2a: {  	[sflag:s15] =	ssyncset.done $0x0  }
0x2b: {  	[sflag:s15] =	ssyncadd.s32 $0xFFFFC000  }
0x2c: {  	[spmem:s8] =	stream.linear.scatter [tilespmem:s14], [sflag:$0x2], $0x4000, $0x38;
	[tilespmem:$0x1D000] =	vst v63  }
0x2d: {  	_ =	swait.ge [sflag:s15], $0x4000  }
0x2e: {  	[sflag:s15] =	ssyncset.done $0x0  }
0x2f: {  	[sflag:s15] =	ssyncadd.s32 $0xFFFFC000  }
0x30: {  	[spmem:s9] =	stream.linear.scatter [tilespmem:s14], [sflag:$0x2], $0x4000, $0x38;
	[tilespmem:$0x1D000] =	vst v63  }
0x31: {  	_ =	swait.ge [sflag:s15], $0x4000  }
0x32: {  	[sflag:s15] =	ssyncset.done $0x0  }
0x33: {  	s29 =	simm.s32 $0x0;
	[sflag:s15] =	ssyncadd.s32 $0xFFFFC000  }
0x34: {  	[tilespmem:s29], [sflag:$0x2] =	stream.linear.gather [hbm4b:s10+s29], $0x2800, $0x38;
	[tilespmem:$0x1D000] =	vst v63  }
0x35: {  	_ =	swait.ge [sflag:s15], $0x2800  }
0x36: {  	[sflag:s15] =	ssyncset.done $0x0  }
0x37: {  	[sflag:s15] =	ssyncadd.s32 $0xFFFFD800  }
0x38: {  	[tilespmem:s16], [sflag:$0x2] =	stream.linear.gather [hbm4b:s11+s29], $0x2800, $0x38;
	[tilespmem:$0x1D000] =	vst v63  }
0x39: {  	_ =	swait.ge [sflag:s15], $0x2800  }
0x3a: {  	[sflag:s15] =	ssyncset.done $0x0  }
0x3b: {  	[sflag:s15] =	ssyncadd.s32 $0xFFFFD800  }
0x3c: {  	s30 =	simm.s32 $0x0;
	[bflag:$0x0] =	sbarrier.arrive $0xFFFF  }
0x3d: {  	[tilespmem:s14], [sflag:$0x1] =	stream.indirect.gather [hbm4b:s4+s17], $0x80, s30, s17, $0xb8;
	[tilespmem:$0x1D000] =	vst v63  }
0x3e: {  	_ =	swait.ge [sflag:s18], $0x4000  }
0x3f: {  	[sflag:s18] =	ssyncset.done $0x0  }
0x40: {  	s31 =	simm.s32 $0x2800;
	[sflag:s18] =	ssyncadd.s32 $0xFFFFC000  }
0x41: {  	[spmem:s2] =	stream.indirect.scatter.add.f32 [tilespmem:s14], [sflag:$0x2], $0x80, s31, s17, $0xb8;
	[tilespmem:$0x1D000] =	vst v63  }
0x42: {  	_ =	swait.ge [sflag:s15], $0x4000  }
0x43: {  	s21 =	simm.s32 $0x200;
	s22 =	simm.s32 $0x400;
	[sflag:s15] =	ssyncset.done $0x0  }
.LBB2_4:
0x44: {  	s23 =	sshra.s32 s21, $0x2  }
0x45: {  	[sflag:s15] =	ssyncadd.s32 $0xFFFFC000;
	s21 =	smov.u32 s22;
	s24 =	sadd.s32 $0x200, s22  }
0x46: {  	[tilespmem:s14], [sflag:$0x1] =	stream.indirect.gather [hbm4b:s4+s17], $0x80, s23, s17, $0xb8;
	[tilespmem:$0x1D000] =	vst v63  }
0x47: {  	p0 =	sne.s32 s22, $0x9E00;
	_ =	swait.ge [sflag:s18], $0x4000  }
.Ltmp1:
0x48: {  	[sflag:s18] =	ssyncset.done $0x0;
	(pc) =	sbr.rel @p0 .LBB2_4-.Ltmp1, $4  }
0x49: {  	s22 =	sadd.s32 $0x2800, s23;
	[sflag:s18] =	ssyncadd.s32 $0xFFFFC000  }
0x4a: {  	[spmem:s2] =	stream.indirect.scatter.add.f32 [tilespmem:s14], [sflag:$0x2], $0x80, s22, s17, $0xb8;
	[tilespmem:$0x1D000] =	vst v63  }
0x4b: {  	_ =	swait.ge [sflag:s15], $0x4000  }
0x4c: {  	s22 =	smov.u32 s24;
	[sflag:s15] =	ssyncset.done $0x0  }
0x4d: {  	s21 =	sshra.s32 s21, $0x2;
	[sflag:s15] =	ssyncadd.s32 $0xFFFFC000  }
0x4e: {  	[tilespmem:s14], [sflag:$0x1] =	stream.indirect.gather [hbm4b:s4+s17], $0x80, s21, s17, $0xb8;
	[tilespmem:$0x1D000] =	vst v63  }
0x4f: {  	_ =	swait.ge [sflag:s18], $0x4000  }
0x50: {  	[sflag:s18] =	ssyncset.done $0x0  }
0x51: {  	s21 =	sadd.s32 $0x2800, s21;
	[sflag:s18] =	ssyncadd.s32 $0xFFFFC000  }
0x52: {  	[spmem:s2] =	stream.indirect.scatter.add.f32 [tilespmem:s14], [sflag:$0x2], $0x80, s21, s17, $0xb8;
	[tilespmem:$0x1D000] =	vst v63  }
0x53: {  	_ =	swait.ge [sflag:s15], $0x4000  }
0x54: {  	s3 =	sadd.s32 $0x1, s3;
	[sflag:s15] =	ssyncset.done $0x0  }
0x55: {  	p0 =	sne.s32 s3, s13;
	[sflag:s15] =	ssyncadd.s32 $0xFFFFC000  }
.Ltmp2:
0x56: {  	[bflag:$0x0] =	sbarrier.arrive $0xFFFF;
	(pc) =	sbr.rel @p0 .LBB2_1-.Ltmp2, $4  }
0x57: {  	[hbm:s12], [sflag:s19] =	dma.local [spmem:s20], $0x2800  }
0x58: {  	_ =	swait.ge [sflag:s15], $0x2800  }
0x59: {  	[sflag:s15] =	ssyncset.done $0x0  }
0x5a: {  	[sflag:s15] =	ssyncadd.s32 $0xFFFFD800  }
0x5b: {  	_ =	sfence.sel $0x180000  }
0x5c: {  	[bflag:$0x0] =	sbarrier.arrive $0xFFFF  }
0x5d: {  	p0 =	sne.s32 s0, $0x0;
	_ =	strace $0x9000004A  }
0x5e: {  	s0 =	sadd.s32 @!p0 $0x100000, s1;
	[bflag:$0x2] =	sbarrier.arrive $0xFFFF  }
0x5f: {  	[sflag:s0] =	ssyncadd.tile.s32 @!p0 $0x1;
	_ =	shalt  }
.Lfunc_end2:
_tile_overlayer_lowered:
.L_overlay_start_2:
0x60: {  	(tag) =	ssettag $0x2  }
0x61: {  	s0 =	rddreg [dreg:$0x0];
	s2 =	stileid.u32  }
0x62: {  	s1 =	rddreg [dreg:$0x1];
	p0 =	sne.s32 s2, $0x0  }
0x63: {  	s3 =	rddreg [dreg:$0x2];
	[bflag:$0x3] =	sbarrier.arrive $0xFFFF;
	s2 =	simm.s32 @!p0 $0x1C02  }
0x64: {  	[timem:s3], [sflag:s2] =	dma.local @!p0 [hbm:s0], s1  }
0x65: {  	s0 =	simm.s32 @!p0 $0x2  }
0x66: {  	_ =	swait.ge @!p0 [sflag:s0], s1  }
0x67: {  	s1 =	ssub.s32 @!p0 $0x0, s1;
	[sflag:s0] =	ssyncset.done @!p0 $0x0  }
0x68: {  	[sflag:s0] =	ssyncadd.s32 @!p0 s1  }
0x69: {  	[bflag:$0x3] =	sbarrier.arrive $0xFFFF  }
0x6a: {  	_ =	shalt  }

// kernel: kernel.16.cloned.1.call-start
scs
__scs_entry_jumppad:
0x0: {  	(pc) =	sbr.rel $0x88, $3  }
0x1: {  	(tag) =	ssettag $0x0;
	lr =	simm.s32 $0x1  }
0x2: {  	[smem:$0x3F94] =	sst lr;
	_ =	strace $0xD0000000  }
0x3: {  	_ = 	snop  }
0x4: {  	_ = 	snop  }
0x5: {  	_ = 	snop  }
0x6: {  	_ = 	snop  }
0x7: {  	_ = 	snop  }
__scs_overlays_trampoline_lowered:
0x8: {  	[smem:$0x3FA3] =	sst s0  }
0x9: {  	[smem:$0x3FA4] =	sst s1  }
0xa: {  	[smem:$0x3FA5] =	sst s2  }
0xb: {  	[smem:$0x3FA6] =	sst s3  }
0xc: {  	[smem:$0x3FA7] =	sst s4  }
0xd: {  	[smem:$0x3FA8] =	sst s5  }
0xe: {  	[smem:$0x3FA9] =	sst s6  }
0xf: {  	[smem:$0x3FAA] =	sst s7  }
0x10: {  	[smem:$0x3FAB] =	sst s8  }
0x11: {  	[smem:$0x3FAC] =	sst s9;
	s0 =	simm.s32 @!p0 $0x0  }
0x12: {  	s1 =	sld [smem:$0x3F92];
	s0 =	simm.s32 @p0 $0x1  }
0x13: {  	[smem:$0x3FAD] =	sst s0;
	s0 =	simm.s32 @!p1 $0x0  }
0x14: {  	s2 =	sld [smem:$0x3F91];
	s0 =	simm.s32 @p1 $0x1  }
0x15: {  	[smem:$0x3FAE] =	sst s0;
	s0 =	simm.s32 @!p2 $0x0  }
0x16: {  	s3 =	sld [smem:$0x3FDB];
	s0 =	simm.s32 @p2 $0x1  }
0x17: {  	s4 =	simm.s32 $0x1BF5;
	[smem:$0x3FB0] =	sst s0  }
0x18: {  	s0 =	sld [smem:$0x3F93];
	_ =	swait.ge [sflag:s4], $0x0  }
0x19: {  	s7 =	sld [smem:$0x3F94]  }
0x1a: {  	s8 =	sadd.s32 $0xFFFFE003, lr  }
0x1b: {  	s9 =	sadd.s32 $0xFFFFFEF7, lr;
	s5 =	simm.s32 $0xFFFFFFFF;
	p2 =	slt.u32 s8, $0xFFFFF086  }
0x1c: {  	p1 =	slt.u32 s9, $0xF7A;
	s5 =	simm.s32 @!p2 $0x0  }
0x1d: {  	s5 =	simm.s32 @p1 $0x1;
	p0 =	seq.s32 s7, s2  }
0x1e: {  	s7 =	smul.u32 @!p0 $0xF7A, s2;
	p2 =	seq.s32 @!p0 s5, $0x0  }
0x1f: {  	s9 =	smul.u32 $0xF7A, s1;
	s8 =	simm.s32 @!p0 $0x1BF5;
	p2 =	por !p2, p0  }
0x20: {  	[sflag:s8] =	ssyncset.s32 @!p0 $0xFFFFF086;
	s6 =	sadd.s32 @!p0 s3, s7;
	s7 =	simm.s32 @!p0 $0x108  }
0x21: {  	s3 =	sadd.s32 s3, s9;
	s6 =	sadd.s32 @!p0 $0x88, s6;
	s7 =	simm.s32 @p2 $0x1082  }
0x22: {  	[simem:s7], [sflag:s8] =	dma.local @!p0 [hbm:s6], $0xF7A  }
0x23: {  	s9 =	sor.u32 $0xD0000000, s2;
	s6 =	simm.s32 $0x108;
	_ =	swait.ge @!p0 [sflag:s8], $0x0  }
0x24: {  	s3 =	sadd.s32 $0x88, s3;
	s6 =	simm.s32 @!p1 $0x1082;
	[sflag:s4] =	ssyncset.s32 $0xFFFFF086  }
0x25: {  	[simem:s6], [sflag:s4] =	dma.local [hbm:s3], $0xF7A  }
0x26: {  	[smem:$0x3F94] =	sst s1;
	(tag) =	ssettag s2;
	_ =	strace s9  }
0x27: {  	s1 =	sld [smem:$0x3FA4]  }
0x28: {  	s2 =	sld [smem:$0x3FA5]  }
0x29: {  	s4 =	sld [smem:$0x3FA7]  }
0x2a: {  	p0 =	seq.s32 s5, $0x0;
	s5 =	sld [smem:$0x3FA8]  }
0x2b: {  	s6 =	sld [smem:$0x3FA9]  }
0x2c: {  	s7 =	sld [smem:$0x3FAA]  }
0x2d: {  	s3 =	simm.s32 $0x108;
	s8 =	sld [smem:$0x3FAB]  }
0x2e: {  	s3 =	simm.s32 @!p0 $0x1082;
	s9 =	sld [smem:$0x3FAC]  }
0x2f: {  	lr =	sadd.s32 s0, s3;
	s0 =	sld [smem:$0x3FA3]  }
0x30: {  	s3 =	sld [smem:$0x3FA6]  }
0x31: {  	[smem:$0x3FAF] =	sst s10  }
0x32: {  	s10 =	sld [smem:$0x3FAD];
	_ =	sdelay $0x3  }
0x33: {  	p0 =	seq.s32 s10, $0x1;
	s10 =	sld [smem:$0x3FAF];
	_ =	sdelay $0x3  }
0x34: {  	[smem:$0x3FAF] =	sst s10  }
0x35: {  	s10 =	sld [smem:$0x3FAE];
	_ =	sdelay $0x3  }
0x36: {  	p1 =	seq.s32 s10, $0x1;
	s10 =	sld [smem:$0x3FAF];
	_ =	sdelay $0x3  }
0x37: {  	[smem:$0x3FAF] =	sst s10  }
0x38: {  	s10 =	sld [smem:$0x3FB0]  }
0x39: {  	_ = 	snop;
	(pc) =	sbr.ind lr, $3  }
0x3a: {  	_ = 	snop  }
0x3b: {  	_ = 	snop  }
0x3c: {  	p2 =	seq.s32 s10, $0x1;
	s10 =	sld [smem:$0x3FAF]  }
0x3d: {  	_ =	shalt  }
0x3e: {  	_ =	shalt  }
0x3f: {  	_ =	shalt  }
0x40: {  	_ =	shalt  }
0x41: {  	_ =	shalt  }
0x42: {  	_ =	shalt  }
0x43: {  	_ =	shalt  }
0x44: {  	_ =	shalt  }
0x45: {  	_ =	shalt  }
0x46: {  	_ =	shalt  }
0x47: {  	_ =	shalt  }
0x48: {  	_ =	shalt  }
0x49: {  	_ =	shalt  }
0x4a: {  	_ =	shalt  }
0x4b: {  	_ =	shalt  }
0x4c: {  	_ =	shalt  }
0x4d: {  	_ =	shalt  }
0x4e: {  	_ =	shalt  }
0x4f: {  	_ =	shalt  }
0x50: {  	_ =	shalt  }
0x51: {  	_ =	shalt  }
0x52: {  	_ =	shalt  }
0x53: {  	_ =	shalt  }
0x54: {  	_ =	shalt  }
0x55: {  	_ =	shalt  }
0x56: {  	_ =	shalt  }
0x57: {  	_ =	shalt  }
0x58: {  	_ =	shalt  }
0x59: {  	_ =	shalt  }
0x5a: {  	_ =	shalt  }
0x5b: {  	_ =	shalt  }
0x5c: {  	_ =	shalt  }
0x5d: {  	_ =	shalt  }
0x5e: {  	_ =	shalt  }
0x5f: {  	_ =	shalt  }
0x60: {  	_ =	shalt  }
0x61: {  	_ =	shalt  }
0x62: {  	_ =	shalt  }
0x63: {  	_ =	shalt  }
0x64: {  	_ =	shalt  }
0x65: {  	_ =	shalt  }
0x66: {  	_ =	shalt  }
0x67: {  	_ =	shalt  }
0x68: {  	_ =	shalt  }
0x69: {  	_ =	shalt  }
0x6a: {  	_ =	shalt  }
0x6b: {  	_ =	shalt  }
0x6c: {  	_ =	shalt  }
0x6d: {  	_ =	shalt  }
0x6e: {  	_ =	shalt  }
0x6f: {  	_ =	shalt  }
0x70: {  	_ =	shalt  }
0x71: {  	_ =	shalt  }
0x72: {  	_ =	shalt  }
0x73: {  	_ =	shalt  }
0x74: {  	_ =	shalt  }
0x75: {  	_ =	shalt  }
0x76: {  	_ =	shalt  }
0x77: {  	_ =	shalt  }
0x78: {  	_ =	shalt  }
0x79: {  	_ =	shalt  }
0x7a: {  	_ =	shalt  }
0x7b: {  	_ =	shalt  }
0x7c: {  	_ =	shalt  }
0x7d: {  	_ =	shalt  }
0x7e: {  	_ =	shalt  }
0x7f: {  	_ =	shalt  }
0x80: {  	_ =	shalt  }
0x81: {  	_ =	shalt  }
0x82: {  	_ =	shalt  }
0x83: {  	_ =	shalt  }
0x84: {  	_ =	shalt  }
0x85: {  	_ =	shalt  }
0x86: {  	_ =	shalt  }
0x87: {  	_ =	shalt  }
.Lfunc_end0:
.L_simem_size_0:
called_computation.2_lowered:
.L_overlay_start_0:
0x88: {  	s2 =	sld [smem:$0x3FD9]  }
0x89: {  	s3 =	sld [smem:$0x3FFE];
	_ =	sdelay $0x1  }
0x8a: {  	s1 =	srdreg.scid  }
0x8b: {  	s0 =	sand.u32 $0x1, s1  }
0x8c: {  	s16 =	sshll.u32 s0, $0xA;
	s2 =	sadd.s32 s3, s2  }
0x8d: {  	s2 =	sadd.s32 s2, s16  }
0x8e: {  	[smem:$0x3FBB] =	sst s2  }
0x8f: {  	_ = 	snop  }
0x90: {  	(tm) =	ssettm $0x1  }
0x91: {  	s17 =	sld [smem:$0x3FFB];
	_ =	sdelay $0x3  }
0x92: {  	_ =	strace s17  }
0x93: {  	s2 =	sld [smem:$0x3FFC];
	_ =	sdelay $0x3  }
0x94: {  	_ =	strace s2  }
0x95: {  	s2 =	sld [smem:$0x3FFD];
	_ =	sdelay $0x3  }
0x96: {  	_ =	strace s2  }
0x97: {  	_ =	strace $0x8FFFFFFF  }
0x98: {  	s18 =	sld [smem:$0x3FDB];
	_ =	sdelay $0x1  }
0x99: {  	s19 =	simm.s32 $_scs_section_size  }
0x9a: {  	s4 =	simm.s32 $_size__tile_overlayer_lowered;
	s5 =	simm.s32 $_tile_overlayer_lowered  }
0x9b: {  	s22 =	simm.s32 $0x1BFF;
	s21 =	sshll.u32 s5, $0x1;
	s2 =	sadd.s32 s19, s18  }
0x9c: {  	s6 =	simm.s32 $0x0;
	s20 =	sshll.u32 s4, $0x1;
	s4 =	sadd.s32 s21, s2  }
0x9d: {  	[timem:s6], [sflag:s22] =	dma.local [hbm:s4], s20  }
0x9e: {  	_ =	swait.ge [sflag:s22], s20  }
0x9f: {  	s3 =	ssub.s32 $0x0, s20;
	[sflag:s22] =	ssyncset.done $0x0  }
0xa0: {  	[sflag:s22] =	ssyncadd.s32 s3;
	_ =	sdelay $0x1  }
0xa1: {  	s23 =	simm.s32 $0x1B8B  }
0xa2: {  	_ =	swait.ge [sflag:s23], $0x1  }
0xa3: {  	[sflag:s23] =	ssyncset.done $0x0  }
0xa4: {  	s25 =	simm.s32 $0x1B8E;
	s24 =	sld [smem:$0x3FFE];
	[sflag:s23] =	ssyncadd.s32 $0xFFFFFFFF  }
0xa5: {  	s26 =	simm.s32 $execute0_lowered;
	[smem:$0x3FD2] =	sst s25  }
0xa6: {  	s4 =	sshll.u32 s26, $0x1;
	_ =	strace $0x8000004C;
	[dreg:$0x1] =	wrdreg $0xFFFFFFFF  }
0xa7: {  	s28 =	simm.s32 $_size_execute0_lowered;
	s2 =	sadd.s32 s2, s4;
	[dreg:$0x0] =	wrdreg $0x0  }
0xa8: {  	s4 =	sshll.u32 s28, $0x1;
	[dreg:$0x2] =	wrdreg s2  }
0xa9: {  	[dreg:$0x3] =	wrdreg s4  }
0xaa: {  	[dreg:$0x4] =	wrdreg $0xC0  }
0xab: {  	_ =	task [dreg:s6], $0x5FFFF  }
0xac: {  	[dreg:$0x1] =	wrdreg $0xFFFFFFFF  }
0xad: {  	[dreg:$0x0] =	wrdreg $0x60  }
0xae: {  	[dreg:$0x2] =	wrdreg s24  }
0xaf: {  	[dreg:$0x3] =	wrdreg $0x90000  }
0xb0: {  	[dreg:$0x4] =	wrdreg $0x9  }
0xb1: {  	_ =	task.clear_ibuf [dreg:s6], $0x5FFFF;
	_ =	strace $0x9000004C  }
0xb2: {  	s29 =	simm.s32 $0x9;
	_ =	strace $0x8000004E  }
0xb3: {  	_ =	swait.ge [sflag:s29], $0x1  }
0xb4: {  	[sflag:s29] =	ssyncadd.s32 $0xFFFFFFFF  }
0xb5: {  	_ =	strace $0x9000004E  }
0xb6: {  	_ =	sfence  }
0xb7: {  	s30 =	sld [smem:$0x0];
	_ =	sdelay $0x2  }
0xb8: {  	s31 =	sshll.u32 s1, $0xD;
	s1 =	sshrl.u32 s1, $0x2  }
0xb9: {  	s3 =	sand.u32 $0x4000, s31;
	s1 =	sadd.s32 s1, s30  }
0xba: {  	s0 =	sor.u32 s3, s0;
	s1 =	sshll.u32 s1, $0x11  }
0xbb: {  	s0 =	sor.u32 s1, s0  }
0xbc: {  	s0 =	sadd.s32 $0x8F2B, s0  }
0xbd: {  	[sflag:s0] =	ssyncadd.remote.s32 $0x1  }
0xbe: {  	_ =	sfence.sel $0xFFFF  }
0xbf: {  	[dreg:$0x0] =	wrdreg $0xFFFFFFFF;
	(pc) =	sbr.abs _section_cstart, $3  }
0xc0: {  	[dreg:$0x1] =	wrdreg $0xFFFFFFFF  }
0xc1: {  	_ =	task.clear_ibuf [dreg:s6], $0x2FFFF;
	_ =	strace $0x9FFFFFFF  }
0xc2: {  	(tm) =	ssettm $0x7FFFFFFF  }
0xc3: {  	_ =	shalt  }
tec
execute0_lowered:
.L_overlay_start_1:
0x0: {  	(tag) =	ssettag $0x1  }
0x1: {  	s0 =	srdreg.scid;
	s6 =	rddreg [dreg:$0x0]  }
0x2: {  	s2 =	rddreg [dreg:$0x1];
	s3 =	simm.s32 $0x0;
	s14 =	simm.s32 $0x5000  }
0x3: {  	s15 =	simm.s32 $0x2;
	s16 =	simm.s32 $0x2800;
	s5 =	sand.u32 $0x1, s0  }
0x4: {  	s17 =	simm.s32 $0x80;
	s0 =	stileid.u32;
	s7 =	smul.u32 $0x140000, s5  }
0x5: {  	s18 =	simm.s32 $0x1;
	[smem:$0x7FF] =	sst s3;
	s8 =	smul.u32 $0x14000, s0  }
0x6: {  	s1 =	sshll.u32 s5, $0x4;
	s9 =	smul.u32 $0x50000, s0;
	s29 =	ssub.s32 $0x2, s5  }
0x7: {  	s19 =	sshll.u32 s0, $0x6;
	s1 =	sor.u32 s0, s1;
	s31 =	sshrl.u32 s29, $0x1  }
0x8: {  	s19 =	sor.u32 $0x1C02, s19;
	s4 =	smul.u32 $0x500, s1;
	s1 =	rddreg [dreg:$0x2]  }
0x9: {  	_ =	strace $0x8000004D;
	s7 =	sadd.s32 s8, s7;
	s30 =	sshrl.u32 s9, $0x2  }
0xa: {  	s13 =	ssub.s32 s29, s31;
	s7 =	sshrl.u32 s7, $0x3;
	s5 =	sadd.s32 s30, s2  }
0xb: {  	s13 =	smax.u32 s13, $0x1;
	s11 =	sadd.s32 s4, s6;
	s4 =	sadd.s32 $0x41A00, s6  }
0xc: {  	s12 =	sadd.s32 s7, s6;
	s6 =	sadd.s32 $0x4000, s5;
	s7 =	sadd.s32 $0x8000, s5  }
0xd: {  	s8 =	sadd.s32 $0xC000, s5;
	s9 =	sadd.s32 $0x10000, s5;
	s20 =	sshrl.u32 s5, $0x3  }
0xe: {  	v0 =	vimm.f32 $0.0e+00;
	s10 =	sadd.s32 $0x5A00, s11;
	s11 =	sadd.s32 $0xFA00, s11;
	s12 =	sadd.s32 $0x91A00, s12  }
.LBB2_1:
0xf: {  	s21 =	simm.s32 $0x0;
	s22 =	simm.s32 $0x200  }
.LBB2_2:
0x10: {  	p0 =	sne.s32 s22, $0xFE00;
	[tilespmem:s21+$0x5070] =	vst v0  }
0x11: {  	[tilespmem:s21+$0x5000] =	vst v0  }
0x12: {  	[tilespmem:s21+$0x5010] =	vst v0  }
.Ltmp0:
0x13: {  	[tilespmem:s21+$0x5020] =	vst v0;
	(pc) =	sbr.rel @p0 .LBB2_2-.Ltmp0, $4  }
0x14: {  	[tilespmem:s21+$0x5030] =	vst v0  }
0x15: {  	[tilespmem:s21+$0x5040] =	vst v0  }
0x16: {  	[tilespmem:s21+$0x5050] =	vst v0  }
0x17: {  	[tilespmem:s21+$0x5060] =	vst v0;
	s21 =	sshra.s32 s22, $0x2;
	s22 =	sadd.s32 $0x200, s22  }
0x18: {  	[tilespmem:s21+$0x5070] =	vst v0  }
0x19: {  	[tilespmem:s21+$0x5000] =	vst v0  }
0x1a: {  	[tilespmem:s21+$0x5010] =	vst v0  }
0x1b: {  	[tilespmem:s21+$0x5020] =	vst v0  }
0x1c: {  	[tilespmem:s21+$0x5030] =	vst v0  }
0x1d: {  	[tilespmem:s21+$0x5040] =	vst v0  }
0x1e: {  	[tilespmem:s21+$0x5050] =	vst v0  }
0x1f: {  	[tilespmem:s21+$0x5060] =	vst v0  }
0x20: {  	[spmem:s5] =	stream.linear.scatter [tilespmem:s14], [sflag:$0x2], $0x4000, $0x38;
	[tilespmem:$0x1D000] =	vst v63  }
0x21: {  	_ =	swait.ge [sflag:s15], $0x4000  }
0x22: {  	[sflag:s15] =	ssyncset.done $0x0  }
0x23: {  	[sflag:s15] =	ssyncadd.s32 $0xFFFFC000  }
0x24: {  	[spmem:s6] =	stream.linear.scatter [tilespmem:s14], [sflag:$0x2], $0x4000, $0x38;
	[tilespmem:$0x1D000] =	vst v63  }
0x25: {  	_ =	swait.ge [sflag:s15], $0x4000  }
0x26: {  	[sflag:s15] =	ssyncset.done $0x0  }
0x27: {  	[sflag:s15] =	ssyncadd.s32 $0xFFFFC000  }
0x28: {  	[spmem:s7] =	stream.linear.scatter [tilespmem:s14], [sflag:$0x2], $0x4000, $0x38;
	[tilespmem:$0x1D000] =	vst v63  }
0x29: {  	_ =	swait.ge [sflag:s15], $0x4000  }
0x2a: {  	[sflag:s15] =	ssyncset.done $0x0  }
0x2b: {  	[sflag:s15] =	ssyncadd.s32 $0xFFFFC000  }
0x2c: {  	[spmem:s8] =	stream.linear.scatter [tilespmem:s14], [sflag:$0x2], $0x4000, $0x38;
	[tilespmem:$0x1D000] =	vst v63  }
0x2d: {  	_ =	swait.ge [sflag:s15], $0x4000  }
0x2e: {  	[sflag:s15] =	ssyncset.done $0x0  }
0x2f: {  	[sflag:s15] =	ssyncadd.s32 $0xFFFFC000  }
0x30: {  	[spmem:s9] =	stream.linear.scatter [tilespmem:s14], [sflag:$0x2], $0x4000, $0x38;
	[tilespmem:$0x1D000] =	vst v63  }
0x31: {  	_ =	swait.ge [sflag:s15], $0x4000  }
0x32: {  	[sflag:s15] =	ssyncset.done $0x0  }
0x33: {  	s29 =	simm.s32 $0x0;
	[sflag:s15] =	ssyncadd.s32 $0xFFFFC000  }
0x34: {  	[tilespmem:s29], [sflag:$0x2] =	stream.linear.gather [hbm4b:s10+s29], $0x2800, $0x38;
	[tilespmem:$0x1D000] =	vst v63  }
0x35: {  	_ =	swait.ge [sflag:s15], $0x2800  }
0x36: {  	[sflag:s15] =	ssyncset.done $0x0  }
0x37: {  	[sflag:s15] =	ssyncadd.s32 $0xFFFFD800  }
0x38: {  	[tilespmem:s16], [sflag:$0x2] =	stream.linear.gather [hbm4b:s11+s29], $0x2800, $0x38;
	[tilespmem:$0x1D000] =	vst v63  }
0x39: {  	_ =	swait.ge [sflag:s15], $0x2800  }
0x3a: {  	[sflag:s15] =	ssyncset.done $0x0  }
0x3b: {  	[sflag:s15] =	ssyncadd.s32 $0xFFFFD800  }
0x3c: {  	s30 =	simm.s32 $0x0;
	[bflag:$0x0] =	sbarrier.arrive $0xFFFF  }
0x3d: {  	[tilespmem:s14], [sflag:$0x1] =	stream.indirect.gather [hbm4b:s4+s17], $0x80, s30, s17, $0xb8;
	[tilespmem:$0x1D000] =	vst v63  }
0x3e: {  	_ =	swait.ge [sflag:s18], $0x4000  }
0x3f: {  	[sflag:s18] =	ssyncset.done $0x0  }
0x40: {  	s31 =	simm.s32 $0x2800;
	[sflag:s18] =	ssyncadd.s32 $0xFFFFC000  }
0x41: {  	[spmem:s2] =	stream.indirect.scatter.add.f32 [tilespmem:s14], [sflag:$0x2], $0x80, s31, s17, $0xb8;
	[tilespmem:$0x1D000] =	vst v63  }
0x42: {  	_ =	swait.ge [sflag:s15], $0x4000  }
0x43: {  	s21 =	simm.s32 $0x200;
	s22 =	simm.s32 $0x400;
	[sflag:s15] =	ssyncset.done $0x0  }
.LBB2_4:
0x44: {  	s23 =	sshra.s32 s21, $0x2  }
0x45: {  	[sflag:s15] =	ssyncadd.s32 $0xFFFFC000;
	s21 =	smov.u32 s22;
	s24 =	sadd.s32 $0x200, s22  }
0x46: {  	[tilespmem:s14], [sflag:$0x1] =	stream.indirect.gather [hbm4b:s4+s17], $0x80, s23, s17, $0xb8;
	[tilespmem:$0x1D000] =	vst v63  }
0x47: {  	p0 =	sne.s32 s22, $0x9E00;
	_ =	swait.ge [sflag:s18], $0x4000  }
.Ltmp1:
0x48: {  	[sflag:s18] =	ssyncset.done $0x0;
	(pc) =	sbr.rel @p0 .LBB2_4-.Ltmp1, $4  }
0x49: {  	s22 =	sadd.s32 $0x2800, s23;
	[sflag:s18] =	ssyncadd.s32 $0xFFFFC000  }
0x4a: {  	[spmem:s2] =	stream.indirect.scatter.add.f32 [tilespmem:s14], [sflag:$0x2], $0x80, s22, s17, $0xb8;
	[tilespmem:$0x1D000] =	vst v63  }
0x4b: {  	_ =	swait.ge [sflag:s15], $0x4000  }
0x4c: {  	s22 =	smov.u32 s24;
	[sflag:s15] =	ssyncset.done $0x0  }
0x4d: {  	s21 =	sshra.s32 s21, $0x2;
	[sflag:s15] =	ssyncadd.s32 $0xFFFFC000  }
0x4e: {  	[tilespmem:s14], [sflag:$0x1] =	stream.indirect.gather [hbm4b:s4+s17], $0x80, s21, s17, $0xb8;
	[tilespmem:$0x1D000] =	vst v63  }
0x4f: {  	_ =	swait.ge [sflag:s18], $0x4000  }
0x50: {  	[sflag:s18] =	ssyncset.done $0x0  }
0x51: {  	s21 =	sadd.s32 $0x2800, s21;
	[sflag:s18] =	ssyncadd.s32 $0xFFFFC000  }
0x52: {  	[spmem:s2] =	stream.indirect.scatter.add.f32 [tilespmem:s14], [sflag:$0x2], $0x80, s21, s17, $0xb8;
	[tilespmem:$0x1D000] =	vst v63  }
0x53: {  	_ =	swait.ge [sflag:s15], $0x4000  }
0x54: {  	s3 =	sadd.s32 $0x1, s3;
	[sflag:s15] =	ssyncset.done $0x0  }
0x55: {  	p0 =	sne.s32 s3, s13;
	[sflag:s15] =	ssyncadd.s32 $0xFFFFC000  }
.Ltmp2:
0x56: {  	[bflag:$0x0] =	sbarrier.arrive $0xFFFF;
	(pc) =	sbr.rel @p0 .LBB2_1-.Ltmp2, $4  }
0x57: {  	[hbm:s12], [sflag:s19] =	dma.local [spmem:s20], $0x2800  }
0x58: {  	_ =	swait.ge [sflag:s15], $0x2800  }
0x59: {  	[sflag:s15] =	ssyncset.done $0x0  }
0x5a: {  	[sflag:s15] =	ssyncadd.s32 $0xFFFFD800  }
0x5b: {  	_ =	sfence.sel $0x180000  }
0x5c: {  	[bflag:$0x0] =	sbarrier.arrive $0xFFFF  }
0x5d: {  	p0 =	sne.s32 s0, $0x0;
	_ =	strace $0x9000004D  }
0x5e: {  	s0 =	sadd.s32 @!p0 $0x100000, s1;
	[bflag:$0x2] =	sbarrier.arrive $0xFFFF  }
0x5f: {  	[sflag:s0] =	ssyncadd.tile.s32 @!p0 $0x1;
	_ =	shalt  }
.Lfunc_end2:
_tile_overlayer_lowered:
.L_overlay_start_2:
0x60: {  	(tag) =	ssettag $0x2  }
0x61: {  	s0 =	rddreg [dreg:$0x0];
	s2 =	stileid.u32  }
0x62: {  	s1 =	rddreg [dreg:$0x1];
	p0 =	sne.s32 s2, $0x0  }
0x63: {  	s3 =	rddreg [dreg:$0x2];
	[bflag:$0x3] =	sbarrier.arrive $0xFFFF;
	s2 =	simm.s32 @!p0 $0x1C02  }
0x64: {  	[timem:s3], [sflag:s2] =	dma.local @!p0 [hbm:s0], s1  }
0x65: {  	s0 =	simm.s32 @!p0 $0x2  }
0x66: {  	_ =	swait.ge @!p0 [sflag:s0], s1  }
0x67: {  	s1 =	ssub.s32 @!p0 $0x0, s1;
	[sflag:s0] =	ssyncset.done @!p0 $0x0  }
0x68: {  	[sflag:s0] =	ssyncadd.s32 @!p0 s1  }
0x69: {  	[bflag:$0x3] =	sbarrier.arrive $0xFFFF  }
0x6a: {  	_ =	shalt  }

// kernel: kernel.19.cloned.1.call-start
scs
__scs_entry_jumppad:
0x0: {  	(pc) =	sbr.rel $0x88, $3  }
0x1: {  	(tag) =	ssettag $0x0;
	lr =	simm.s32 $0x1  }
0x2: {  	[smem:$0x3F94] =	sst lr;
	_ =	strace $0xD0000000  }
0x3: {  	_ = 	snop  }
0x4: {  	_ = 	snop  }
0x5: {  	_ = 	snop  }
0x6: {  	_ = 	snop  }
0x7: {  	_ = 	snop  }
__scs_overlays_trampoline_lowered:
0x8: {  	[smem:$0x3FA3] =	sst s0  }
0x9: {  	[smem:$0x3FA4] =	sst s1  }
0xa: {  	[smem:$0x3FA5] =	sst s2  }
0xb: {  	[smem:$0x3FA6] =	sst s3  }
0xc: {  	[smem:$0x3FA7] =	sst s4  }
0xd: {  	[smem:$0x3FA8] =	sst s5  }
0xe: {  	[smem:$0x3FA9] =	sst s6  }
0xf: {  	[smem:$0x3FAA] =	sst s7  }
0x10: {  	[smem:$0x3FAB] =	sst s8  }
0x11: {  	[smem:$0x3FAC] =	sst s9;
	s0 =	simm.s32 @!p0 $0x0  }
0x12: {  	s1 =	sld [smem:$0x3F92];
	s0 =	simm.s32 @p0 $0x1  }
0x13: {  	[smem:$0x3FAD] =	sst s0;
	s0 =	simm.s32 @!p1 $0x0  }
0x14: {  	s2 =	sld [smem:$0x3F91];
	s0 =	simm.s32 @p1 $0x1  }
0x15: {  	[smem:$0x3FAE] =	sst s0;
	s0 =	simm.s32 @!p2 $0x0  }
0x16: {  	s3 =	sld [smem:$0x3FDB];
	s0 =	simm.s32 @p2 $0x1  }
0x17: {  	s4 =	simm.s32 $0x1BF5;
	[smem:$0x3FB0] =	sst s0  }
0x18: {  	s0 =	sld [smem:$0x3F93];
	_ =	swait.ge [sflag:s4], $0x0  }
0x19: {  	s7 =	sld [smem:$0x3F94]  }
0x1a: {  	s8 =	sadd.s32 $0xFFFFE003, lr  }
0x1b: {  	s9 =	sadd.s32 $0xFFFFFEF7, lr;
	s5 =	simm.s32 $0xFFFFFFFF;
	p2 =	slt.u32 s8, $0xFFFFF086  }
0x1c: {  	p1 =	slt.u32 s9, $0xF7A;
	s5 =	simm.s32 @!p2 $0x0  }
0x1d: {  	s5 =	simm.s32 @p1 $0x1;
	p0 =	seq.s32 s7, s2  }
0x1e: {  	s7 =	smul.u32 @!p0 $0xF7A, s2;
	p2 =	seq.s32 @!p0 s5, $0x0  }
0x1f: {  	s9 =	smul.u32 $0xF7A, s1;
	s8 =	simm.s32 @!p0 $0x1BF5;
	p2 =	por !p2, p0  }
0x20: {  	[sflag:s8] =	ssyncset.s32 @!p0 $0xFFFFF086;
	s6 =	sadd.s32 @!p0 s3, s7;
	s7 =	simm.s32 @!p0 $0x108  }
0x21: {  	s3 =	sadd.s32 s3, s9;
	s6 =	sadd.s32 @!p0 $0x88, s6;
	s7 =	simm.s32 @p2 $0x1082  }
0x22: {  	[simem:s7], [sflag:s8] =	dma.local @!p0 [hbm:s6], $0xF7A  }
0x23: {  	s9 =	sor.u32 $0xD0000000, s2;
	s6 =	simm.s32 $0x108;
	_ =	swait.ge @!p0 [sflag:s8], $0x0  }
0x24: {  	s3 =	sadd.s32 $0x88, s3;
	s6 =	simm.s32 @!p1 $0x1082;
	[sflag:s4] =	ssyncset.s32 $0xFFFFF086  }
0x25: {  	[simem:s6], [sflag:s4] =	dma.local [hbm:s3], $0xF7A  }
0x26: {  	[smem:$0x3F94] =	sst s1;
	(tag) =	ssettag s2;
	_ =	strace s9  }
0x27: {  	s1 =	sld [smem:$0x3FA4]  }
0x28: {  	s2 =	sld [smem:$0x3FA5]  }
0x29: {  	s4 =	sld [smem:$0x3FA7]  }
0x2a: {  	p0 =	seq.s32 s5, $0x0;
	s5 =	sld [smem:$0x3FA8]  }
0x2b: {  	s6 =	sld [smem:$0x3FA9]  }
0x2c: {  	s7 =	sld [smem:$0x3FAA]  }
0x2d: {  	s3 =	simm.s32 $0x108;
	s8 =	sld [smem:$0x3FAB]  }
0x2e: {  	s3 =	simm.s32 @!p0 $0x1082;
	s9 =	sld [smem:$0x3FAC]  }
0x2f: {  	lr =	sadd.s32 s0, s3;
	s0 =	sld [smem:$0x3FA3]  }
0x30: {  	s3 =	sld [smem:$0x3FA6]  }
0x31: {  	[smem:$0x3FAF] =	sst s10  }
0x32: {  	s10 =	sld [smem:$0x3FAD];
	_ =	sdelay $0x3  }
0x33: {  	p0 =	seq.s32 s10, $0x1;
	s10 =	sld [smem:$0x3FAF];
	_ =	sdelay $0x3  }
0x34: {  	[smem:$0x3FAF] =	sst s10  }
0x35: {  	s10 =	sld [smem:$0x3FAE];
	_ =	sdelay $0x3  }
0x36: {  	p1 =	seq.s32 s10, $0x1;
	s10 =	sld [smem:$0x3FAF];
	_ =	sdelay $0x3  }
0x37: {  	[smem:$0x3FAF] =	sst s10  }
0x38: {  	s10 =	sld [smem:$0x3FB0]  }
0x39: {  	_ = 	snop;
	(pc) =	sbr.ind lr, $3  }
0x3a: {  	_ = 	snop  }
0x3b: {  	_ = 	snop  }
0x3c: {  	p2 =	seq.s32 s10, $0x1;
	s10 =	sld [smem:$0x3FAF]  }
0x3d: {  	_ =	shalt  }
0x3e: {  	_ =	shalt  }
0x3f: {  	_ =	shalt  }
0x40: {  	_ =	shalt  }
0x41: {  	_ =	shalt  }
0x42: {  	_ =	shalt  }
0x43: {  	_ =	shalt  }
0x44: {  	_ =	shalt  }
0x45: {  	_ =	shalt  }
0x46: {  	_ =	shalt  }
0x47: {  	_ =	shalt  }
0x48: {  	_ =	shalt  }
0x49: {  	_ =	shalt  }
0x4a: {  	_ =	shalt  }
0x4b: {  	_ =	shalt  }
0x4c: {  	_ =	shalt  }
0x4d: {  	_ =	shalt  }
0x4e: {  	_ =	shalt  }
0x4f: {  	_ =	shalt  }
0x50: {  	_ =	shalt  }
0x51: {  	_ =	shalt  }
0x52: {  	_ =	shalt  }
0x53: {  	_ =	shalt  }
0x54: {  	_ =	shalt  }
0x55: {  	_ =	shalt  }
0x56: {  	_ =	shalt  }
0x57: {  	_ =	shalt  }
0x58: {  	_ =	shalt  }
0x59: {  	_ =	shalt  }
0x5a: {  	_ =	shalt  }
0x5b: {  	_ =	shalt  }
0x5c: {  	_ =	shalt  }
0x5d: {  	_ =	shalt  }
0x5e: {  	_ =	shalt  }
0x5f: {  	_ =	shalt  }
0x60: {  	_ =	shalt  }
0x61: {  	_ =	shalt  }
0x62: {  	_ =	shalt  }
0x63: {  	_ =	shalt  }
0x64: {  	_ =	shalt  }
0x65: {  	_ =	shalt  }
0x66: {  	_ =	shalt  }
0x67: {  	_ =	shalt  }
0x68: {  	_ =	shalt  }
0x69: {  	_ =	shalt  }
0x6a: {  	_ =	shalt  }
0x6b: {  	_ =	shalt  }
0x6c: {  	_ =	shalt  }
0x6d: {  	_ =	shalt  }
0x6e: {  	_ =	shalt  }
0x6f: {  	_ =	shalt  }
0x70: {  	_ =	shalt  }
0x71: {  	_ =	shalt  }
0x72: {  	_ =	shalt  }
0x73: {  	_ =	shalt  }
0x74: {  	_ =	shalt  }
0x75: {  	_ =	shalt  }
0x76: {  	_ =	shalt  }
0x77: {  	_ =	shalt  }
0x78: {  	_ =	shalt  }
0x79: {  	_ =	shalt  }
0x7a: {  	_ =	shalt  }
0x7b: {  	_ =	shalt  }
0x7c: {  	_ =	shalt  }
0x7d: {  	_ =	shalt  }
0x7e: {  	_ =	shalt  }
0x7f: {  	_ =	shalt  }
0x80: {  	_ =	shalt  }
0x81: {  	_ =	shalt  }
0x82: {  	_ =	shalt  }
0x83: {  	_ =	shalt  }
0x84: {  	_ =	shalt  }
0x85: {  	_ =	shalt  }
0x86: {  	_ =	shalt  }
0x87: {  	_ =	shalt  }
.Lfunc_end0:
.L_simem_size_0:
called_computation.3_lowered:
.L_overlay_start_0:
0x88: {  	s2 =	sld [smem:$0x3FD9]  }
0x89: {  	s3 =	sld [smem:$0x3FFE];
	_ =	sdelay $0x1  }
0x8a: {  	s1 =	srdreg.scid  }
0x8b: {  	s0 =	sand.u32 $0x1, s1  }
0x8c: {  	s16 =	sshll.u32 s0, $0xA;
	s2 =	sadd.s32 s3, s2  }
0x8d: {  	s2 =	sadd.s32 s2, s16  }
0x8e: {  	[smem:$0x3FBB] =	sst s2  }
0x8f: {  	_ = 	snop  }
0x90: {  	(tm) =	ssettm $0x1  }
0x91: {  	s17 =	sld [smem:$0x3FFB];
	_ =	sdelay $0x3  }
0x92: {  	_ =	strace s17  }
0x93: {  	s2 =	sld [smem:$0x3FFC];
	_ =	sdelay $0x3  }
0x94: {  	_ =	strace s2  }
0x95: {  	s2 =	sld [smem:$0x3FFD];
	_ =	sdelay $0x3  }
0x96: {  	_ =	strace s2  }
0x97: {  	_ =	strace $0x8FFFFFFF  }
0x98: {  	s18 =	sld [smem:$0x3FDB];
	_ =	sdelay $0x1  }
0x99: {  	s19 =	simm.s32 $_scs_section_size  }
0x9a: {  	s4 =	simm.s32 $_size__tile_overlayer_lowered;
	s5 =	simm.s32 $_tile_overlayer_lowered  }
0x9b: {  	s22 =	simm.s32 $0x1BFF;
	s21 =	sshll.u32 s5, $0x1;
	s2 =	sadd.s32 s19, s18  }
0x9c: {  	s6 =	simm.s32 $0x0;
	s20 =	sshll.u32 s4, $0x1;
	s4 =	sadd.s32 s21, s2  }
0x9d: {  	[timem:s6], [sflag:s22] =	dma.local [hbm:s4], s20  }
0x9e: {  	_ =	swait.ge [sflag:s22], s20  }
0x9f: {  	s3 =	ssub.s32 $0x0, s20;
	[sflag:s22] =	ssyncset.done $0x0  }
0xa0: {  	[sflag:s22] =	ssyncadd.s32 s3;
	_ =	sdelay $0x1  }
0xa1: {  	s23 =	simm.s32 $0x1B8B  }
0xa2: {  	_ =	swait.ge [sflag:s23], $0x1  }
0xa3: {  	[sflag:s23] =	ssyncset.done $0x0  }
0xa4: {  	s25 =	simm.s32 $0x1B8E;
	s24 =	sld [smem:$0x3FFE];
	[sflag:s23] =	ssyncadd.s32 $0xFFFFFFFF  }
0xa5: {  	s26 =	simm.s32 $execute0_lowered;
	[smem:$0x3FD2] =	sst s25  }
0xa6: {  	s4 =	sshll.u32 s26, $0x1;
	_ =	strace $0x8000004F;
	[dreg:$0x1] =	wrdreg $0xFFFFFFFF  }
0xa7: {  	s28 =	simm.s32 $_size_execute0_lowered;
	s2 =	sadd.s32 s2, s4;
	[dreg:$0x0] =	wrdreg $0x0  }
0xa8: {  	s4 =	sshll.u32 s28, $0x1;
	[dreg:$0x2] =	wrdreg s2  }
0xa9: {  	[dreg:$0x3] =	wrdreg s4  }
0xaa: {  	[dreg:$0x4] =	wrdreg $0xC0  }
0xab: {  	_ =	task [dreg:s6], $0x5FFFF  }
0xac: {  	[dreg:$0x1] =	wrdreg $0xFFFFFFFF  }
0xad: {  	[dreg:$0x0] =	wrdreg $0x60  }
0xae: {  	[dreg:$0x2] =	wrdreg s24  }
0xaf: {  	[dreg:$0x3] =	wrdreg $0x90000  }
0xb0: {  	[dreg:$0x4] =	wrdreg $0x9  }
0xb1: {  	_ =	task.clear_ibuf [dreg:s6], $0x5FFFF;
	_ =	strace $0x9000004F  }
0xb2: {  	s29 =	simm.s32 $0x9;
	_ =	strace $0x80000051  }
0xb3: {  	_ =	swait.ge [sflag:s29], $0x1  }
0xb4: {  	[sflag:s29] =	ssyncadd.s32 $0xFFFFFFFF  }
0xb5: {  	_ =	strace $0x90000051  }
0xb6: {  	_ =	sfence  }
0xb7: {  	s30 =	sld [smem:$0x0];
	_ =	sdelay $0x2  }
0xb8: {  	s31 =	sshll.u32 s1, $0xD;
	s1 =	sshrl.u32 s1, $0x2  }
0xb9: {  	s3 =	sand.u32 $0x4000, s31;
	s1 =	sadd.s32 s1, s30  }
0xba: {  	s0 =	sor.u32 s3, s0;
	s1 =	sshll.u32 s1, $0x11  }
0xbb: {  	s0 =	sor.u32 s1, s0  }
0xbc: {  	s0 =	sadd.s32 $0x8F2B, s0  }
0xbd: {  	[sflag:s0] =	ssyncadd.remote.s32 $0x1  }
0xbe: {  	_ =	sfence.sel $0xFFFF  }
0xbf: {  	[dreg:$0x0] =	wrdreg $0xFFFFFFFF;
	(pc) =	sbr.abs _section_cstart, $3  }
0xc0: {  	[dreg:$0x1] =	wrdreg $0xFFFFFFFF  }
0xc1: {  	_ =	task.clear_ibuf [dreg:s6], $0x2FFFF;
	_ =	strace $0x9FFFFFFF  }
0xc2: {  	(tm) =	ssettm $0x7FFFFFFF  }
0xc3: {  	_ =	shalt  }
tec
execute0_lowered:
.L_overlay_start_1:
0x0: {  	(tag) =	ssettag $0x1  }
0x1: {  	s0 =	srdreg.scid;
	s6 =	rddreg [dreg:$0x0]  }
0x2: {  	s2 =	rddreg [dreg:$0x1];
	s3 =	simm.s32 $0x0;
	s14 =	simm.s32 $0x5000  }
0x3: {  	s15 =	simm.s32 $0x2;
	s16 =	simm.s32 $0x2800;
	s5 =	sand.u32 $0x1, s0  }
0x4: {  	s17 =	simm.s32 $0x80;
	s0 =	stileid.u32;
	s7 =	smul.u32 $0x140000, s5  }
0x5: {  	s18 =	simm.s32 $0x1;
	[smem:$0x7FF] =	sst s3;
	s8 =	smul.u32 $0x14000, s0  }
0x6: {  	s1 =	sshll.u32 s5, $0x4;
	s9 =	smul.u32 $0x50000, s0;
	s29 =	ssub.s32 $0x2, s5  }
0x7: {  	s19 =	sshll.u32 s0, $0x6;
	s1 =	sor.u32 s0, s1;
	s31 =	sshrl.u32 s29, $0x1  }
0x8: {  	s19 =	sor.u32 $0x1C02, s19;
	s4 =	smul.u32 $0x500, s1;
	s1 =	rddreg [dreg:$0x2]  }
0x9: {  	_ =	strace $0x80000050;
	s7 =	sadd.s32 s8, s7;
	s30 =	sshrl.u32 s9, $0x2  }
0xa: {  	s13 =	ssub.s32 s29, s31;
	s7 =	sshrl.u32 s7, $0x3;
	s5 =	sadd.s32 s30, s2  }
0xb: {  	s13 =	smax.u32 s13, $0x1;
	s11 =	sadd.s32 s4, s6;
	s4 =	sadd.s32 $0x41A00, s6  }
0xc: {  	s12 =	sadd.s32 s7, s6;
	s6 =	sadd.s32 $0x4000, s5;
	s7 =	sadd.s32 $0x8000, s5  }
0xd: {  	s8 =	sadd.s32 $0xC000, s5;
	s9 =	sadd.s32 $0x10000, s5;
	s20 =	sshrl.u32 s5, $0x3  }
0xe: {  	v0 =	vimm.f32 $0.0e+00;
	s10 =	sadd.s32 $0x5A00, s11;
	s11 =	sadd.s32 $0xFA00, s11;
	s12 =	sadd.s32 $0x91A00, s12  }
.LBB2_1:
0xf: {  	s21 =	simm.s32 $0x0;
	s22 =	simm.s32 $0x200  }
.LBB2_2:
0x10: {  	p0 =	sne.s32 s22, $0xFE00;
	[tilespmem:s21+$0x5070] =	vst v0  }
0x11: {  	[tilespmem:s21+$0x5000] =	vst v0  }
0x12: {  	[tilespmem:s21+$0x5010] =	vst v0  }
.Ltmp0:
0x13: {  	[tilespmem:s21+$0x5020] =	vst v0;
	(pc) =	sbr.rel @p0 .LBB2_2-.Ltmp0, $4  }
0x14: {  	[tilespmem:s21+$0x5030] =	vst v0  }
0x15: {  	[tilespmem:s21+$0x5040] =	vst v0  }
0x16: {  	[tilespmem:s21+$0x5050] =	vst v0  }
0x17: {  	[tilespmem:s21+$0x5060] =	vst v0;
	s21 =	sshra.s32 s22, $0x2;
	s22 =	sadd.s32 $0x200, s22  }
0x18: {  	[tilespmem:s21+$0x5070] =	vst v0  }
0x19: {  	[tilespmem:s21+$0x5000] =	vst v0  }
0x1a: {  	[tilespmem:s21+$0x5010] =	vst v0  }
0x1b: {  	[tilespmem:s21+$0x5020] =	vst v0  }
0x1c: {  	[tilespmem:s21+$0x5030] =	vst v0  }
0x1d: {  	[tilespmem:s21+$0x5040] =	vst v0  }
0x1e: {  	[tilespmem:s21+$0x5050] =	vst v0  }
0x1f: {  	[tilespmem:s21+$0x5060] =	vst v0  }
0x20: {  	[spmem:s5] =	stream.linear.scatter [tilespmem:s14], [sflag:$0x2], $0x4000, $0x38;
	[tilespmem:$0x1D000] =	vst v63  }
0x21: {  	_ =	swait.ge [sflag:s15], $0x4000  }
0x22: {  	[sflag:s15] =	ssyncset.done $0x0  }
0x23: {  	[sflag:s15] =	ssyncadd.s32 $0xFFFFC000  }
0x24: {  	[spmem:s6] =	stream.linear.scatter [tilespmem:s14], [sflag:$0x2], $0x4000, $0x38;
	[tilespmem:$0x1D000] =	vst v63  }
0x25: {  	_ =	swait.ge [sflag:s15], $0x4000  }
0x26: {  	[sflag:s15] =	ssyncset.done $0x0  }
0x27: {  	[sflag:s15] =	ssyncadd.s32 $0xFFFFC000  }
0x28: {  	[spmem:s7] =	stream.linear.scatter [tilespmem:s14], [sflag:$0x2], $0x4000, $0x38;
	[tilespmem:$0x1D000] =	vst v63  }
0x29: {  	_ =	swait.ge [sflag:s15], $0x4000  }
0x2a: {  	[sflag:s15] =	ssyncset.done $0x0  }
0x2b: {  	[sflag:s15] =	ssyncadd.s32 $0xFFFFC000  }
0x2c: {  	[spmem:s8] =	stream.linear.scatter [tilespmem:s14], [sflag:$0x2], $0x4000, $0x38;
	[tilespmem:$0x1D000] =	vst v63  }
0x2d: {  	_ =	swait.ge [sflag:s15], $0x4000  }
0x2e: {  	[sflag:s15] =	ssyncset.done $0x0  }
0x2f: {  	[sflag:s15] =	ssyncadd.s32 $0xFFFFC000  }
0x30: {  	[spmem:s9] =	stream.linear.scatter [tilespmem:s14], [sflag:$0x2], $0x4000, $0x38;
	[tilespmem:$0x1D000] =	vst v63  }
0x31: {  	_ =	swait.ge [sflag:s15], $0x4000  }
0x32: {  	[sflag:s15] =	ssyncset.done $0x0  }
0x33: {  	s29 =	simm.s32 $0x0;
	[sflag:s15] =	ssyncadd.s32 $0xFFFFC000  }
0x34: {  	[tilespmem:s29], [sflag:$0x2] =	stream.linear.gather [hbm4b:s10+s29], $0x2800, $0x38;
	[tilespmem:$0x1D000] =	vst v63  }
0x35: {  	_ =	swait.ge [sflag:s15], $0x2800  }
0x36: {  	[sflag:s15] =	ssyncset.done $0x0  }
0x37: {  	[sflag:s15] =	ssyncadd.s32 $0xFFFFD800  }
0x38: {  	[tilespmem:s16], [sflag:$0x2] =	stream.linear.gather [hbm4b:s11+s29], $0x2800, $0x38;
	[tilespmem:$0x1D000] =	vst v63  }
0x39: {  	_ =	swait.ge [sflag:s15], $0x2800  }
0x3a: {  	[sflag:s15] =	ssyncset.done $0x0  }
0x3b: {  	[sflag:s15] =	ssyncadd.s32 $0xFFFFD800  }
0x3c: {  	s30 =	simm.s32 $0x0;
	[bflag:$0x0] =	sbarrier.arrive $0xFFFF  }
0x3d: {  	[tilespmem:s14], [sflag:$0x1] =	stream.indirect.gather [hbm4b:s4+s17], $0x80, s30, s17, $0xb8;
	[tilespmem:$0x1D000] =	vst v63  }
0x3e: {  	_ =	swait.ge [sflag:s18], $0x4000  }
0x3f: {  	[sflag:s18] =	ssyncset.done $0x0  }
0x40: {  	s31 =	simm.s32 $0x2800;
	[sflag:s18] =	ssyncadd.s32 $0xFFFFC000  }
0x41: {  	[spmem:s2] =	stream.indirect.scatter.add.f32 [tilespmem:s14], [sflag:$0x2], $0x80, s31, s17, $0xb8;
	[tilespmem:$0x1D000] =	vst v63  }
0x42: {  	_ =	swait.ge [sflag:s15], $0x4000  }
0x43: {  	s21 =	simm.s32 $0x200;
	s22 =	simm.s32 $0x400;
	[sflag:s15] =	ssyncset.done $0x0  }
.LBB2_4:
0x44: {  	s23 =	sshra.s32 s21, $0x2  }
0x45: {  	[sflag:s15] =	ssyncadd.s32 $0xFFFFC000;
	s21 =	smov.u32 s22;
	s24 =	sadd.s32 $0x200, s22  }
0x46: {  	[tilespmem:s14], [sflag:$0x1] =	stream.indirect.gather [hbm4b:s4+s17], $0x80, s23, s17, $0xb8;
	[tilespmem:$0x1D000] =	vst v63  }
0x47: {  	p0 =	sne.s32 s22, $0x9E00;
	_ =	swait.ge [sflag:s18], $0x4000  }
.Ltmp1:
0x48: {  	[sflag:s18] =	ssyncset.done $0x0;
	(pc) =	sbr.rel @p0 .LBB2_4-.Ltmp1, $4  }
0x49: {  	s22 =	sadd.s32 $0x2800, s23;
	[sflag:s18] =	ssyncadd.s32 $0xFFFFC000  }
0x4a: {  	[spmem:s2] =	stream.indirect.scatter.add.f32 [tilespmem:s14], [sflag:$0x2], $0x80, s22, s17, $0xb8;
	[tilespmem:$0x1D000] =	vst v63  }
0x4b: {  	_ =	swait.ge [sflag:s15], $0x4000  }
0x4c: {  	s22 =	smov.u32 s24;
	[sflag:s15] =	ssyncset.done $0x0  }
0x4d: {  	s21 =	sshra.s32 s21, $0x2;
	[sflag:s15] =	ssyncadd.s32 $0xFFFFC000  }
0x4e: {  	[tilespmem:s14], [sflag:$0x1] =	stream.indirect.gather [hbm4b:s4+s17], $0x80, s21, s17, $0xb8;
	[tilespmem:$0x1D000] =	vst v63  }
0x4f: {  	_ =	swait.ge [sflag:s18], $0x4000  }
0x50: {  	[sflag:s18] =	ssyncset.done $0x0  }
0x51: {  	s21 =	sadd.s32 $0x2800, s21;
	[sflag:s18] =	ssyncadd.s32 $0xFFFFC000  }
0x52: {  	[spmem:s2] =	stream.indirect.scatter.add.f32 [tilespmem:s14], [sflag:$0x2], $0x80, s21, s17, $0xb8;
	[tilespmem:$0x1D000] =	vst v63  }
0x53: {  	_ =	swait.ge [sflag:s15], $0x4000  }
0x54: {  	s3 =	sadd.s32 $0x1, s3;
	[sflag:s15] =	ssyncset.done $0x0  }
0x55: {  	p0 =	sne.s32 s3, s13;
	[sflag:s15] =	ssyncadd.s32 $0xFFFFC000  }
.Ltmp2:
0x56: {  	[bflag:$0x0] =	sbarrier.arrive $0xFFFF;
	(pc) =	sbr.rel @p0 .LBB2_1-.Ltmp2, $4  }
0x57: {  	[hbm:s12], [sflag:s19] =	dma.local [spmem:s20], $0x2800  }
0x58: {  	_ =	swait.ge [sflag:s15], $0x2800  }
0x59: {  	[sflag:s15] =	ssyncset.done $0x0  }
0x5a: {  	[sflag:s15] =	ssyncadd.s32 $0xFFFFD800  }
0x5b: {  	_ =	sfence.sel $0x180000  }
0x5c: {  	[bflag:$0x0] =	sbarrier.arrive $0xFFFF  }
0x5d: {  	p0 =	sne.s32 s0, $0x0;
	_ =	strace $0x90000050  }
0x5e: {  	s0 =	sadd.s32 @!p0 $0x100000, s1;
	[bflag:$0x2] =	sbarrier.arrive $0xFFFF  }
0x5f: {  	[sflag:s0] =	ssyncadd.tile.s32 @!p0 $0x1;
	_ =	shalt  }
.Lfunc_end2:
_tile_overlayer_lowered:
.L_overlay_start_2:
0x60: {  	(tag) =	ssettag $0x2  }
0x61: {  	s0 =	rddreg [dreg:$0x0];
	s2 =	stileid.u32  }
0x62: {  	s1 =	rddreg [dreg:$0x1];
	p0 =	sne.s32 s2, $0x0  }
0x63: {  	s3 =	rddreg [dreg:$0x2];
	[bflag:$0x3] =	sbarrier.arrive $0xFFFF;
	s2 =	simm.s32 @!p0 $0x1C02  }
0x64: {  	[timem:s3], [sflag:s2] =	dma.local @!p0 [hbm:s0], s1  }
0x65: {  	s0 =	simm.s32 @!p0 $0x2  }
0x66: {  	_ =	swait.ge @!p0 [sflag:s0], s1  }
0x67: {  	s1 =	ssub.s32 @!p0 $0x0, s1;
	[sflag:s0] =	ssyncset.done @!p0 $0x0  }
0x68: {  	[sflag:s0] =	ssyncadd.s32 @!p0 s1  }
0x69: {  	[bflag:$0x3] =	sbarrier.arrive $0xFFFF  }
0x6a: {  	_ =	shalt  }

</sc_bundles>
